<compile_context>
chip_gen: v7x
topology: tpu7x:2x2x1
jax: 0.10.2.dev20260603
libtpu: 0.0.44.dev20260713+nightly
codegen_flags: <defaults>
</compile_context>

<pallas_src>
import functools

import jax
import jax.numpy as jnp
from jax import lax
from jax.experimental import pallas as pl
from jax.experimental.pallas import tpu as pltpu
from jax.experimental.pallas import tpu_sc as plsc

NC = 2
NS = 16
NW = NC * NS
CHUNK = 128


def _round_up(v, m):
    return (v + m - 1) // m * m


@functools.partial(jax.jit, static_argnames=("n", "np_", "npt", "cpwf", "cpws"))
def _gcn_pallas(x, ei, W2, b2, Wc, bc, n, np_, npt, cpwf, cpws):
    _, D = x.shape
    N = n
    H = W2.shape[1]
    C = Wc.shape[1]
    E = ei.shape[1]
    NP = np_
    NPT = npt
    CPWF = cpwf
    CPWS = cpws
    LF = CPWF * CHUNK
    LS = CPWS * CHUNK
    E0 = NS * LF
    LTAIL = E - E0 - (NS - 1) * LS
    NWT = LTAIL // CHUNK
    assert 0 < LTAIL <= LS and LTAIL % CHUNK == 0 and NWT % 2 == 0

    mesh = plsc.VectorSubcoreMesh(core_axis_name="c", subcore_axis_name="s")

    def _stage_edges(ei_hbm, stage):
        c = lax.axis_index("c")
        s = lax.axis_index("s")

        @pl.when(c == 0)
        def _():
            pltpu.sync_copy(ei_hbm.at[:, pl.ds(s * LF, LF)], stage)

        @pl.when(jnp.logical_and(c != 0, s != NS - 1))
        def _():
            pltpu.sync_copy(ei_hbm.at[:, pl.ds(E0 + s * LS, LS)],
                            stage.at[:, pl.ds(0, LS)])

        @pl.when(jnp.logical_and(c != 0, s == NS - 1))
        def _():
            pltpu.sync_copy(ei_hbm.at[:, pl.ds(E0 + (NS - 1) * LS, LTAIL)],
                            stage.at[:, pl.ds(0, LTAIL)])

        return jnp.where(c == 0, CPWF,
                         jnp.where(s == NS - 1, NWT, CPWS))

    @functools.partial(
        pl.kernel,
        out_type=jax.ShapeDtypeStruct((NC, NP), jnp.float32),
        mesh=mesh,
        scratch_types=[
            pltpu.VMEM((2, LF), jnp.int32),
            pltpu.VMEM((CHUNK,), jnp.float32),
            pltpu.VMEM((NPT,), jnp.float32),
            pltpu.VMEM_SHARED((NP,), jnp.float32),
        ],
    )
    def deg_kernel(ei_hbm, out_hbm, idxs, ones_v, stage, deg_sh):
        c = lax.axis_index("c")
        s = lax.axis_index("s")
        nw = _stage_edges(ei_hbm, idxs)
        for i in range(CHUNK // 16):
            ones_v[pl.ds(i * 16, 16)] = jnp.full((16,), 1.0, jnp.float32)
        for i in range(NPT // 16):
            stage[pl.ds(i * 16, 16)] = jnp.zeros((16,), jnp.float32)
        pltpu.sync_copy(stage, deg_sh.at[pl.ds(s * NPT, NPT)])
        plsc.subcore_barrier()

        @pl.loop(0, nw)
        def _(j):
            pltpu.sync_copy(
                ones_v, deg_sh.at[idxs.at[1, pl.ds(j * CHUNK, CHUNK)]],
                add=True)

        plsc.subcore_barrier()
        pltpu.sync_copy(deg_sh.at[pl.ds(s * NPT, NPT)], stage)
        pltpu.sync_copy(stage, out_hbm.at[c, pl.ds(s * NPT, NPT)])

    degp = deg_kernel(ei)
    d0 = degp[0].reshape(NP, 1)
    d1 = degp[1].reshape(NP, 1)

    GB = 8
    RB = NP // GB
    HH = H // 2
    W2s = W2.reshape(D, 2, HH).transpose(1, 0, 2)

    def tc1_body(x_ref, w_ref, d0_ref, d1_ref, g_ref):
        dinv = lax.rsqrt(d0_ref[...] + d1_ref[...] + 1.0)
        xb = x_ref[...]
        g_ref[0] = jnp.dot(xb, w_ref[0],
                           preferred_element_type=jnp.float32) * dinv
        g_ref[1] = jnp.dot(xb, w_ref[1],
                           preferred_element_type=jnp.float32) * dinv

    g2 = pl.pallas_call(
        tc1_body,
        grid=(GB,),
        in_specs=[
            pl.BlockSpec((RB, D), lambda i: (i, 0)),
            pl.BlockSpec((2, D, HH), lambda i: (0, 0, 0)),
            pl.BlockSpec((RB, 1), lambda i: (i, 0)),
            pl.BlockSpec((RB, 1), lambda i: (i, 0)),
        ],
        out_specs=pl.BlockSpec((2, RB, HH), lambda i: (0, i, 0)),
        out_shape=jax.ShapeDtypeStruct((2, NP, HH), jnp.float32),
    )(x, W2s, d0, d1)

    @functools.partial(
        pl.kernel,
        out_type=jax.ShapeDtypeStruct((2, NC, NP, HH), jnp.float32),
        mesh=mesh,
        compiler_params=pltpu.CompilerParams(use_tc_tiling_on_sc=False),
        scratch_types=[
            pltpu.VMEM((2, LF), jnp.int32),
            pltpu.VMEM((CHUNK, HH), jnp.float32),
            pltpu.VMEM((CHUNK, HH), jnp.float32),
            pltpu.VMEM_SHARED((NP, HH), jnp.float32),
            pltpu.SemaphoreType.DMA,
            pltpu.SemaphoreType.DMA,
        ],
    )
    def agg_kernel(g2_hbm, ei_hbm, o_hbm,
                   eidx, r0, r1, agg_sh, sem0, sem1):
        c = lax.axis_index("c")
        s = lax.axis_index("s")
        nw = _stage_edges(ei_hbm, eidx)

        def sidx(j):
            return eidx.at[0, pl.ds(j * CHUNK, CHUNK)]

        def didx(j):
            return eidx.at[1, pl.ds(j * CHUNK, CHUNK)]

        for p in range(2):
            g_hbm = g2_hbm.at[p]
            out_hbm = o_hbm.at[p]
            @pl.loop(0, NPT // CHUNK)
            def _(i):
                base = s * NPT + i * CHUNK
                pltpu.sync_copy(g_hbm.at[pl.ds(base, CHUNK)], r0)
                pltpu.sync_copy(r0, agg_sh.at[pl.ds(base, CHUNK)])

            plsc.subcore_barrier()

            pltpu.async_copy(g_hbm.at[sidx(0)], r0, sem0)

            @pl.loop(0, nw, step=2)
            def _(j):
                pltpu.async_copy(g_hbm.at[sidx(j + 1)], r1, sem1)
                pltpu.make_async_copy(g_hbm.at[sidx(j)], r0, sem0).wait()
                pltpu.sync_copy(r0, agg_sh.at[didx(j)], add=True)

                @pl.when(j + 2 < nw)
                def _():
                    pltpu.async_copy(g_hbm.at[sidx(j + 2)], r0, sem0)

                pltpu.make_async_copy(g_hbm.at[sidx(j + 1)], r1,
                                      sem1).wait()
                pltpu.sync_copy(r1, agg_sh.at[didx(j + 1)], add=True)

            plsc.subcore_barrier()

            @pl.loop(0, NPT // CHUNK)
            def _(i):
                base = s * NPT + i * CHUNK
                pltpu.sync_copy(agg_sh.at[pl.ds(base, CHUNK)], r0)
                pltpu.sync_copy(r0, out_hbm.at[c, pl.ds(base, CHUNK)])

            plsc.subcore_barrier()

    o4 = agg_kernel(g2, ei)

    def tc2_body(a00, a01, a10, a11, ga_ref, gb_ref, d0_ref, d1_ref,
                 b2l, b2r, wcl, wcr, bc_ref, o_ref):
        dinv = lax.rsqrt(d0_ref[...] + d1_ref[...] + 1.0)
        pre_l = (a00[0, 0] + a01[0, 0] - ga_ref[0]) * dinv + b2l[...]
        pre_r = (a10[0, 0] + a11[0, 0] - gb_ref[0]) * dinv + b2r[...]
        pre_l = jnp.maximum(pre_l, 0.0)
        pre_r = jnp.maximum(pre_r, 0.0)
        acc = jnp.dot(pre_l, wcl[...], preferred_element_type=jnp.float32)
        acc += jnp.dot(pre_r, wcr[...], preferred_element_type=jnp.float32)
        o_ref[...] = acc + bc_ref[...]

    GB2 = 10
    RB2 = N // GB2

    def _ospec(p, cc):
        return pl.BlockSpec((1, 1, RB2, HH),
                            lambda i, p=p, cc=cc: (p, cc, i, 0))

    def _gspec(p):
        return pl.BlockSpec((1, RB2, HH), lambda i, p=p: (p, i, 0))

    out = pl.pallas_call(
        tc2_body,
        grid=(GB2,),
        in_specs=[
            _ospec(0, 0), _ospec(0, 1), _ospec(1, 0), _ospec(1, 1),
            _gspec(0), _gspec(1),
            pl.BlockSpec((RB2, 1), lambda i: (i, 0)),
            pl.BlockSpec((RB2, 1), lambda i: (i, 0)),
            pl.BlockSpec((1, HH), lambda i: (0, 0)),
            pl.BlockSpec((1, HH), lambda i: (0, 0)),
            pl.BlockSpec((HH, C), lambda i: (0, 0)),
            pl.BlockSpec((HH, C), lambda i: (0, 0)),
            pl.BlockSpec((1, C), lambda i: (0, 0)),
        ],
        out_specs=pl.BlockSpec((RB2, C), lambda i: (i, 0)),
        out_shape=jax.ShapeDtypeStruct((N, C), jnp.float32),
    )(o4, o4, o4, o4, g2, g2, d0, d1,
      b2[:HH].reshape(1, HH), b2[HH:].reshape(1, HH),
      Wc[:HH], Wc[HH:], bc.reshape(1, C))

    return out


FAST_FRAC = 0.5


def _split_counts(E):
    tch = -(-E // CHUNK)
    cpwf = _round_up(-(-int(tch * FAST_FRAC) // NS), 2)
    rem = max(E - NS * cpwf * CHUNK, 0)
    cpws = max(_round_up(-(-rem // (NS * CHUNK)), 2), 2)
    return cpwf, cpws


def kernel(x, edge_index, W2, b2, Wc, bc):
    N, D = x.shape
    H = W2.shape[1]
    C = Wc.shape[1]
    E = edge_index.shape[1]

    NP = _round_up(N + 1, NS * CHUNK)
    NPT = NP // NS
    CPWF, CPWS = _split_counts(E)

    ei = edge_index.astype(jnp.int32)
    xp = jnp.pad(x, ((0, NP - N), (0, 0)))
    return _gcn_pallas(xp, ei, W2, b2, Wc, bc, N, NP, NPT, CPWF, CPWS)

# --- scband reference (transcript-rebuilt; emitter-appended) ---
"""Pipeline reference for scband-gcntail-48936857370859 (READ-ONLY COPY).

The authoritative reference and input builder live on the scoring server;
editing this copy changes nothing except your own understanding.
"""

import jax, jax.numpy as jnp
import numpy as np

N, E, D, H, C = 10000, 320000, 128, 128, 40

def setup_inputs(seed: int = 0) -> dict:
    key = jax.random.key(seed)
    k1, k2, k3, k4, k5, k6 = jax.random.split(key, 6)
    x = jax.random.normal(k1, (N, D), dtype=jnp.float32)
    edge_index = jax.random.randint(k2, (2, E), 0, N)
    s = 1.0 / np.sqrt(H)
    W2 = jax.random.uniform(k3, (H, H), jnp.float32, -s, s)
    b2 = jax.random.uniform(k4, (H,), jnp.float32, -s, s)
    Wc = jax.random.uniform(k5, (H, C), jnp.float32, -s, s)
    bc = jax.random.uniform(k6, (C,), jnp.float32, -s, s)
    return {"x": x, "edge_index": edge_index, "W2": W2, "b2": b2, "Wc": Wc, "bc": bc}

def gcn_conv(x, edge_index, W, b):
    n = x.shape[0]
    loop = jnp.arange(n, dtype=edge_index.dtype)
    src = jnp.concatenate([edge_index[0], loop])
    dst = jnp.concatenate([edge_index[1], loop])
    deg = jnp.zeros((n,), jnp.float32).at[dst].add(1.0)
    dinv = jnp.where(deg > 0, jax.lax.rsqrt(deg), 0.0)
    norm = dinv[src] * dinv[dst]
    h = x @ W
    msg = h[src] * norm[:, None]
    out = jnp.zeros((n, W.shape[1]), jnp.float32).at[dst].add(msg)
    return out + b

def reference(x, edge_index, W2, b2, Wc, bc):
    # cut == 'c1': single GCNConv -> relu -> dropout(eval: identity) -> linear classifier
    h = gcn_conv(x, edge_index, W2, b2)
    h = jax.nn.relu(h)
    return h @ Wc + bc

if __name__ == "__main__":
    import jax
    _d = setup_inputs()
    print(jax.jit(kernel)(*tuple(_d.values())))

</pallas_src>

<mosaic_0001>
#map = affine_map<(d0, d1) -> (0, 0)>
module attributes {stable_mosaic.version = 14 : i64} {
  func.func @deg_kernel(%arg0: i32, %arg1: i32, %arg2: memref<2x320000xi32, #tpu.memory_space<hbm>>, %arg3: memref<2x10240xf32, #tpu.memory_space<hbm>>, %arg4: memref<2x10240xi32, #tpu.memory_space<vmem>>, %arg5: memref<128xf32, #tpu.memory_space<vmem>>, %arg6: memref<640xf32, #tpu.memory_space<vmem>>, %arg7: memref<10240xf32, #tpu.memory_space<vmem_shared>>) attributes {dimension_semantics = [#tpu.dimension_semantics<core_parallel>, #tpu.dimension_semantics<subcore_parallel>], iteration_bounds = array<i64: 2, 16>, scalar_prefetch = 0 : i64, scratch_operands = 4 : i64, tpu.core_type = #tpu.core_type<sc_vector_subcore>, window_params = [{transform_indices = #map}, {transform_indices = #map}]} {
    %eq3A = arith.constant 0 : i32
    %eq3A_0 = arith.cmpi eq, %arg0, %eq3A : i32
    %convert_element_type3A = arith.extui %eq3A_0 : i1 to i32
    %cond3A = arith.constant 0 : i32
    %cond3A_1 = arith.cmpi ne, %convert_element_type3A, %cond3A : i32
    scf.if %cond3A_1 {
      %mul3A_330 = arith.constant 10240 : i32
      %mul3A_331 = arith.muli %arg1, %mul3A_330 : i32
      "tpu.region"() ({
        %run_scoped3A = tpu.sem_alloc : memref<!tpu.dma_semaphore, #tpu.memory_space<semaphore_mem>>
        %dma_start3A = arith.constant 0 : i32
        %dma_start3A_332 = tpu.memref_slice %arg2[%dma_start3A, %mul3A_331] : memref<2x320000xi32, #tpu.memory_space<hbm>> -> memref<2x10240xi32, #tpu.memory_space<hbm>>
        %dma_start3A_333 = arith.constant 0 : i32
        %dma_start3A_334 = tpu.memref_slice %arg2[%dma_start3A_333, %mul3A_331] : memref<2x320000xi32, #tpu.memory_space<hbm>> -> memref<2x10240xi32, #tpu.memory_space<hbm>>
        tpu.enqueue_dma source(%dma_start3A_334 : memref<2x10240xi32, #tpu.memory_space<hbm>>) target(%arg4 : memref<2x10240xi32, #tpu.memory_space<vmem>>) target_semaphore(%run_scoped3A : memref<!tpu.dma_semaphore, #tpu.memory_space<semaphore_mem>>)
        %dma_wait3A = arith.constant 0 : i32
        %dma_wait3A_335 = tpu.memref_slice %arg2[%dma_wait3A, %mul3A_331] : memref<2x320000xi32, #tpu.memory_space<hbm>> -> memref<2x10240xi32, #tpu.memory_space<hbm>>
        %dma_wait3A_336 = arith.constant 0 : i32
        %dma_wait3A_337 = tpu.memref_slice %arg2[%dma_wait3A_336, %mul3A_331] : memref<2x320000xi32, #tpu.memory_space<hbm>> -> memref<2x10240xi32, #tpu.memory_space<hbm>>
        tpu.wait_dma2 semaphore(%run_scoped3A : memref<!tpu.dma_semaphore, #tpu.memory_space<semaphore_mem>>) src(%dma_wait3A_337 : memref<2x10240xi32, #tpu.memory_space<hbm>>) dst(%arg4 : memref<2x10240xi32, #tpu.memory_space<vmem>>)
        tpu.yield
      }) : () -> ()
    } else {
    }
    %ne3A = arith.constant 0 : i32
    %ne3A_2 = arith.cmpi ne, %arg0, %ne3A : i32
    %ne3A_3 = arith.constant 15 : i32
    %ne3A_4 = arith.cmpi ne, %arg1, %ne3A_3 : i32
    %and3A = arith.andi %ne3A_2, %ne3A_4 : i1
    %convert_element_type3A_5 = arith.extui %and3A : i1 to i32
    %cond3A_6 = arith.constant 0 : i32
    %cond3A_7 = arith.cmpi ne, %convert_element_type3A_5, %cond3A_6 : i32
    scf.if %cond3A_7 {
      %mul3A_330 = arith.constant 9984 : i32
      %mul3A_331 = arith.muli %arg1, %mul3A_330 : i32
      %add3A_332 = arith.constant 163840 : i32
      %add3A_333 = arith.addi %add3A_332, %mul3A_331 : i32
      "tpu.region"() ({
        %run_scoped3A = tpu.sem_alloc : memref<!tpu.dma_semaphore, #tpu.memory_space<semaphore_mem>>
        %dma_start3A = arith.constant 0 : i32
        %dma_start3A_334 = arith.constant 0 : i32
        %dma_start3A_335 = tpu.memref_slice %arg4[%dma_start3A, %dma_start3A_334] : memref<2x10240xi32, #tpu.memory_space<vmem>> -> memref<2x9984xi32, #tpu.memory_space<vmem>>
        %dma_start3A_336 = arith.constant 0 : i32
        %dma_start3A_337 = tpu.memref_slice %arg2[%dma_start3A_336, %add3A_333] : memref<2x320000xi32, #tpu.memory_space<hbm>> -> memref<2x9984xi32, #tpu.memory_space<hbm>>
        %dma_start3A_338 = arith.constant 0 : i32
        %dma_start3A_339 = arith.constant 0 : i32
        %dma_start3A_340 = tpu.memref_slice %arg4[%dma_start3A_338, %dma_start3A_339] : memref<2x10240xi32, #tpu.memory_space<vmem>> -> memref<2x9984xi32, #tpu.memory_space<vmem>>
        %dma_start3A_341 = arith.constant 0 : i32
        %dma_start3A_342 = tpu.memref_slice %arg2[%dma_start3A_341, %add3A_333] : memref<2x320000xi32, #tpu.memory_space<hbm>> -> memref<2x9984xi32, #tpu.memory_space<hbm>>
        tpu.enqueue_dma source(%dma_start3A_342 : memref<2x9984xi32, #tpu.memory_space<hbm>>) target(%dma_start3A_340 : memref<2x9984xi32, #tpu.memory_space<vmem>>) target_semaphore(%run_scoped3A : memref<!tpu.dma_semaphore, #tpu.memory_space<semaphore_mem>>)
        %dma_wait3A = arith.constant 0 : i32
        %dma_wait3A_343 = arith.constant 0 : i32
        %dma_wait3A_344 = tpu.memref_slice %arg4[%dma_wait3A, %dma_wait3A_343] : memref<2x10240xi32, #tpu.memory_space<vmem>> -> memref<2x9984xi32, #tpu.memory_space<vmem>>
        %dma_wait3A_345 = arith.constant 0 : i32
        %dma_wait3A_346 = tpu.memref_slice %arg2[%dma_wait3A_345, %add3A_333] : memref<2x320000xi32, #tpu.memory_space<hbm>> -> memref<2x9984xi32, #tpu.memory_space<hbm>>
        %dma_wait3A_347 = arith.constant 0 : i32
        %dma_wait3A_348 = arith.constant 0 : i32
        %dma_wait3A_349 = tpu.memref_slice %arg4[%dma_wait3A_347, %dma_wait3A_348] : memref<2x10240xi32, #tpu.memory_space<vmem>> -> memref<2x9984xi32, #tpu.memory_space<vmem>>
        %dma_wait3A_350 = arith.constant 0 : i32
        %dma_wait3A_351 = tpu.memref_slice %arg2[%dma_wait3A_350, %add3A_333] : memref<2x320000xi32, #tpu.memory_space<hbm>> -> memref<2x9984xi32, #tpu.memory_space<hbm>>
        tpu.wait_dma2 semaphore(%run_scoped3A : memref<!tpu.dma_semaphore, #tpu.memory_space<semaphore_mem>>) src(%dma_wait3A_351 : memref<2x9984xi32, #tpu.memory_space<hbm>>) dst(%dma_wait3A_349 : memref<2x9984xi32, #tpu.memory_space<vmem>>)
        tpu.yield
      }) : () -> ()
    } else {
    }
    %ne3A_8 = arith.constant 0 : i32
    %ne3A_9 = arith.cmpi ne, %arg0, %ne3A_8 : i32
    %eq3A_10 = arith.constant 15 : i32
    %eq3A_11 = arith.cmpi eq, %arg1, %eq3A_10 : i32
    %and3A_12 = arith.andi %ne3A_9, %eq3A_11 : i1
    %convert_element_type3A_13 = arith.extui %and3A_12 : i1 to i32
    %cond3A_14 = arith.constant 0 : i32
    %cond3A_15 = arith.cmpi ne, %convert_element_type3A_13, %cond3A_14 : i32
    scf.if %cond3A_15 {
      "tpu.region"() ({
        %run_scoped3A = tpu.sem_alloc : memref<!tpu.dma_semaphore, #tpu.memory_space<semaphore_mem>>
        %dma_start3A = arith.constant 0 : i32
        %dma_start3A_330 = arith.constant 0 : i32
        %dma_start3A_331 = tpu.memref_slice %arg4[%dma_start3A, %dma_start3A_330] : memref<2x10240xi32, #tpu.memory_space<vmem>> -> memref<2x6400xi32, #tpu.memory_space<vmem>>
        %dma_start3A_332 = arith.constant 0 : i32
        %dma_start3A_333 = arith.constant 313600 : i32
        %dma_start3A_334 = tpu.memref_slice %arg2[%dma_start3A_332, %dma_start3A_333] : memref<2x320000xi32, #tpu.memory_space<hbm>> -> memref<2x6400xi32, #tpu.memory_space<hbm>>
        %dma_start3A_335 = arith.constant 0 : i32
        %dma_start3A_336 = arith.constant 0 : i32
        %dma_start3A_337 = tpu.memref_slice %arg4[%dma_start3A_335, %dma_start3A_336] : memref<2x10240xi32, #tpu.memory_space<vmem>> -> memref<2x6400xi32, #tpu.memory_space<vmem>>
        %dma_start3A_338 = arith.constant 0 : i32
        %dma_start3A_339 = arith.constant 313600 : i32
        %dma_start3A_340 = tpu.memref_slice %arg2[%dma_start3A_338, %dma_start3A_339] : memref<2x320000xi32, #tpu.memory_space<hbm>> -> memref<2x6400xi32, #tpu.memory_space<hbm>>
        tpu.enqueue_dma source(%dma_start3A_340 : memref<2x6400xi32, #tpu.memory_space<hbm>>) target(%dma_start3A_337 : memref<2x6400xi32, #tpu.memory_space<vmem>>) target_semaphore(%run_scoped3A : memref<!tpu.dma_semaphore, #tpu.memory_space<semaphore_mem>>)
        %dma_wait3A = arith.constant 0 : i32
        %dma_wait3A_341 = arith.constant 0 : i32
        %dma_wait3A_342 = tpu.memref_slice %arg4[%dma_wait3A, %dma_wait3A_341] : memref<2x10240xi32, #tpu.memory_space<vmem>> -> memref<2x6400xi32, #tpu.memory_space<vmem>>
        %dma_wait3A_343 = arith.constant 0 : i32
        %dma_wait3A_344 = arith.constant 313600 : i32
        %dma_wait3A_345 = tpu.memref_slice %arg2[%dma_wait3A_343, %dma_wait3A_344] : memref<2x320000xi32, #tpu.memory_space<hbm>> -> memref<2x6400xi32, #tpu.memory_space<hbm>>
        %dma_wait3A_346 = arith.constant 0 : i32
        %dma_wait3A_347 = arith.constant 0 : i32
        %dma_wait3A_348 = tpu.memref_slice %arg4[%dma_wait3A_346, %dma_wait3A_347] : memref<2x10240xi32, #tpu.memory_space<vmem>> -> memref<2x6400xi32, #tpu.memory_space<vmem>>
        %dma_wait3A_349 = arith.constant 0 : i32
        %dma_wait3A_350 = arith.constant 313600 : i32
        %dma_wait3A_351 = tpu.memref_slice %arg2[%dma_wait3A_349, %dma_wait3A_350] : memref<2x320000xi32, #tpu.memory_space<hbm>> -> memref<2x6400xi32, #tpu.memory_space<hbm>>
        tpu.wait_dma2 semaphore(%run_scoped3A : memref<!tpu.dma_semaphore, #tpu.memory_space<semaphore_mem>>) src(%dma_wait3A_351 : memref<2x6400xi32, #tpu.memory_space<hbm>>) dst(%dma_wait3A_348 : memref<2x6400xi32, #tpu.memory_space<vmem>>)
        tpu.yield
      }) : () -> ()
    } else {
    }
    %eq3A_16 = arith.constant 0 : i32
    %eq3A_17 = arith.cmpi eq, %arg0, %eq3A_16 : i32
    %eq3A_18 = arith.constant 15 : i32
    %eq3A_19 = arith.cmpi eq, %arg1, %eq3A_18 : i32
    %jit3A = arith.constant 50 : i32
    %jit3A_20 = arith.constant 78 : i32
    %select_n3A = arith.select %eq3A_19, %jit3A, %jit3A_20 : i32
    %jit3A_21 = arith.constant 80 : i32
    %select_n3A_22 = arith.select %eq3A_17, %jit3A_21, %select_n3A : i32
    %broadcast_in_dim3A = arith.constant 1.000000e+00 : f32
    %broadcast_in_dim3A_23 = vector.broadcast %broadcast_in_dim3A : f32 to vector<16xf32>
    %swap3A = arith.constant 0 : index
    %swap3A_24 = tpu.vector_load %arg5[%swap3A] {strides = array<i32>} : memref<128xf32, #tpu.memory_space<vmem>>, vector<16xf32>,
    %swap3A_25 = vector.shape_cast %swap3A_24 : vector<16xf32> to vector<16xf32>
    %swap3A_26 = vector.shape_cast %broadcast_in_dim3A_23 : vector<16xf32> to vector<16xf32>
    tpu.vector_store %arg5[%swap3A], %swap3A_26 {strides = array<i32>} : memref<128xf32, #tpu.memory_space<vmem>>, vector<16xf32>,
    %broadcast_in_dim3A_27 = arith.constant 1.000000e+00 : f32
    %broadcast_in_dim3A_28 = vector.broadcast %broadcast_in_dim3A_27 : f32 to vector<16xf32>
    %swap3A_29 = arith.constant 16 : index
    %swap3A_30 = tpu.vector_load %arg5[%swap3A_29] {strides = array<i32>} : memref<128xf32, #tpu.memory_space<vmem>>, vector<16xf32>,
    %swap3A_31 = vector.shape_cast %swap3A_30 : vector<16xf32> to vector<16xf32>
    %swap3A_32 = vector.shape_cast %broadcast_in_dim3A_28 : vector<16xf32> to vector<16xf32>
    tpu.vector_store %arg5[%swap3A_29], %swap3A_32 {strides = array<i32>} : memref<128xf32, #tpu.memory_space<vmem>>, vector<16xf32>,
    %broadcast_in_dim3A_33 = arith.constant 1.000000e+00 : f32
    %broadcast_in_dim3A_34 = vector.broadcast %broadcast_in_dim3A_33 : f32 to vector<16xf32>
    %swap3A_35 = arith.constant 32 : index
    %swap3A_36 = tpu.vector_load %arg5[%swap3A_35] {strides = array<i32>} : memref<128xf32, #tpu.memory_space<vmem>>, vector<16xf32>,
    %swap3A_37 = vector.shape_cast %swap3A_36 : vector<16xf32> to vector<16xf32>
    %swap3A_38 = vector.shape_cast %broadcast_in_dim3A_34 : vector<16xf32> to vector<16xf32>
    tpu.vector_store %arg5[%swap3A_35], %swap3A_38 {strides = array<i32>} : memref<128xf32, #tpu.memory_space<vmem>>, vector<16xf32>,
    %broadcast_in_dim3A_39 = arith.constant 1.000000e+00 : f32
    %broadcast_in_dim3A_40 = vector.broadcast %broadcast_in_dim3A_39 : f32 to vector<16xf32>
    %swap3A_41 = arith.constant 48 : index
    %swap3A_42 = tpu.vector_load %arg5[%swap3A_41] {strides = array<i32>} : memref<128xf32, #tpu.memory_space<vmem>>, vector<16xf32>,
    %swap3A_43 = vector.shape_cast %swap3A_42 : vector<16xf32> to vector<16xf32>
    %swap3A_44 = vector.shape_cast %broadcast_in_dim3A_40 : vector<16xf32> to vector<16xf32>
    tpu.vector_store %arg5[%swap3A_41], %swap3A_44 {strides = array<i32>} : memref<128xf32, #tpu.memory_space<vmem>>, vector<16xf32>,
    %broadcast_in_dim3A_45 = arith.constant 1.000000e+00 : f32
    %broadcast_in_dim3A_46 = vector.broadcast %broadcast_in_dim3A_45 : f32 to vector<16xf32>
    %swap3A_47 = arith.constant 64 : index
    %swap3A_48 = tpu.vector_load %arg5[%swap3A_47] {strides = array<i32>} : memref<128xf32, #tpu.memory_space<vmem>>, vector<16xf32>,
    %swap3A_49 = vector.shape_cast %swap3A_48 : vector<16xf32> to vector<16xf32>
    %swap3A_50 = vector.shape_cast %broadcast_in_dim3A_46 : vector<16xf32> to vector<16xf32>
    tpu.vector_store %arg5[%swap3A_47], %swap3A_50 {strides = array<i32>} : memref<128xf32, #tpu.memory_space<vmem>>, vector<16xf32>,
    %broadcast_in_dim3A_51 = arith.constant 1.000000e+00 : f32
    %broadcast_in_dim3A_52 = vector.broadcast %broadcast_in_dim3A_51 : f32 to vector<16xf32>
    %swap3A_53 = arith.constant 80 : index
    %swap3A_54 = tpu.vector_load %arg5[%swap3A_53] {strides = array<i32>} : memref<128xf32, #tpu.memory_space<vmem>>, vector<16xf32>,
    %swap3A_55 = vector.shape_cast %swap3A_54 : vector<16xf32> to vector<16xf32>
    %swap3A_56 = vector.shape_cast %broadcast_in_dim3A_52 : vector<16xf32> to vector<16xf32>
    tpu.vector_store %arg5[%swap3A_53], %swap3A_56 {strides = array<i32>} : memref<128xf32, #tpu.memory_space<vmem>>, vector<16xf32>,
    %broadcast_in_dim3A_57 = arith.constant 1.000000e+00 : f32
    %broadcast_in_dim3A_58 = vector.broadcast %broadcast_in_dim3A_57 : f32 to vector<16xf32>
    %swap3A_59 = arith.constant 96 : index
    %swap3A_60 = tpu.vector_load %arg5[%swap3A_59] {strides = array<i32>} : memref<128xf32, #tpu.memory_space<vmem>>, vector<16xf32>,
    %swap3A_61 = vector.shape_cast %swap3A_60 : vector<16xf32> to vector<16xf32>
    %swap3A_62 = vector.shape_cast %broadcast_in_dim3A_58 : vector<16xf32> to vector<16xf32>
    tpu.vector_store %arg5[%swap3A_59], %swap3A_62 {strides = array<i32>} : memref<128xf32, #tpu.memory_space<vmem>>, vector<16xf32>,
    %broadcast_in_dim3A_63 = arith.constant 1.000000e+00 : f32
    %broadcast_in_dim3A_64 = vector.broadcast %broadcast_in_dim3A_63 : f32 to vector<16xf32>
    %swap3A_65 = arith.constant 112 : index
    %swap3A_66 = tpu.vector_load %arg5[%swap3A_65] {strides = array<i32>} : memref<128xf32, #tpu.memory_space<vmem>>, vector<16xf32>,
    %swap3A_67 = vector.shape_cast %swap3A_66 : vector<16xf32> to vector<16xf32>
    %swap3A_68 = vector.shape_cast %broadcast_in_dim3A_64 : vector<16xf32> to vector<16xf32>
    tpu.vector_store %arg5[%swap3A_65], %swap3A_68 {strides = array<i32>} : memref<128xf32, #tpu.memory_space<vmem>>, vector<16xf32>,
    %broadcast_in_dim3A_69 = arith.constant 0.000000e+00 : f32
    %broadcast_in_dim3A_70 = vector.broadcast %broadcast_in_dim3A_69 : f32 to vector<16xf32>
    %swap3A_71 = arith.constant 0 : index
    %swap3A_72 = tpu.vector_load %arg6[%swap3A_71] {strides = array<i32>} : memref<640xf32, #tpu.memory_space<vmem>>, vector<16xf32>,
    %swap3A_73 = vector.shape_cast %swap3A_72 : vector<16xf32> to vector<16xf32>
    %swap3A_74 = vector.shape_cast %broadcast_in_dim3A_70 : vector<16xf32> to vector<16xf32>
    tpu.vector_store %arg6[%swap3A_71], %swap3A_74 {strides = array<i32>} : memref<640xf32, #tpu.memory_space<vmem>>, vector<16xf32>,
    %broadcast_in_dim3A_75 = arith.constant 0.000000e+00 : f32
    %broadcast_in_dim3A_76 = vector.broadcast %broadcast_in_dim3A_75 : f32 to vector<16xf32>
    %swap3A_77 = arith.constant 16 : index
    %swap3A_78 = tpu.vector_load %arg6[%swap3A_77] {strides = array<i32>} : memref<640xf32, #tpu.memory_space<vmem>>, vector<16xf32>,
    %swap3A_79 = vector.shape_cast %swap3A_78 : vector<16xf32> to vector<16xf32>
    %swap3A_80 = vector.shape_cast %broadcast_in_dim3A_76 : vector<16xf32> to vector<16xf32>
    tpu.vector_store %arg6[%swap3A_77], %swap3A_80 {strides = array<i32>} : memref<640xf32, #tpu.memory_space<vmem>>, vector<16xf32>,
    %broadcast_in_dim3A_81 = arith.constant 0.000000e+00 : f32
    %broadcast_in_dim3A_82 = vector.broadcast %broadcast_in_dim3A_81 : f32 to vector<16xf32>
    %swap3A_83 = arith.constant 32 : index
    %swap3A_84 = tpu.vector_load %arg6[%swap3A_83] {strides = array<i32>} : memref<640xf32, #tpu.memory_space<vmem>>, vector<16xf32>,
    %swap3A_85 = vector.shape_cast %swap3A_84 : vector<16xf32> to vector<16xf32>
    %swap3A_86 = vector.shape_cast %broadcast_in_dim3A_82 : vector<16xf32> to vector<16xf32>
    tpu.vector_store %arg6[%swap3A_83], %swap3A_86 {strides = array<i32>} : memref<640xf32, #tpu.memory_space<vmem>>, vector<16xf32>,
    %broadcast_in_dim3A_87 = arith.constant 0.000000e+00 : f32
    %broadcast_in_dim3A_88 = vector.broadcast %broadcast_in_dim3A_87 : f32 to vector<16xf32>
    %swap3A_89 = arith.constant 48 : index
    %swap3A_90 = tpu.vector_load %arg6[%swap3A_89] {strides = array<i32>} : memref<640xf32, #tpu.memory_space<vmem>>, vector<16xf32>,
    %swap3A_91 = vector.shape_cast %swap3A_90 : vector<16xf32> to vector<16xf32>
    %swap3A_92 = vector.shape_cast %broadcast_in_dim3A_88 : vector<16xf32> to vector<16xf32>
    tpu.vector_store %arg6[%swap3A_89], %swap3A_92 {strides = array<i32>} : memref<640xf32, #tpu.memory_space<vmem>>, vector<16xf32>,
    %broadcast_in_dim3A_93 = arith.constant 0.000000e+00 : f32
    %broadcast_in_dim3A_94 = vector.broadcast %broadcast_in_dim3A_93 : f32 to vector<16xf32>
    %swap3A_95 = arith.constant 64 : index
    %swap3A_96 = tpu.vector_load %arg6[%swap3A_95] {strides = array<i32>} : memref<640xf32, #tpu.memory_space<vmem>>, vector<16xf32>,
    %swap3A_97 = vector.shape_cast %swap3A_96 : vector<16xf32> to vector<16xf32>
    %swap3A_98 = vector.shape_cast %broadcast_in_dim3A_94 : vector<16xf32> to vector<16xf32>
    tpu.vector_store %arg6[%swap3A_95], %swap3A_98 {strides = array<i32>} : memref<640xf32, #tpu.memory_space<vmem>>, vector<16xf32>,
    %broadcast_in_dim3A_99 = arith.constant 0.000000e+00 : f32
    %broadcast_in_dim3A_100 = vector.broadcast %broadcast_in_dim3A_99 : f32 to vector<16xf32>
    %swap3A_101 = arith.constant 80 : index
    %swap3A_102 = tpu.vector_load %arg6[%swap3A_101] {strides = array<i32>} : memref<640xf32, #tpu.memory_space<vmem>>, vector<16xf32>,
    %swap3A_103 = vector.shape_cast %swap3A_102 : vector<16xf32> to vector<16xf32>
    %swap3A_104 = vector.shape_cast %broadcast_in_dim3A_100 : vector<16xf32> to vector<16xf32>
    tpu.vector_store %arg6[%swap3A_101], %swap3A_104 {strides = array<i32>} : memref<640xf32, #tpu.memory_space<vmem>>, vector<16xf32>,
    %broadcast_in_dim3A_105 = arith.constant 0.000000e+00 : f32
    %broadcast_in_dim3A_106 = vector.broadcast %broadcast_in_dim3A_105 : f32 to vector<16xf32>
    %swap3A_107 = arith.constant 96 : index
    %swap3A_108 = tpu.vector_load %arg6[%swap3A_107] {strides = array<i32>} : memref<640xf32, #tpu.memory_space<vmem>>, vector<16xf32>,
    %swap3A_109 = vector.shape_cast %swap3A_108 : vector<16xf32> to vector<16xf32>
    %swap3A_110 = vector.shape_cast %broadcast_in_dim3A_106 : vector<16xf32> to vector<16xf32>
    tpu.vector_store %arg6[%swap3A_107], %swap3A_110 {strides = array<i32>} : memref<640xf32, #tpu.memory_space<vmem>>, vector<16xf32>,
    %broadcast_in_dim3A_111 = arith.constant 0.000000e+00 : f32
    %broadcast_in_dim3A_112 = vector.broadcast %broadcast_in_dim3A_111 : f32 to vector<16xf32>
    %swap3A_113 = arith.constant 112 : index
    %swap3A_114 = tpu.vector_load %arg6[%swap3A_113] {strides = array<i32>} : memref<640xf32, #tpu.memory_space<vmem>>, vector<16xf32>,
    %swap3A_115 = vector.shape_cast %swap3A_114 : vector<16xf32> to vector<16xf32>
    %swap3A_116 = vector.shape_cast %broadcast_in_dim3A_112 : vector<16xf32> to vector<16xf32>
    tpu.vector_store %arg6[%swap3A_113], %swap3A_116 {strides = array<i32>} : memref<640xf32, #tpu.memory_space<vmem>>, vector<16xf32>,
    %broadcast_in_dim3A_117 = arith.constant 0.000000e+00 : f32
    %broadcast_in_dim3A_118 = vector.broadcast %broadcast_in_dim3A_117 : f32 to vector<16xf32>
    %swap3A_119 = arith.constant 128 : index
    %swap3A_120 = tpu.vector_load %arg6[%swap3A_119] {strides = array<i32>} : memref<640xf32, #tpu.memory_space<vmem>>, vector<16xf32>,
    %swap3A_121 = vector.shape_cast %swap3A_120 : vector<16xf32> to vector<16xf32>
    %swap3A_122 = vector.shape_cast %broadcast_in_dim3A_118 : vector<16xf32> to vector<16xf32>
    tpu.vector_store %arg6[%swap3A_119], %swap3A_122 {strides = array<i32>} : memref<640xf32, #tpu.memory_space<vmem>>, vector<16xf32>,
    %broadcast_in_dim3A_123 = arith.constant 0.000000e+00 : f32
    %broadcast_in_dim3A_124 = vector.broadcast %broadcast_in_dim3A_123 : f32 to vector<16xf32>
    %swap3A_125 = arith.constant 144 : index
    %swap3A_126 = tpu.vector_load %arg6[%swap3A_125] {strides = array<i32>} : memref<640xf32, #tpu.memory_space<vmem>>, vector<16xf32>,
    %swap3A_127 = vector.shape_cast %swap3A_126 : vector<16xf32> to vector<16xf32>
    %swap3A_128 = vector.shape_cast %broadcast_in_dim3A_124 : vector<16xf32> to vector<16xf32>
    tpu.vector_store %arg6[%swap3A_125], %swap3A_128 {strides = array<i32>} : memref<640xf32, #tpu.memory_space<vmem>>, vector<16xf32>,
    %broadcast_in_dim3A_129 = arith.constant 0.000000e+00 : f32
    %broadcast_in_dim3A_130 = vector.broadcast %broadcast_in_dim3A_129 : f32 to vector<16xf32>
    %swap3A_131 = arith.constant 160 : index
    %swap3A_132 = tpu.vector_load %arg6[%swap3A_131] {strides = array<i32>} : memref<640xf32, #tpu.memory_space<vmem>>, vector<16xf32>,
    %swap3A_133 = vector.shape_cast %swap3A_132 : vector<16xf32> to vector<16xf32>
    %swap3A_134 = vector.shape_cast %broadcast_in_dim3A_130 : vector<16xf32> to vector<16xf32>
    tpu.vector_store %arg6[%swap3A_131], %swap3A_134 {strides = array<i32>} : memref<640xf32, #tpu.memory_space<vmem>>, vector<16xf32>,
    %broadcast_in_dim3A_135 = arith.constant 0.000000e+00 : f32
    %broadcast_in_dim3A_136 = vector.broadcast %broadcast_in_dim3A_135 : f32 to vector<16xf32>
    %swap3A_137 = arith.constant 176 : index
    %swap3A_138 = tpu.vector_load %arg6[%swap3A_137] {strides = array<i32>} : memref<640xf32, #tpu.memory_space<vmem>>, vector<16xf32>,
    %swap3A_139 = vector.shape_cast %swap3A_138 : vector<16xf32> to vector<16xf32>
    %swap3A_140 = vector.shape_cast %broadcast_in_dim3A_136 : vector<16xf32> to vector<16xf32>
    tpu.vector_store %arg6[%swap3A_137], %swap3A_140 {strides = array<i32>} : memref<640xf32, #tpu.memory_space<vmem>>, vector<16xf32>,
    %broadcast_in_dim3A_141 = arith.constant 0.000000e+00 : f32
    %broadcast_in_dim3A_142 = vector.broadcast %broadcast_in_dim3A_141 : f32 to vector<16xf32>
    %swap3A_143 = arith.constant 192 : index
    %swap3A_144 = tpu.vector_load %arg6[%swap3A_143] {strides = array<i32>} : memref<640xf32, #tpu.memory_space<vmem>>, vector<16xf32>,
    %swap3A_145 = vector.shape_cast %swap3A_144 : vector<16xf32> to vector<16xf32>
    %swap3A_146 = vector.shape_cast %broadcast_in_dim3A_142 : vector<16xf32> to vector<16xf32>
    tpu.vector_store %arg6[%swap3A_143], %swap3A_146 {strides = array<i32>} : memref<640xf32, #tpu.memory_space<vmem>>, vector<16xf32>,
    %broadcast_in_dim3A_147 = arith.constant 0.000000e+00 : f32
    %broadcast_in_dim3A_148 = vector.broadcast %broadcast_in_dim3A_147 : f32 to vector<16xf32>
    %swap3A_149 = arith.constant 208 : index
    %swap3A_150 = tpu.vector_load %arg6[%swap3A_149] {strides = array<i32>} : memref<640xf32, #tpu.memory_space<vmem>>, vector<16xf32>,
    %swap3A_151 = vector.shape_cast %swap3A_150 : vector<16xf32> to vector<16xf32>
    %swap3A_152 = vector.shape_cast %broadcast_in_dim3A_148 : vector<16xf32> to vector<16xf32>
    tpu.vector_store %arg6[%swap3A_149], %swap3A_152 {strides = array<i32>} : memref<640xf32, #tpu.memory_space<vmem>>, vector<16xf32>,
    %broadcast_in_dim3A_153 = arith.constant 0.000000e+00 : f32
    %broadcast_in_dim3A_154 = vector.broadcast %broadcast_in_dim3A_153 : f32 to vector<16xf32>
    %swap3A_155 = arith.constant 224 : index
    %swap3A_156 = tpu.vector_load %arg6[%swap3A_155] {strides = array<i32>} : memref<640xf32, #tpu.memory_space<vmem>>, vector<16xf32>,
    %swap3A_157 = vector.shape_cast %swap3A_156 : vector<16xf32> to vector<16xf32>
    %swap3A_158 = vector.shape_cast %broadcast_in_dim3A_154 : vector<16xf32> to vector<16xf32>
    tpu.vector_store %arg6[%swap3A_155], %swap3A_158 {strides = array<i32>} : memref<640xf32, #tpu.memory_space<vmem>>, vector<16xf32>,
    %broadcast_in_dim3A_159 = arith.constant 0.000000e+00 : f32
    %broadcast_in_dim3A_160 = vector.broadcast %broadcast_in_dim3A_159 : f32 to vector<16xf32>
    %swap3A_161 = arith.constant 240 : index
    %swap3A_162 = tpu.vector_load %arg6[%swap3A_161] {strides = array<i32>} : memref<640xf32, #tpu.memory_space<vmem>>, vector<16xf32>,
    %swap3A_163 = vector.shape_cast %swap3A_162 : vector<16xf32> to vector<16xf32>
    %swap3A_164 = vector.shape_cast %broadcast_in_dim3A_160 : vector<16xf32> to vector<16xf32>
    tpu.vector_store %arg6[%swap3A_161], %swap3A_164 {strides = array<i32>} : memref<640xf32, #tpu.memory_space<vmem>>, vector<16xf32>,
    %broadcast_in_dim3A_165 = arith.constant 0.000000e+00 : f32
    %broadcast_in_dim3A_166 = vector.broadcast %broadcast_in_dim3A_165 : f32 to vector<16xf32>
    %swap3A_167 = arith.constant 256 : index
    %swap3A_168 = tpu.vector_load %arg6[%swap3A_167] {strides = array<i32>} : memref<640xf32, #tpu.memory_space<vmem>>, vector<16xf32>,
    %swap3A_169 = vector.shape_cast %swap3A_168 : vector<16xf32> to vector<16xf32>
    %swap3A_170 = vector.shape_cast %broadcast_in_dim3A_166 : vector<16xf32> to vector<16xf32>
    tpu.vector_store %arg6[%swap3A_167], %swap3A_170 {strides = array<i32>} : memref<640xf32, #tpu.memory_space<vmem>>, vector<16xf32>,
    %broadcast_in_dim3A_171 = arith.constant 0.000000e+00 : f32
    %broadcast_in_dim3A_172 = vector.broadcast %broadcast_in_dim3A_171 : f32 to vector<16xf32>
    %swap3A_173 = arith.constant 272 : index
    %swap3A_174 = tpu.vector_load %arg6[%swap3A_173] {strides = array<i32>} : memref<640xf32, #tpu.memory_space<vmem>>, vector<16xf32>,
    %swap3A_175 = vector.shape_cast %swap3A_174 : vector<16xf32> to vector<16xf32>
    %swap3A_176 = vector.shape_cast %broadcast_in_dim3A_172 : vector<16xf32> to vector<16xf32>
    tpu.vector_store %arg6[%swap3A_173], %swap3A_176 {strides = array<i32>} : memref<640xf32, #tpu.memory_space<vmem>>, vector<16xf32>,
    %broadcast_in_dim3A_177 = arith.constant 0.000000e+00 : f32
    %broadcast_in_dim3A_178 = vector.broadcast %broadcast_in_dim3A_177 : f32 to vector<16xf32>
    %swap3A_179 = arith.constant 288 : index
    %swap3A_180 = tpu.vector_load %arg6[%swap3A_179] {strides = array<i32>} : memref<640xf32, #tpu.memory_space<vmem>>, vector<16xf32>,
    %swap3A_181 = vector.shape_cast %swap3A_180 : vector<16xf32> to vector<16xf32>
    %swap3A_182 = vector.shape_cast %broadcast_in_dim3A_178 : vector<16xf32> to vector<16xf32>
    tpu.vector_store %arg6[%swap3A_179], %swap3A_182 {strides = array<i32>} : memref<640xf32, #tpu.memory_space<vmem>>, vector<16xf32>,
    %broadcast_in_dim3A_183 = arith.constant 0.000000e+00 : f32
    %broadcast_in_dim3A_184 = vector.broadcast %broadcast_in_dim3A_183 : f32 to vector<16xf32>
    %swap3A_185 = arith.constant 304 : index
    %swap3A_186 = tpu.vector_load %arg6[%swap3A_185] {strides = array<i32>} : memref<640xf32, #tpu.memory_space<vmem>>, vector<16xf32>,
    %swap3A_187 = vector.shape_cast %swap3A_186 : vector<16xf32> to vector<16xf32>
    %swap3A_188 = vector.shape_cast %broadcast_in_dim3A_184 : vector<16xf32> to vector<16xf32>
    tpu.vector_store %arg6[%swap3A_185], %swap3A_188 {strides = array<i32>} : memref<640xf32, #tpu.memory_space<vmem>>, vector<16xf32>,
    %broadcast_in_dim3A_189 = arith.constant 0.000000e+00 : f32
    %broadcast_in_dim3A_190 = vector.broadcast %broadcast_in_dim3A_189 : f32 to vector<16xf32>
    %swap3A_191 = arith.constant 320 : index
    %swap3A_192 = tpu.vector_load %arg6[%swap3A_191] {strides = array<i32>} : memref<640xf32, #tpu.memory_space<vmem>>, vector<16xf32>,
    %swap3A_193 = vector.shape_cast %swap3A_192 : vector<16xf32> to vector<16xf32>
    %swap3A_194 = vector.shape_cast %broadcast_in_dim3A_190 : vector<16xf32> to vector<16xf32>
    tpu.vector_store %arg6[%swap3A_191], %swap3A_194 {strides = array<i32>} : memref<640xf32, #tpu.memory_space<vmem>>, vector<16xf32>,
    %broadcast_in_dim3A_195 = arith.constant 0.000000e+00 : f32
    %broadcast_in_dim3A_196 = vector.broadcast %broadcast_in_dim3A_195 : f32 to vector<16xf32>
    %swap3A_197 = arith.constant 336 : index
    %swap3A_198 = tpu.vector_load %arg6[%swap3A_197] {strides = array<i32>} : memref<640xf32, #tpu.memory_space<vmem>>, vector<16xf32>,
    %swap3A_199 = vector.shape_cast %swap3A_198 : vector<16xf32> to vector<16xf32>
    %swap3A_200 = vector.shape_cast %broadcast_in_dim3A_196 : vector<16xf32> to vector<16xf32>
    tpu.vector_store %arg6[%swap3A_197], %swap3A_200 {strides = array<i32>} : memref<640xf32, #tpu.memory_space<vmem>>, vector<16xf32>,
    %broadcast_in_dim3A_201 = arith.constant 0.000000e+00 : f32
    %broadcast_in_dim3A_202 = vector.broadcast %broadcast_in_dim3A_201 : f32 to vector<16xf32>
    %swap3A_203 = arith.constant 352 : index
    %swap3A_204 = tpu.vector_load %arg6[%swap3A_203] {strides = array<i32>} : memref<640xf32, #tpu.memory_space<vmem>>, vector<16xf32>,
    %swap3A_205 = vector.shape_cast %swap3A_204 : vector<16xf32> to vector<16xf32>
    %swap3A_206 = vector.shape_cast %broadcast_in_dim3A_202 : vector<16xf32> to vector<16xf32>
    tpu.vector_store %arg6[%swap3A_203], %swap3A_206 {strides = array<i32>} : memref<640xf32, #tpu.memory_space<vmem>>, vector<16xf32>,
    %broadcast_in_dim3A_207 = arith.constant 0.000000e+00 : f32
    %broadcast_in_dim3A_208 = vector.broadcast %broadcast_in_dim3A_207 : f32 to vector<16xf32>
    %swap3A_209 = arith.constant 368 : index
    %swap3A_210 = tpu.vector_load %arg6[%swap3A_209] {strides = array<i32>} : memref<640xf32, #tpu.memory_space<vmem>>, vector<16xf32>,
    %swap3A_211 = vector.shape_cast %swap3A_210 : vector<16xf32> to vector<16xf32>
    %swap3A_212 = vector.shape_cast %broadcast_in_dim3A_208 : vector<16xf32> to vector<16xf32>
    tpu.vector_store %arg6[%swap3A_209], %swap3A_212 {strides = array<i32>} : memref<640xf32, #tpu.memory_space<vmem>>, vector<16xf32>,
    %broadcast_in_dim3A_213 = arith.constant 0.000000e+00 : f32
    %broadcast_in_dim3A_214 = vector.broadcast %broadcast_in_dim3A_213 : f32 to vector<16xf32>
    %swap3A_215 = arith.constant 384 : index
    %swap3A_216 = tpu.vector_load %arg6[%swap3A_215] {strides = array<i32>} : memref<640xf32, #tpu.memory_space<vmem>>, vector<16xf32>,
    %swap3A_217 = vector.shape_cast %swap3A_216 : vector<16xf32> to vector<16xf32>
    %swap3A_218 = vector.shape_cast %broadcast_in_dim3A_214 : vector<16xf32> to vector<16xf32>
    tpu.vector_store %arg6[%swap3A_215], %swap3A_218 {strides = array<i32>} : memref<640xf32, #tpu.memory_space<vmem>>, vector<16xf32>,
    %broadcast_in_dim3A_219 = arith.constant 0.000000e+00 : f32
    %broadcast_in_dim3A_220 = vector.broadcast %broadcast_in_dim3A_219 : f32 to vector<16xf32>
    %swap3A_221 = arith.constant 400 : index
    %swap3A_222 = tpu.vector_load %arg6[%swap3A_221] {strides = array<i32>} : memref<640xf32, #tpu.memory_space<vmem>>, vector<16xf32>,
    %swap3A_223 = vector.shape_cast %swap3A_222 : vector<16xf32> to vector<16xf32>
    %swap3A_224 = vector.shape_cast %broadcast_in_dim3A_220 : vector<16xf32> to vector<16xf32>
    tpu.vector_store %arg6[%swap3A_221], %swap3A_224 {strides = array<i32>} : memref<640xf32, #tpu.memory_space<vmem>>, vector<16xf32>,
    %broadcast_in_dim3A_225 = arith.constant 0.000000e+00 : f32
    %broadcast_in_dim3A_226 = vector.broadcast %broadcast_in_dim3A_225 : f32 to vector<16xf32>
    %swap3A_227 = arith.constant 416 : index
    %swap3A_228 = tpu.vector_load %arg6[%swap3A_227] {strides = array<i32>} : memref<640xf32, #tpu.memory_space<vmem>>, vector<16xf32>,
    %swap3A_229 = vector.shape_cast %swap3A_228 : vector<16xf32> to vector<16xf32>
    %swap3A_230 = vector.shape_cast %broadcast_in_dim3A_226 : vector<16xf32> to vector<16xf32>
    tpu.vector_store %arg6[%swap3A_227], %swap3A_230 {strides = array<i32>} : memref<640xf32, #tpu.memory_space<vmem>>, vector<16xf32>,
    %broadcast_in_dim3A_231 = arith.constant 0.000000e+00 : f32
    %broadcast_in_dim3A_232 = vector.broadcast %broadcast_in_dim3A_231 : f32 to vector<16xf32>
    %swap3A_233 = arith.constant 432 : index
    %swap3A_234 = tpu.vector_load %arg6[%swap3A_233] {strides = array<i32>} : memref<640xf32, #tpu.memory_space<vmem>>, vector<16xf32>,
    %swap3A_235 = vector.shape_cast %swap3A_234 : vector<16xf32> to vector<16xf32>
    %swap3A_236 = vector.shape_cast %broadcast_in_dim3A_232 : vector<16xf32> to vector<16xf32>
    tpu.vector_store %arg6[%swap3A_233], %swap3A_236 {strides = array<i32>} : memref<640xf32, #tpu.memory_space<vmem>>, vector<16xf32>,
    %broadcast_in_dim3A_237 = arith.constant 0.000000e+00 : f32
    %broadcast_in_dim3A_238 = vector.broadcast %broadcast_in_dim3A_237 : f32 to vector<16xf32>
    %swap3A_239 = arith.constant 448 : index
    %swap3A_240 = tpu.vector_load %arg6[%swap3A_239] {strides = array<i32>} : memref<640xf32, #tpu.memory_space<vmem>>, vector<16xf32>,
    %swap3A_241 = vector.shape_cast %swap3A_240 : vector<16xf32> to vector<16xf32>
    %swap3A_242 = vector.shape_cast %broadcast_in_dim3A_238 : vector<16xf32> to vector<16xf32>
    tpu.vector_store %arg6[%swap3A_239], %swap3A_242 {strides = array<i32>} : memref<640xf32, #tpu.memory_space<vmem>>, vector<16xf32>,
    %broadcast_in_dim3A_243 = arith.constant 0.000000e+00 : f32
    %broadcast_in_dim3A_244 = vector.broadcast %broadcast_in_dim3A_243 : f32 to vector<16xf32>
    %swap3A_245 = arith.constant 464 : index
    %swap3A_246 = tpu.vector_load %arg6[%swap3A_245] {strides = array<i32>} : memref<640xf32, #tpu.memory_space<vmem>>, vector<16xf32>,
    %swap3A_247 = vector.shape_cast %swap3A_246 : vector<16xf32> to vector<16xf32>
    %swap3A_248 = vector.shape_cast %broadcast_in_dim3A_244 : vector<16xf32> to vector<16xf32>
    tpu.vector_store %arg6[%swap3A_245], %swap3A_248 {strides = array<i32>} : memref<640xf32, #tpu.memory_space<vmem>>, vector<16xf32>,
    %broadcast_in_dim3A_249 = arith.constant 0.000000e+00 : f32
    %broadcast_in_dim3A_250 = vector.broadcast %broadcast_in_dim3A_249 : f32 to vector<16xf32>
    %swap3A_251 = arith.constant 480 : index
    %swap3A_252 = tpu.vector_load %arg6[%swap3A_251] {strides = array<i32>} : memref<640xf32, #tpu.memory_space<vmem>>, vector<16xf32>,
    %swap3A_253 = vector.shape_cast %swap3A_252 : vector<16xf32> to vector<16xf32>
    %swap3A_254 = vector.shape_cast %broadcast_in_dim3A_250 : vector<16xf32> to vector<16xf32>
    tpu.vector_store %arg6[%swap3A_251], %swap3A_254 {strides = array<i32>} : memref<640xf32, #tpu.memory_space<vmem>>, vector<16xf32>,
    %broadcast_in_dim3A_255 = arith.constant 0.000000e+00 : f32
    %broadcast_in_dim3A_256 = vector.broadcast %broadcast_in_dim3A_255 : f32 to vector<16xf32>
    %swap3A_257 = arith.constant 496 : index
    %swap3A_258 = tpu.vector_load %arg6[%swap3A_257] {strides = array<i32>} : memref<640xf32, #tpu.memory_space<vmem>>, vector<16xf32>,
    %swap3A_259 = vector.shape_cast %swap3A_258 : vector<16xf32> to vector<16xf32>
    %swap3A_260 = vector.shape_cast %broadcast_in_dim3A_256 : vector<16xf32> to vector<16xf32>
    tpu.vector_store %arg6[%swap3A_257], %swap3A_260 {strides = array<i32>} : memref<640xf32, #tpu.memory_space<vmem>>, vector<16xf32>,
    %broadcast_in_dim3A_261 = arith.constant 0.000000e+00 : f32
    %broadcast_in_dim3A_262 = vector.broadcast %broadcast_in_dim3A_261 : f32 to vector<16xf32>
    %swap3A_263 = arith.constant 512 : index
    %swap3A_264 = tpu.vector_load %arg6[%swap3A_263] {strides = array<i32>} : memref<640xf32, #tpu.memory_space<vmem>>, vector<16xf32>,
    %swap3A_265 = vector.shape_cast %swap3A_264 : vector<16xf32> to vector<16xf32>
    %swap3A_266 = vector.shape_cast %broadcast_in_dim3A_262 : vector<16xf32> to vector<16xf32>
    tpu.vector_store %arg6[%swap3A_263], %swap3A_266 {strides = array<i32>} : memref<640xf32, #tpu.memory_space<vmem>>, vector<16xf32>,
    %broadcast_in_dim3A_267 = arith.constant 0.000000e+00 : f32
    %broadcast_in_dim3A_268 = vector.broadcast %broadcast_in_dim3A_267 : f32 to vector<16xf32>
    %swap3A_269 = arith.constant 528 : index
    %swap3A_270 = tpu.vector_load %arg6[%swap3A_269] {strides = array<i32>} : memref<640xf32, #tpu.memory_space<vmem>>, vector<16xf32>,
    %swap3A_271 = vector.shape_cast %swap3A_270 : vector<16xf32> to vector<16xf32>
    %swap3A_272 = vector.shape_cast %broadcast_in_dim3A_268 : vector<16xf32> to vector<16xf32>
    tpu.vector_store %arg6[%swap3A_269], %swap3A_272 {strides = array<i32>} : memref<640xf32, #tpu.memory_space<vmem>>, vector<16xf32>,
    %broadcast_in_dim3A_273 = arith.constant 0.000000e+00 : f32
    %broadcast_in_dim3A_274 = vector.broadcast %broadcast_in_dim3A_273 : f32 to vector<16xf32>
    %swap3A_275 = arith.constant 544 : index
    %swap3A_276 = tpu.vector_load %arg6[%swap3A_275] {strides = array<i32>} : memref<640xf32, #tpu.memory_space<vmem>>, vector<16xf32>,
    %swap3A_277 = vector.shape_cast %swap3A_276 : vector<16xf32> to vector<16xf32>
    %swap3A_278 = vector.shape_cast %broadcast_in_dim3A_274 : vector<16xf32> to vector<16xf32>
    tpu.vector_store %arg6[%swap3A_275], %swap3A_278 {strides = array<i32>} : memref<640xf32, #tpu.memory_space<vmem>>, vector<16xf32>,
    %broadcast_in_dim3A_279 = arith.constant 0.000000e+00 : f32
    %broadcast_in_dim3A_280 = vector.broadcast %broadcast_in_dim3A_279 : f32 to vector<16xf32>
    %swap3A_281 = arith.constant 560 : index
    %swap3A_282 = tpu.vector_load %arg6[%swap3A_281] {strides = array<i32>} : memref<640xf32, #tpu.memory_space<vmem>>, vector<16xf32>,
    %swap3A_283 = vector.shape_cast %swap3A_282 : vector<16xf32> to vector<16xf32>
    %swap3A_284 = vector.shape_cast %broadcast_in_dim3A_280 : vector<16xf32> to vector<16xf32>
    tpu.vector_store %arg6[%swap3A_281], %swap3A_284 {strides = array<i32>} : memref<640xf32, #tpu.memory_space<vmem>>, vector<16xf32>,
    %broadcast_in_dim3A_285 = arith.constant 0.000000e+00 : f32
    %broadcast_in_dim3A_286 = vector.broadcast %broadcast_in_dim3A_285 : f32 to vector<16xf32>
    %swap3A_287 = arith.constant 576 : index
    %swap3A_288 = tpu.vector_load %arg6[%swap3A_287] {strides = array<i32>} : memref<640xf32, #tpu.memory_space<vmem>>, vector<16xf32>,
    %swap3A_289 = vector.shape_cast %swap3A_288 : vector<16xf32> to vector<16xf32>
    %swap3A_290 = vector.shape_cast %broadcast_in_dim3A_286 : vector<16xf32> to vector<16xf32>
    tpu.vector_store %arg6[%swap3A_287], %swap3A_290 {strides = array<i32>} : memref<640xf32, #tpu.memory_space<vmem>>, vector<16xf32>,
    %broadcast_in_dim3A_291 = arith.constant 0.000000e+00 : f32
    %broadcast_in_dim3A_292 = vector.broadcast %broadcast_in_dim3A_291 : f32 to vector<16xf32>
    %swap3A_293 = arith.constant 592 : index
    %swap3A_294 = tpu.vector_load %arg6[%swap3A_293] {strides = array<i32>} : memref<640xf32, #tpu.memory_space<vmem>>, vector<16xf32>,
    %swap3A_295 = vector.shape_cast %swap3A_294 : vector<16xf32> to vector<16xf32>
    %swap3A_296 = vector.shape_cast %broadcast_in_dim3A_292 : vector<16xf32> to vector<16xf32>
    tpu.vector_store %arg6[%swap3A_293], %swap3A_296 {strides = array<i32>} : memref<640xf32, #tpu.memory_space<vmem>>, vector<16xf32>,
    %broadcast_in_dim3A_297 = arith.constant 0.000000e+00 : f32
    %broadcast_in_dim3A_298 = vector.broadcast %broadcast_in_dim3A_297 : f32 to vector<16xf32>
    %swap3A_299 = arith.constant 608 : index
    %swap3A_300 = tpu.vector_load %arg6[%swap3A_299] {strides = array<i32>} : memref<640xf32, #tpu.memory_space<vmem>>, vector<16xf32>,
    %swap3A_301 = vector.shape_cast %swap3A_300 : vector<16xf32> to vector<16xf32>
    %swap3A_302 = vector.shape_cast %broadcast_in_dim3A_298 : vector<16xf32> to vector<16xf32>
    tpu.vector_store %arg6[%swap3A_299], %swap3A_302 {strides = array<i32>} : memref<640xf32, #tpu.memory_space<vmem>>, vector<16xf32>,
    %broadcast_in_dim3A_303 = arith.constant 0.000000e+00 : f32
    %broadcast_in_dim3A_304 = vector.broadcast %broadcast_in_dim3A_303 : f32 to vector<16xf32>
    %swap3A_305 = arith.constant 624 : index
    %swap3A_306 = tpu.vector_load %arg6[%swap3A_305] {strides = array<i32>} : memref<640xf32, #tpu.memory_space<vmem>>, vector<16xf32>,
    %swap3A_307 = vector.shape_cast %swap3A_306 : vector<16xf32> to vector<16xf32>
    %swap3A_308 = vector.shape_cast %broadcast_in_dim3A_304 : vector<16xf32> to vector<16xf32>
    tpu.vector_store %arg6[%swap3A_305], %swap3A_308 {strides = array<i32>} : memref<640xf32, #tpu.memory_space<vmem>>, vector<16xf32>,
    %mul3A = arith.constant 640 : i32
    %mul3A_309 = arith.muli %arg1, %mul3A : i32
    "tpu.region"() ({
      %run_scoped3A = tpu.sem_alloc : memref<!tpu.dma_semaphore, #tpu.memory_space<semaphore_mem>>
      %dma_start3A = tpu.memref_slice %arg7[%mul3A_309] : memref<10240xf32, #tpu.memory_space<vmem_shared>> -> memref<640xf32, #tpu.memory_space<vmem_shared>>
      %dma_start3A_330 = tpu.memref_slice %arg7[%mul3A_309] : memref<10240xf32, #tpu.memory_space<vmem_shared>> -> memref<640xf32, #tpu.memory_space<vmem_shared>>
      tpu.enqueue_dma source(%arg6 : memref<640xf32, #tpu.memory_space<vmem>>) target(%dma_start3A_330 : memref<640xf32, #tpu.memory_space<vmem_shared>>) target_semaphore(%run_scoped3A : memref<!tpu.dma_semaphore, #tpu.memory_space<semaphore_mem>>)
      %dma_wait3A = tpu.memref_slice %arg7[%mul3A_309] : memref<10240xf32, #tpu.memory_space<vmem_shared>> -> memref<640xf32, #tpu.memory_space<vmem_shared>>
      %dma_wait3A_331 = tpu.memref_slice %arg7[%mul3A_309] : memref<10240xf32, #tpu.memory_space<vmem_shared>> -> memref<640xf32, #tpu.memory_space<vmem_shared>>
      tpu.wait_dma2 semaphore(%run_scoped3A : memref<!tpu.dma_semaphore, #tpu.memory_space<semaphore_mem>>) src(%arg6 : memref<640xf32, #tpu.memory_space<vmem>>) dst(%dma_wait3A_331 : memref<640xf32, #tpu.memory_space<vmem_shared>>)
      tpu.yield
    }) : () -> ()
    %barrier3A = arith.constant 0 : index
    tpu.barrier barrier_id(%barrier3A)
    %sub3A = arith.constant 0 : i32
    %sub3A_310 = arith.subi %select_n3A_22, %sub3A : i32
    %sub3A_311 = arith.constant 1 : i32
    %sub3A_312 = arith.constant 1 : i32
    %sub3A_313 = arith.subi %sub3A_311, %sub3A_312 : i32
    %add3A = arith.addi %sub3A_310, %sub3A_313 : i32
    %div3A = arith.constant 1 : i32
    %div3A_314 = arith.divsi %add3A, %div3A : i32
    %while3A = arith.constant 1 : i32
    %while3A_315 = arith.constant 0 : i32
    %while3A_316 = arith.constant 0 : i32
    %while3A_317 = arith.subi %div3A_314, %while3A_316 : i32
    %while3A_318 = arith.addi %while3A_316, %while3A_317 : i32
    %while3A_319 = arith.constant 1 : i32
    %while3A_320 = arith.divsi %while3A_317, %while3A_319 : i32
    %while3A_321 = arith.muli %while3A_320, %while3A_319 : i32
    %while3A_322 = arith.addi %while3A_316, %while3A_321 : i32
    %while3A_323 = arith.constant 1 : i32
    scf.for %while3A_330 = %while3A_316 to %while3A_322 step %while3A_323  : i32 {
      %mul3A_331 = arith.muli %while3A_330, %while3A : i32
      %add3A_332 = arith.addi %while3A_315, %mul3A_331 : i32
      %mul3A_333 = arith.constant 128 : i32
      %mul3A_334 = arith.muli %add3A_332, %mul3A_333 : i32
      %run_scoped3A = arith.constant 1 : i32
      "tpu.region"() ({
        %run_scoped3A_335 = tpu.sem_alloc : memref<!tpu.dma_semaphore, #tpu.memory_space<semaphore_mem>>
        %dma_start3A = tpu.memref_slice %arg4[%run_scoped3A, %mul3A_334] : memref<2x10240xi32, #tpu.memory_space<vmem>> -> memref<1x128xi32, #tpu.memory_space<vmem>>
        %dma_start3A_336 = tpu.memref_squeeze %dma_start3A : memref<1x128xi32, #tpu.memory_space<vmem>> -> memref<128xi32, #tpu.memory_space<vmem>>
        %dma_start3A_337 = arith.constant 0 : i32
        %dma_start3A_338 = tpu.memref_slice %arg7[%dma_start3A_337] : memref<10240xf32, #tpu.memory_space<vmem_shared>> -> memref<10240xf32, #tpu.memory_space<vmem_shared>>
        tpu.enqueue_indirect_dma source(%arg5 : memref<128xf32, #tpu.memory_space<vmem>>) target(%dma_start3A_338 : memref<10240xf32, #tpu.memory_space<vmem_shared>>) offsets(%dma_start3A_336 : memref<128xi32, #tpu.memory_space<vmem>>) semaphore(%run_scoped3A_335 : memref<!tpu.dma_semaphore, #tpu.memory_space<semaphore_mem>>) {add = true}
        %dma_wait3A = tpu.memref_slice %arg4[%run_scoped3A, %mul3A_334] : memref<2x10240xi32, #tpu.memory_space<vmem>> -> memref<1x128xi32, #tpu.memory_space<vmem>>
        %dma_wait3A_339 = tpu.memref_squeeze %dma_wait3A : memref<1x128xi32, #tpu.memory_space<vmem>> -> memref<128xi32, #tpu.memory_space<vmem>>
        %dma_wait3A_340 = arith.constant 0 : i32
        %dma_wait3A_341 = tpu.memref_slice %arg7[%dma_wait3A_340] : memref<10240xf32, #tpu.memory_space<vmem_shared>> -> memref<10240xf32, #tpu.memory_space<vmem_shared>>
        tpu.wait_indirect_dma semaphore(%run_scoped3A_335 : memref<!tpu.dma_semaphore, #tpu.memory_space<semaphore_mem>>) src(%arg5 : memref<128xf32, #tpu.memory_space<vmem>>) dst(%dma_wait3A_341 : memref<10240xf32, #tpu.memory_space<vmem_shared>>)
        tpu.yield
      }) : () -> ()
    }
    %while3A_324 = arith.constant 1 : i32
    scf.for %while3A_330 = %while3A_322 to %while3A_318 step %while3A_324  : i32 {
      %mul3A_331 = arith.muli %while3A_330, %while3A : i32
      %add3A_332 = arith.addi %while3A_315, %mul3A_331 : i32
      %mul3A_333 = arith.constant 128 : i32
      %mul3A_334 = arith.muli %add3A_332, %mul3A_333 : i32
      %run_scoped3A = arith.constant 1 : i32
      "tpu.region"() ({
        %run_scoped3A_335 = tpu.sem_alloc : memref<!tpu.dma_semaphore, #tpu.memory_space<semaphore_mem>>
        %dma_start3A = tpu.memref_slice %arg4[%run_scoped3A, %mul3A_334] : memref<2x10240xi32, #tpu.memory_space<vmem>> -> memref<1x128xi32, #tpu.memory_space<vmem>>
        %dma_start3A_336 = tpu.memref_squeeze %dma_start3A : memref<1x128xi32, #tpu.memory_space<vmem>> -> memref<128xi32, #tpu.memory_space<vmem>>
        %dma_start3A_337 = arith.constant 0 : i32
        %dma_start3A_338 = tpu.memref_slice %arg7[%dma_start3A_337] : memref<10240xf32, #tpu.memory_space<vmem_shared>> -> memref<10240xf32, #tpu.memory_space<vmem_shared>>
        tpu.enqueue_indirect_dma source(%arg5 : memref<128xf32, #tpu.memory_space<vmem>>) target(%dma_start3A_338 : memref<10240xf32, #tpu.memory_space<vmem_shared>>) offsets(%dma_start3A_336 : memref<128xi32, #tpu.memory_space<vmem>>) semaphore(%run_scoped3A_335 : memref<!tpu.dma_semaphore, #tpu.memory_space<semaphore_mem>>) {add = true}
        %dma_wait3A = tpu.memref_slice %arg4[%run_scoped3A, %mul3A_334] : memref<2x10240xi32, #tpu.memory_space<vmem>> -> memref<1x128xi32, #tpu.memory_space<vmem>>
        %dma_wait3A_339 = tpu.memref_squeeze %dma_wait3A : memref<1x128xi32, #tpu.memory_space<vmem>> -> memref<128xi32, #tpu.memory_space<vmem>>
        %dma_wait3A_340 = arith.constant 0 : i32
        %dma_wait3A_341 = tpu.memref_slice %arg7[%dma_wait3A_340] : memref<10240xf32, #tpu.memory_space<vmem_shared>> -> memref<10240xf32, #tpu.memory_space<vmem_shared>>
        tpu.wait_indirect_dma semaphore(%run_scoped3A_335 : memref<!tpu.dma_semaphore, #tpu.memory_space<semaphore_mem>>) src(%arg5 : memref<128xf32, #tpu.memory_space<vmem>>) dst(%dma_wait3A_341 : memref<10240xf32, #tpu.memory_space<vmem_shared>>)
        tpu.yield
      }) : () -> ()
    }
    %barrier3A_325 = arith.constant 0 : index
    tpu.barrier barrier_id(%barrier3A_325)
    %mul3A_326 = arith.constant 640 : i32
    %mul3A_327 = arith.muli %arg1, %mul3A_326 : i32
    "tpu.region"() ({
      %run_scoped3A = tpu.sem_alloc : memref<!tpu.dma_semaphore, #tpu.memory_space<semaphore_mem>>
      %dma_start3A = tpu.memref_slice %arg7[%mul3A_327] : memref<10240xf32, #tpu.memory_space<vmem_shared>> -> memref<640xf32, #tpu.memory_space<vmem_shared>>
      %dma_start3A_330 = tpu.memref_slice %arg7[%mul3A_327] : memref<10240xf32, #tpu.memory_space<vmem_shared>> -> memref<640xf32, #tpu.memory_space<vmem_shared>>
      tpu.enqueue_dma source(%dma_start3A_330 : memref<640xf32, #tpu.memory_space<vmem_shared>>) target(%arg6 : memref<640xf32, #tpu.memory_space<vmem>>) target_semaphore(%run_scoped3A : memref<!tpu.dma_semaphore, #tpu.memory_space<semaphore_mem>>)
      %dma_wait3A = tpu.memref_slice %arg7[%mul3A_327] : memref<10240xf32, #tpu.memory_space<vmem_shared>> -> memref<640xf32, #tpu.memory_space<vmem_shared>>
      %dma_wait3A_331 = tpu.memref_slice %arg7[%mul3A_327] : memref<10240xf32, #tpu.memory_space<vmem_shared>> -> memref<640xf32, #tpu.memory_space<vmem_shared>>
      tpu.wait_dma2 semaphore(%run_scoped3A : memref<!tpu.dma_semaphore, #tpu.memory_space<semaphore_mem>>) src(%dma_wait3A_331 : memref<640xf32, #tpu.memory_space<vmem_shared>>) dst(%arg6 : memref<640xf32, #tpu.memory_space<vmem>>)
      tpu.yield
    }) : () -> ()
    %mul3A_328 = arith.constant 640 : i32
    %mul3A_329 = arith.muli %arg1, %mul3A_328 : i32
    "tpu.region"() ({
      %run_scoped3A = tpu.sem_alloc : memref<!tpu.dma_semaphore, #tpu.memory_space<semaphore_mem>>
      %dma_start3A = tpu.memref_slice %arg3[%arg0, %mul3A_329] : memref<2x10240xf32, #tpu.memory_space<hbm>> -> memref<1x640xf32, #tpu.memory_space<hbm>>
      %dma_start3A_330 = tpu.memref_squeeze %dma_start3A : memref<1x640xf32, #tpu.memory_space<hbm>> -> memref<640xf32, #tpu.memory_space<hbm>>
      %dma_start3A_331 = tpu.memref_slice %arg3[%arg0, %mul3A_329] : memref<2x10240xf32, #tpu.memory_space<hbm>> -> memref<1x640xf32, #tpu.memory_space<hbm>>
      %dma_start3A_332 = tpu.memref_squeeze %dma_start3A_331 : memref<1x640xf32, #tpu.memory_space<hbm>> -> memref<640xf32, #tpu.memory_space<hbm>>
      tpu.enqueue_dma source(%arg6 : memref<640xf32, #tpu.memory_space<vmem>>) target(%dma_start3A_332 : memref<640xf32, #tpu.memory_space<hbm>>) target_semaphore(%run_scoped3A : memref<!tpu.dma_semaphore, #tpu.memory_space<semaphore_mem>>)
      %dma_wait3A = tpu.memref_slice %arg3[%arg0, %mul3A_329] : memref<2x10240xf32, #tpu.memory_space<hbm>> -> memref<1x640xf32, #tpu.memory_space<hbm>>
      %dma_wait3A_333 = tpu.memref_squeeze %dma_wait3A : memref<1x640xf32, #tpu.memory_space<hbm>> -> memref<640xf32, #tpu.memory_space<hbm>>
      %dma_wait3A_334 = tpu.memref_slice %arg3[%arg0, %mul3A_329] : memref<2x10240xf32, #tpu.memory_space<hbm>> -> memref<1x640xf32, #tpu.memory_space<hbm>>
      %dma_wait3A_335 = tpu.memref_squeeze %dma_wait3A_334 : memref<1x640xf32, #tpu.memory_space<hbm>> -> memref<640xf32, #tpu.memory_space<hbm>>
      tpu.wait_dma2 semaphore(%run_scoped3A : memref<!tpu.dma_semaphore, #tpu.memory_space<semaphore_mem>>) src(%arg6 : memref<640xf32, #tpu.memory_space<vmem>>) dst(%dma_wait3A_335 : memref<640xf32, #tpu.memory_space<hbm>>)
      tpu.yield
    }) : () -> ()
    return
  }
}

#map = affine_map<(d0, d1) -> (0, 0, 0)>
#map1 = affine_map<(d0, d1) -> (0, 0)>
#map2 = affine_map<(d0, d1) -> (0, 0, 0, 0)>
module attributes {stable_mosaic.version = 14 : i64} {
  func.func @agg_kernel(%arg0: i32, %arg1: i32, %arg2: memref<2x10240x64xf32, #tpu.memory_space<hbm>>, %arg3: memref<2x320000xi32, #tpu.memory_space<hbm>>, %arg4: memref<2x2x10240x64xf32, #tpu.memory_space<hbm>>, %arg5: memref<2x10240xi32, #tpu.memory_space<vmem>>, %arg6: memref<128x64xf32, #tpu.memory_space<vmem>>, %arg7: memref<128x64xf32, #tpu.memory_space<vmem>>, %arg8: memref<10240x64xf32, #tpu.memory_space<vmem_shared>>, %arg9: memref<!tpu.dma_semaphore, #tpu.memory_space<semaphore_mem>>, %arg10: memref<!tpu.dma_semaphore, #tpu.memory_space<semaphore_mem>>) attributes {dimension_semantics = [#tpu.dimension_semantics<core_parallel>, #tpu.dimension_semantics<subcore_parallel>], iteration_bounds = array<i64: 2, 16>, scalar_prefetch = 0 : i64, scratch_operands = 6 : i64, tpu.core_type = #tpu.core_type<sc_vector_subcore>, window_params = [{transform_indices = #map}, {transform_indices = #map1}, {transform_indices = #map2}]} {
    %eq3A = arith.constant 0 : i32
    %eq3A_0 = arith.cmpi eq, %arg0, %eq3A : i32
    %convert_element_type3A = arith.extui %eq3A_0 : i1 to i32
    %cond3A = arith.constant 0 : i32
    %cond3A_1 = arith.cmpi ne, %convert_element_type3A, %cond3A : i32
    scf.if %cond3A_1 {
      %mul3A = arith.constant 10240 : i32
      %mul3A_110 = arith.muli %arg1, %mul3A : i32
      "tpu.region"() ({
        %run_scoped3A = tpu.sem_alloc : memref<!tpu.dma_semaphore, #tpu.memory_space<semaphore_mem>>
        %dma_start3A_111 = arith.constant 0 : i32
        %dma_start3A_112 = tpu.memref_slice %arg3[%dma_start3A_111, %mul3A_110] : memref<2x320000xi32, #tpu.memory_space<hbm>> -> memref<2x10240xi32, #tpu.memory_space<hbm>>
        %dma_start3A_113 = arith.constant 0 : i32
        %dma_start3A_114 = tpu.memref_slice %arg3[%dma_start3A_113, %mul3A_110] : memref<2x320000xi32, #tpu.memory_space<hbm>> -> memref<2x10240xi32, #tpu.memory_space<hbm>>
        tpu.enqueue_dma source(%dma_start3A_114 : memref<2x10240xi32, #tpu.memory_space<hbm>>) target(%arg5 : memref<2x10240xi32, #tpu.memory_space<vmem>>) target_semaphore(%run_scoped3A : memref<!tpu.dma_semaphore, #tpu.memory_space<semaphore_mem>>)
        %dma_wait3A = arith.constant 0 : i32
        %dma_wait3A_115 = tpu.memref_slice %arg3[%dma_wait3A, %mul3A_110] : memref<2x320000xi32, #tpu.memory_space<hbm>> -> memref<2x10240xi32, #tpu.memory_space<hbm>>
        %dma_wait3A_116 = arith.constant 0 : i32
        %dma_wait3A_117 = tpu.memref_slice %arg3[%dma_wait3A_116, %mul3A_110] : memref<2x320000xi32, #tpu.memory_space<hbm>> -> memref<2x10240xi32, #tpu.memory_space<hbm>>
        tpu.wait_dma2 semaphore(%run_scoped3A : memref<!tpu.dma_semaphore, #tpu.memory_space<semaphore_mem>>) src(%dma_wait3A_117 : memref<2x10240xi32, #tpu.memory_space<hbm>>) dst(%arg5 : memref<2x10240xi32, #tpu.memory_space<vmem>>)
        tpu.yield
      }) : () -> ()
    } else {
    }
    %ne3A = arith.constant 0 : i32
    %ne3A_2 = arith.cmpi ne, %arg0, %ne3A : i32
    %ne3A_3 = arith.constant 15 : i32
    %ne3A_4 = arith.cmpi ne, %arg1, %ne3A_3 : i32
    %and3A = arith.andi %ne3A_2, %ne3A_4 : i1
    %convert_element_type3A_5 = arith.extui %and3A : i1 to i32
    %cond3A_6 = arith.constant 0 : i32
    %cond3A_7 = arith.cmpi ne, %convert_element_type3A_5, %cond3A_6 : i32
    scf.if %cond3A_7 {
      %mul3A = arith.constant 9984 : i32
      %mul3A_110 = arith.muli %arg1, %mul3A : i32
      %add3A_111 = arith.constant 163840 : i32
      %add3A_112 = arith.addi %add3A_111, %mul3A_110 : i32
      "tpu.region"() ({
        %run_scoped3A = tpu.sem_alloc : memref<!tpu.dma_semaphore, #tpu.memory_space<semaphore_mem>>
        %dma_start3A_113 = arith.constant 0 : i32
        %dma_start3A_114 = arith.constant 0 : i32
        %dma_start3A_115 = tpu.memref_slice %arg5[%dma_start3A_113, %dma_start3A_114] : memref<2x10240xi32, #tpu.memory_space<vmem>> -> memref<2x9984xi32, #tpu.memory_space<vmem>>
        %dma_start3A_116 = arith.constant 0 : i32
        %dma_start3A_117 = tpu.memref_slice %arg3[%dma_start3A_116, %add3A_112] : memref<2x320000xi32, #tpu.memory_space<hbm>> -> memref<2x9984xi32, #tpu.memory_space<hbm>>
        %dma_start3A_118 = arith.constant 0 : i32
        %dma_start3A_119 = arith.constant 0 : i32
        %dma_start3A_120 = tpu.memref_slice %arg5[%dma_start3A_118, %dma_start3A_119] : memref<2x10240xi32, #tpu.memory_space<vmem>> -> memref<2x9984xi32, #tpu.memory_space<vmem>>
        %dma_start3A_121 = arith.constant 0 : i32
        %dma_start3A_122 = tpu.memref_slice %arg3[%dma_start3A_121, %add3A_112] : memref<2x320000xi32, #tpu.memory_space<hbm>> -> memref<2x9984xi32, #tpu.memory_space<hbm>>
        tpu.enqueue_dma source(%dma_start3A_122 : memref<2x9984xi32, #tpu.memory_space<hbm>>) target(%dma_start3A_120 : memref<2x9984xi32, #tpu.memory_space<vmem>>) target_semaphore(%run_scoped3A : memref<!tpu.dma_semaphore, #tpu.memory_space<semaphore_mem>>)
        %dma_wait3A = arith.constant 0 : i32
        %dma_wait3A_123 = arith.constant 0 : i32
        %dma_wait3A_124 = tpu.memref_slice %arg5[%dma_wait3A, %dma_wait3A_123] : memref<2x10240xi32, #tpu.memory_space<vmem>> -> memref<2x9984xi32, #tpu.memory_space<vmem>>
        %dma_wait3A_125 = arith.constant 0 : i32
        %dma_wait3A_126 = tpu.memref_slice %arg3[%dma_wait3A_125, %add3A_112] : memref<2x320000xi32, #tpu.memory_space<hbm>> -> memref<2x9984xi32, #tpu.memory_space<hbm>>
        %dma_wait3A_127 = arith.constant 0 : i32
        %dma_wait3A_128 = arith.constant 0 : i32
        %dma_wait3A_129 = tpu.memref_slice %arg5[%dma_wait3A_127, %dma_wait3A_128] : memref<2x10240xi32, #tpu.memory_space<vmem>> -> memref<2x9984xi32, #tpu.memory_space<vmem>>
        %dma_wait3A_130 = arith.constant 0 : i32
        %dma_wait3A_131 = tpu.memref_slice %arg3[%dma_wait3A_130, %add3A_112] : memref<2x320000xi32, #tpu.memory_space<hbm>> -> memref<2x9984xi32, #tpu.memory_space<hbm>>
        tpu.wait_dma2 semaphore(%run_scoped3A : memref<!tpu.dma_semaphore, #tpu.memory_space<semaphore_mem>>) src(%dma_wait3A_131 : memref<2x9984xi32, #tpu.memory_space<hbm>>) dst(%dma_wait3A_129 : memref<2x9984xi32, #tpu.memory_space<vmem>>)
        tpu.yield
      }) : () -> ()
    } else {
    }
    %ne3A_8 = arith.constant 0 : i32
    %ne3A_9 = arith.cmpi ne, %arg0, %ne3A_8 : i32
    %eq3A_10 = arith.constant 15 : i32
    %eq3A_11 = arith.cmpi eq, %arg1, %eq3A_10 : i32
    %and3A_12 = arith.andi %ne3A_9, %eq3A_11 : i1
    %convert_element_type3A_13 = arith.extui %and3A_12 : i1 to i32
    %cond3A_14 = arith.constant 0 : i32
    %cond3A_15 = arith.cmpi ne, %convert_element_type3A_13, %cond3A_14 : i32
    scf.if %cond3A_15 {
      "tpu.region"() ({
        %run_scoped3A = tpu.sem_alloc : memref<!tpu.dma_semaphore, #tpu.memory_space<semaphore_mem>>
        %dma_start3A_110 = arith.constant 0 : i32
        %dma_start3A_111 = arith.constant 0 : i32
        %dma_start3A_112 = tpu.memref_slice %arg5[%dma_start3A_110, %dma_start3A_111] : memref<2x10240xi32, #tpu.memory_space<vmem>> -> memref<2x6400xi32, #tpu.memory_space<vmem>>
        %dma_start3A_113 = arith.constant 0 : i32
        %dma_start3A_114 = arith.constant 313600 : i32
        %dma_start3A_115 = tpu.memref_slice %arg3[%dma_start3A_113, %dma_start3A_114] : memref<2x320000xi32, #tpu.memory_space<hbm>> -> memref<2x6400xi32, #tpu.memory_space<hbm>>
        %dma_start3A_116 = arith.constant 0 : i32
        %dma_start3A_117 = arith.constant 0 : i32
        %dma_start3A_118 = tpu.memref_slice %arg5[%dma_start3A_116, %dma_start3A_117] : memref<2x10240xi32, #tpu.memory_space<vmem>> -> memref<2x6400xi32, #tpu.memory_space<vmem>>
        %dma_start3A_119 = arith.constant 0 : i32
        %dma_start3A_120 = arith.constant 313600 : i32
        %dma_start3A_121 = tpu.memref_slice %arg3[%dma_start3A_119, %dma_start3A_120] : memref<2x320000xi32, #tpu.memory_space<hbm>> -> memref<2x6400xi32, #tpu.memory_space<hbm>>
        tpu.enqueue_dma source(%dma_start3A_121 : memref<2x6400xi32, #tpu.memory_space<hbm>>) target(%dma_start3A_118 : memref<2x6400xi32, #tpu.memory_space<vmem>>) target_semaphore(%run_scoped3A : memref<!tpu.dma_semaphore, #tpu.memory_space<semaphore_mem>>)
        %dma_wait3A = arith.constant 0 : i32
        %dma_wait3A_122 = arith.constant 0 : i32
        %dma_wait3A_123 = tpu.memref_slice %arg5[%dma_wait3A, %dma_wait3A_122] : memref<2x10240xi32, #tpu.memory_space<vmem>> -> memref<2x6400xi32, #tpu.memory_space<vmem>>
        %dma_wait3A_124 = arith.constant 0 : i32
        %dma_wait3A_125 = arith.constant 313600 : i32
        %dma_wait3A_126 = tpu.memref_slice %arg3[%dma_wait3A_124, %dma_wait3A_125] : memref<2x320000xi32, #tpu.memory_space<hbm>> -> memref<2x6400xi32, #tpu.memory_space<hbm>>
        %dma_wait3A_127 = arith.constant 0 : i32
        %dma_wait3A_128 = arith.constant 0 : i32
        %dma_wait3A_129 = tpu.memref_slice %arg5[%dma_wait3A_127, %dma_wait3A_128] : memref<2x10240xi32, #tpu.memory_space<vmem>> -> memref<2x6400xi32, #tpu.memory_space<vmem>>
        %dma_wait3A_130 = arith.constant 0 : i32
        %dma_wait3A_131 = arith.constant 313600 : i32
        %dma_wait3A_132 = tpu.memref_slice %arg3[%dma_wait3A_130, %dma_wait3A_131] : memref<2x320000xi32, #tpu.memory_space<hbm>> -> memref<2x6400xi32, #tpu.memory_space<hbm>>
        tpu.wait_dma2 semaphore(%run_scoped3A : memref<!tpu.dma_semaphore, #tpu.memory_space<semaphore_mem>>) src(%dma_wait3A_132 : memref<2x6400xi32, #tpu.memory_space<hbm>>) dst(%dma_wait3A_129 : memref<2x6400xi32, #tpu.memory_space<vmem>>)
        tpu.yield
      }) : () -> ()
    } else {
    }
    %eq3A_16 = arith.constant 0 : i32
    %eq3A_17 = arith.cmpi eq, %arg0, %eq3A_16 : i32
    %eq3A_18 = arith.constant 15 : i32
    %eq3A_19 = arith.cmpi eq, %arg1, %eq3A_18 : i32
    %jit3A = arith.constant 50 : i32
    %jit3A_20 = arith.constant 78 : i32
    %select_n3A = arith.select %eq3A_19, %jit3A, %jit3A_20 : i32
    %jit3A_21 = arith.constant 80 : i32
    %select_n3A_22 = arith.select %eq3A_17, %jit3A_21, %select_n3A : i32
    %scan3A = arith.constant 0 : i32
    %scan3A_23 = arith.constant 0 : i32
    %scan3A_24 = arith.constant 5 : i32
    %scan3A_25 = arith.addi %scan3A_23, %scan3A_24 : i32
    %scan3A_26 = arith.constant 1 : i32
    scf.for %scan3A_110 = %scan3A_23 to %scan3A_25 step %scan3A_26  : i32 {
      %mul3A = arith.constant 1 : i32
      %mul3A_111 = arith.muli %scan3A_110, %mul3A : i32
      %add3A_112 = arith.constant 0 : i32
      %add3A_113 = arith.addi %add3A_112, %mul3A_111 : i32
      %mul3A_114 = arith.constant 640 : i32
      %mul3A_115 = arith.muli %arg1, %mul3A_114 : i32
      %mul3A_116 = arith.constant 128 : i32
      %mul3A_117 = arith.muli %add3A_113, %mul3A_116 : i32
      %add3A_118 = arith.addi %mul3A_115, %mul3A_117 : i32
      "tpu.region"() ({
        %run_scoped3A = tpu.sem_alloc : memref<!tpu.dma_semaphore, #tpu.memory_space<semaphore_mem>>
        %dma_start3A_119 = arith.constant 0 : i32
        %dma_start3A_120 = arith.constant 0 : i32
        %dma_start3A_121 = tpu.memref_slice %arg2[%scan3A, %dma_start3A_119, %dma_start3A_120] : memref<2x10240x64xf32, #tpu.memory_space<hbm>> -> memref<1x10240x64xf32, #tpu.memory_space<hbm>>
        %dma_start3A_122 = tpu.memref_squeeze %dma_start3A_121 : memref<1x10240x64xf32, #tpu.memory_space<hbm>> -> memref<10240x64xf32, #tpu.memory_space<hbm>>
        %dma_start3A_123 = arith.constant 0 : i32
        %dma_start3A_124 = tpu.memref_slice %dma_start3A_122[%add3A_118, %dma_start3A_123] : memref<10240x64xf32, #tpu.memory_space<hbm>> -> memref<128x64xf32, #tpu.memory_space<hbm>>
        %dma_start3A_125 = arith.constant 0 : i32
        %dma_start3A_126 = arith.constant 0 : i32
        %dma_start3A_127 = tpu.memref_slice %arg2[%scan3A, %dma_start3A_125, %dma_start3A_126] : memref<2x10240x64xf32, #tpu.memory_space<hbm>> -> memref<1x10240x64xf32, #tpu.memory_space<hbm>>
        %dma_start3A_128 = tpu.memref_squeeze %dma_start3A_127 : memref<1x10240x64xf32, #tpu.memory_space<hbm>> -> memref<10240x64xf32, #tpu.memory_space<hbm>>
        %dma_start3A_129 = arith.constant 0 : i32
        %dma_start3A_130 = tpu.memref_slice %dma_start3A_128[%add3A_118, %dma_start3A_129] : memref<10240x64xf32, #tpu.memory_space<hbm>> -> memref<128x64xf32, #tpu.memory_space<hbm>>
        tpu.enqueue_dma source(%dma_start3A_130 : memref<128x64xf32, #tpu.memory_space<hbm>>) target(%arg6 : memref<128x64xf32, #tpu.memory_space<vmem>>) target_semaphore(%run_scoped3A : memref<!tpu.dma_semaphore, #tpu.memory_space<semaphore_mem>>)
        %dma_wait3A = arith.constant 0 : i32
        %dma_wait3A_131 = arith.constant 0 : i32
        %dma_wait3A_132 = tpu.memref_slice %arg2[%scan3A, %dma_wait3A, %dma_wait3A_131] : memref<2x10240x64xf32, #tpu.memory_space<hbm>> -> memref<1x10240x64xf32, #tpu.memory_space<hbm>>
        %dma_wait3A_133 = tpu.memref_squeeze %dma_wait3A_132 : memref<1x10240x64xf32, #tpu.memory_space<hbm>> -> memref<10240x64xf32, #tpu.memory_space<hbm>>
        %dma_wait3A_134 = arith.constant 0 : i32
        %dma_wait3A_135 = tpu.memref_slice %dma_wait3A_133[%add3A_118, %dma_wait3A_134] : memref<10240x64xf32, #tpu.memory_space<hbm>> -> memref<128x64xf32, #tpu.memory_space<hbm>>
        %dma_wait3A_136 = arith.constant 0 : i32
        %dma_wait3A_137 = arith.constant 0 : i32
        %dma_wait3A_138 = tpu.memref_slice %arg2[%scan3A, %dma_wait3A_136, %dma_wait3A_137] : memref<2x10240x64xf32, #tpu.memory_space<hbm>> -> memref<1x10240x64xf32, #tpu.memory_space<hbm>>
        %dma_wait3A_139 = tpu.memref_squeeze %dma_wait3A_138 : memref<1x10240x64xf32, #tpu.memory_space<hbm>> -> memref<10240x64xf32, #tpu.memory_space<hbm>>
        %dma_wait3A_140 = arith.constant 0 : i32
        %dma_wait3A_141 = tpu.memref_slice %dma_wait3A_139[%add3A_118, %dma_wait3A_140] : memref<10240x64xf32, #tpu.memory_space<hbm>> -> memref<128x64xf32, #tpu.memory_space<hbm>>
        tpu.wait_dma2 semaphore(%run_scoped3A : memref<!tpu.dma_semaphore, #tpu.memory_space<semaphore_mem>>) src(%dma_wait3A_141 : memref<128x64xf32, #tpu.memory_space<hbm>>) dst(%arg6 : memref<128x64xf32, #tpu.memory_space<vmem>>)
        tpu.yield
      }) : () -> ()
      "tpu.region"() ({
        %run_scoped3A = tpu.sem_alloc : memref<!tpu.dma_semaphore, #tpu.memory_space<semaphore_mem>>
        %dma_start3A_119 = arith.constant 0 : i32
        %dma_start3A_120 = tpu.memref_slice %arg8[%add3A_118, %dma_start3A_119] : memref<10240x64xf32, #tpu.memory_space<vmem_shared>> -> memref<128x64xf32, #tpu.memory_space<vmem_shared>>
        %dma_start3A_121 = arith.constant 0 : i32
        %dma_start3A_122 = tpu.memref_slice %arg8[%add3A_118, %dma_start3A_121] : memref<10240x64xf32, #tpu.memory_space<vmem_shared>> -> memref<128x64xf32, #tpu.memory_space<vmem_shared>>
        tpu.enqueue_dma source(%arg6 : memref<128x64xf32, #tpu.memory_space<vmem>>) target(%dma_start3A_122 : memref<128x64xf32, #tpu.memory_space<vmem_shared>>) target_semaphore(%run_scoped3A : memref<!tpu.dma_semaphore, #tpu.memory_space<semaphore_mem>>)
        %dma_wait3A = arith.constant 0 : i32
        %dma_wait3A_123 = tpu.memref_slice %arg8[%add3A_118, %dma_wait3A] : memref<10240x64xf32, #tpu.memory_space<vmem_shared>> -> memref<128x64xf32, #tpu.memory_space<vmem_shared>>
        %dma_wait3A_124 = arith.constant 0 : i32
        %dma_wait3A_125 = tpu.memref_slice %arg8[%add3A_118, %dma_wait3A_124] : memref<10240x64xf32, #tpu.memory_space<vmem_shared>> -> memref<128x64xf32, #tpu.memory_space<vmem_shared>>
        tpu.wait_dma2 semaphore(%run_scoped3A : memref<!tpu.dma_semaphore, #tpu.memory_space<semaphore_mem>>) src(%arg6 : memref<128x64xf32, #tpu.memory_space<vmem>>) dst(%dma_wait3A_125 : memref<128x64xf32, #tpu.memory_space<vmem_shared>>)
        tpu.yield
      }) : () -> ()
    }
    %scan3A_27 = arith.constant 5 : i32
    %barrier3A = arith.constant 0 : index
    tpu.barrier barrier_id(%barrier3A)
    %dma_start3A = arith.constant 0 : i32
    %dma_start3A_28 = arith.constant 0 : i32
    %dma_start3A_29 = arith.constant 0 : i32
    %dma_start3A_30 = tpu.memref_slice %arg5[%dma_start3A_28, %dma_start3A_29] : memref<2x10240xi32, #tpu.memory_space<vmem>> -> memref<1x128xi32, #tpu.memory_space<vmem>>
    %dma_start3A_31 = tpu.memref_squeeze %dma_start3A_30 : memref<1x128xi32, #tpu.memory_space<vmem>> -> memref<128xi32, #tpu.memory_space<vmem>>
    %dma_start3A_32 = arith.constant 0 : i32
    %dma_start3A_33 = arith.constant 0 : i32
    %dma_start3A_34 = tpu.memref_slice %arg2[%dma_start3A, %dma_start3A_32, %dma_start3A_33] : memref<2x10240x64xf32, #tpu.memory_space<hbm>> -> memref<1x10240x64xf32, #tpu.memory_space<hbm>>
    %dma_start3A_35 = tpu.memref_squeeze %dma_start3A_34 : memref<1x10240x64xf32, #tpu.memory_space<hbm>> -> memref<10240x64xf32, #tpu.memory_space<hbm>>
    %dma_start3A_36 = arith.constant 0 : i32
    %dma_start3A_37 = arith.constant 0 : i32
    %dma_start3A_38 = tpu.memref_slice %dma_start3A_35[%dma_start3A_36, %dma_start3A_37] : memref<10240x64xf32, #tpu.memory_space<hbm>> -> memref<10240x64xf32, #tpu.memory_space<hbm>>
    tpu.enqueue_indirect_dma source(%dma_start3A_38 : memref<10240x64xf32, #tpu.memory_space<hbm>>) target(%arg6 : memref<128x64xf32, #tpu.memory_space<vmem>>) offsets(%dma_start3A_31 : memref<128xi32, #tpu.memory_space<vmem>>) semaphore(%arg9 : memref<!tpu.dma_semaphore, #tpu.memory_space<semaphore_mem>>)
    %sub3A = arith.constant 0 : i32
    %sub3A_39 = arith.subi %select_n3A_22, %sub3A : i32
    %sub3A_40 = arith.constant 2 : i32
    %sub3A_41 = arith.constant 1 : i32
    %sub3A_42 = arith.subi %sub3A_40, %sub3A_41 : i32
    %add3A = arith.addi %sub3A_39, %sub3A_42 : i32
    %div3A = arith.constant 2 : i32
    %div3A_43 = arith.divsi %add3A, %div3A : i32
    %while3A = arith.constant 2 : i32
    %while3A_44 = arith.constant 0 : i32
    %while3A_45 = arith.constant 0 : i32
    %while3A_46 = arith.constant 0 : i32
    %while3A_47 = arith.subi %div3A_43, %while3A_46 : i32
    %while3A_48 = arith.addi %while3A_46, %while3A_47 : i32
    %while3A_49 = arith.constant 1 : i32
    %while3A_50 = arith.divsi %while3A_47, %while3A_49 : i32
    %while3A_51 = arith.muli %while3A_50, %while3A_49 : i32
    %while3A_52 = arith.addi %while3A_46, %while3A_51 : i32
    %while3A_53 = arith.constant 1 : i32
    scf.for %while3A_110 = %while3A_46 to %while3A_52 step %while3A_53  : i32 {
      %mul3A = arith.muli %while3A_110, %while3A : i32
      %add3A_111 = arith.addi %while3A_44, %mul3A : i32
      %add3A_112 = arith.constant 1 : i32
      %add3A_113 = arith.addi %add3A_111, %add3A_112 : i32
      %mul3A_114 = arith.constant 128 : i32
      %mul3A_115 = arith.muli %add3A_113, %mul3A_114 : i32
      %dma_start3A_116 = arith.constant 0 : i32
      %dma_start3A_117 = tpu.memref_slice %arg5[%dma_start3A_116, %mul3A_115] : memref<2x10240xi32, #tpu.memory_space<vmem>> -> memref<1x128xi32, #tpu.memory_space<vmem>>
      %dma_start3A_118 = tpu.memref_squeeze %dma_start3A_117 : memref<1x128xi32, #tpu.memory_space<vmem>> -> memref<128xi32, #tpu.memory_space<vmem>>
      %dma_start3A_119 = arith.constant 0 : i32
      %dma_start3A_120 = arith.constant 0 : i32
      %dma_start3A_121 = tpu.memref_slice %arg2[%while3A_45, %dma_start3A_119, %dma_start3A_120] : memref<2x10240x64xf32, #tpu.memory_space<hbm>> -> memref<1x10240x64xf32, #tpu.memory_space<hbm>>
      %dma_start3A_122 = tpu.memref_squeeze %dma_start3A_121 : memref<1x10240x64xf32, #tpu.memory_space<hbm>> -> memref<10240x64xf32, #tpu.memory_space<hbm>>
      %dma_start3A_123 = arith.constant 0 : i32
      %dma_start3A_124 = arith.constant 0 : i32
      %dma_start3A_125 = tpu.memref_slice %dma_start3A_122[%dma_start3A_123, %dma_start3A_124] : memref<10240x64xf32, #tpu.memory_space<hbm>> -> memref<10240x64xf32, #tpu.memory_space<hbm>>
      tpu.enqueue_indirect_dma source(%dma_start3A_125 : memref<10240x64xf32, #tpu.memory_space<hbm>>) target(%arg7 : memref<128x64xf32, #tpu.memory_space<vmem>>) offsets(%dma_start3A_118 : memref<128xi32, #tpu.memory_space<vmem>>) semaphore(%arg10 : memref<!tpu.dma_semaphore, #tpu.memory_space<semaphore_mem>>)
      %mul3A_126 = arith.constant 128 : i32
      %mul3A_127 = arith.muli %add3A_111, %mul3A_126 : i32
      %dma_wait3A = arith.constant 0 : i32
      %dma_wait3A_128 = tpu.memref_slice %arg5[%dma_wait3A, %mul3A_127] : memref<2x10240xi32, #tpu.memory_space<vmem>> -> memref<1x128xi32, #tpu.memory_space<vmem>>
      %dma_wait3A_129 = tpu.memref_squeeze %dma_wait3A_128 : memref<1x128xi32, #tpu.memory_space<vmem>> -> memref<128xi32, #tpu.memory_space<vmem>>
      %dma_wait3A_130 = arith.constant 0 : i32
      %dma_wait3A_131 = arith.constant 0 : i32
      %dma_wait3A_132 = tpu.memref_slice %arg2[%while3A_45, %dma_wait3A_130, %dma_wait3A_131] : memref<2x10240x64xf32, #tpu.memory_space<hbm>> -> memref<1x10240x64xf32, #tpu.memory_space<hbm>>
      %dma_wait3A_133 = tpu.memref_squeeze %dma_wait3A_132 : memref<1x10240x64xf32, #tpu.memory_space<hbm>> -> memref<10240x64xf32, #tpu.memory_space<hbm>>
      %dma_wait3A_134 = arith.constant 0 : i32
      %dma_wait3A_135 = arith.constant 0 : i32
      %dma_wait3A_136 = tpu.memref_slice %dma_wait3A_133[%dma_wait3A_134, %dma_wait3A_135] : memref<10240x64xf32, #tpu.memory_space<hbm>> -> memref<10240x64xf32, #tpu.memory_space<hbm>>
      tpu.wait_indirect_dma semaphore(%arg9 : memref<!tpu.dma_semaphore, #tpu.memory_space<semaphore_mem>>) src(%dma_wait3A_136 : memref<10240x64xf32, #tpu.memory_space<hbm>>) dst(%arg6 : memref<128x64xf32, #tpu.memory_space<vmem>>)
      %mul3A_137 = arith.constant 128 : i32
      %mul3A_138 = arith.muli %add3A_111, %mul3A_137 : i32
      %run_scoped3A = arith.constant 1 : i32
      "tpu.region"() ({
        %run_scoped3A_163 = tpu.sem_alloc : memref<!tpu.dma_semaphore, #tpu.memory_space<semaphore_mem>>
        %dma_start3A_164 = tpu.memref_slice %arg5[%run_scoped3A, %mul3A_138] : memref<2x10240xi32, #tpu.memory_space<vmem>> -> memref<1x128xi32, #tpu.memory_space<vmem>>
        %dma_start3A_165 = tpu.memref_squeeze %dma_start3A_164 : memref<1x128xi32, #tpu.memory_space<vmem>> -> memref<128xi32, #tpu.memory_space<vmem>>
        %dma_start3A_166 = arith.constant 0 : i32
        %dma_start3A_167 = arith.constant 0 : i32
        %dma_start3A_168 = tpu.memref_slice %arg8[%dma_start3A_166, %dma_start3A_167] : memref<10240x64xf32, #tpu.memory_space<vmem_shared>> -> memref<10240x64xf32, #tpu.memory_space<vmem_shared>>
        tpu.enqueue_indirect_dma source(%arg6 : memref<128x64xf32, #tpu.memory_space<vmem>>) target(%dma_start3A_168 : memref<10240x64xf32, #tpu.memory_space<vmem_shared>>) offsets(%dma_start3A_165 : memref<128xi32, #tpu.memory_space<vmem>>) semaphore(%run_scoped3A_163 : memref<!tpu.dma_semaphore, #tpu.memory_space<semaphore_mem>>) {add = true}
        %dma_wait3A_169 = tpu.memref_slice %arg5[%run_scoped3A, %mul3A_138] : memref<2x10240xi32, #tpu.memory_space<vmem>> -> memref<1x128xi32, #tpu.memory_space<vmem>>
        %dma_wait3A_170 = tpu.memref_squeeze %dma_wait3A_169 : memref<1x128xi32, #tpu.memory_space<vmem>> -> memref<128xi32, #tpu.memory_space<vmem>>
        %dma_wait3A_171 = arith.constant 0 : i32
        %dma_wait3A_172 = arith.constant 0 : i32
        %dma_wait3A_173 = tpu.memref_slice %arg8[%dma_wait3A_171, %dma_wait3A_172] : memref<10240x64xf32, #tpu.memory_space<vmem_shared>> -> memref<10240x64xf32, #tpu.memory_space<vmem_shared>>
        tpu.wait_indirect_dma semaphore(%run_scoped3A_163 : memref<!tpu.dma_semaphore, #tpu.memory_space<semaphore_mem>>) src(%arg6 : memref<128x64xf32, #tpu.memory_space<vmem>>) dst(%dma_wait3A_173 : memref<10240x64xf32, #tpu.memory_space<vmem_shared>>)
        tpu.yield
      }) : () -> ()
      %add3A_139 = arith.constant 2 : i32
      %add3A_140 = arith.addi %add3A_111, %add3A_139 : i32
      %lt3A = arith.cmpi slt, %add3A_140, %select_n3A_22 : i32
      %convert_element_type3A_141 = arith.extui %lt3A : i1 to i32
      %cond3A_142 = arith.constant 0 : i32
      %cond3A_143 = arith.cmpi ne, %convert_element_type3A_141, %cond3A_142 : i32
      scf.if %cond3A_143 {
        %add3A_163 = arith.constant 2 : i32
        %add3A_164 = arith.addi %add3A_111, %add3A_163 : i32
        %mul3A_165 = arith.constant 128 : i32
        %mul3A_166 = arith.muli %add3A_164, %mul3A_165 : i32
        %dma_start3A_167 = arith.constant 0 : i32
        %dma_start3A_168 = tpu.memref_slice %arg5[%dma_start3A_167, %mul3A_166] : memref<2x10240xi32, #tpu.memory_space<vmem>> -> memref<1x128xi32, #tpu.memory_space<vmem>>
        %dma_start3A_169 = tpu.memref_squeeze %dma_start3A_168 : memref<1x128xi32, #tpu.memory_space<vmem>> -> memref<128xi32, #tpu.memory_space<vmem>>
        %dma_start3A_170 = arith.constant 0 : i32
        %dma_start3A_171 = arith.constant 0 : i32
        %dma_start3A_172 = tpu.memref_slice %arg2[%while3A_45, %dma_start3A_170, %dma_start3A_171] : memref<2x10240x64xf32, #tpu.memory_space<hbm>> -> memref<1x10240x64xf32, #tpu.memory_space<hbm>>
        %dma_start3A_173 = tpu.memref_squeeze %dma_start3A_172 : memref<1x10240x64xf32, #tpu.memory_space<hbm>> -> memref<10240x64xf32, #tpu.memory_space<hbm>>
        %dma_start3A_174 = arith.constant 0 : i32
        %dma_start3A_175 = arith.constant 0 : i32
        %dma_start3A_176 = tpu.memref_slice %dma_start3A_173[%dma_start3A_174, %dma_start3A_175] : memref<10240x64xf32, #tpu.memory_space<hbm>> -> memref<10240x64xf32, #tpu.memory_space<hbm>>
        tpu.enqueue_indirect_dma source(%dma_start3A_176 : memref<10240x64xf32, #tpu.memory_space<hbm>>) target(%arg6 : memref<128x64xf32, #tpu.memory_space<vmem>>) offsets(%dma_start3A_169 : memref<128xi32, #tpu.memory_space<vmem>>) semaphore(%arg9 : memref<!tpu.dma_semaphore, #tpu.memory_space<semaphore_mem>>)
      } else {
      }
      %add3A_144 = arith.constant 1 : i32
      %add3A_145 = arith.addi %add3A_111, %add3A_144 : i32
      %mul3A_146 = arith.constant 128 : i32
      %mul3A_147 = arith.muli %add3A_145, %mul3A_146 : i32
      %dma_wait3A_148 = arith.constant 0 : i32
      %dma_wait3A_149 = tpu.memref_slice %arg5[%dma_wait3A_148, %mul3A_147] : memref<2x10240xi32, #tpu.memory_space<vmem>> -> memref<1x128xi32, #tpu.memory_space<vmem>>
      %dma_wait3A_150 = tpu.memref_squeeze %dma_wait3A_149 : memref<1x128xi32, #tpu.memory_space<vmem>> -> memref<128xi32, #tpu.memory_space<vmem>>
      %dma_wait3A_151 = arith.constant 0 : i32
      %dma_wait3A_152 = arith.constant 0 : i32
      %dma_wait3A_153 = tpu.memref_slice %arg2[%while3A_45, %dma_wait3A_151, %dma_wait3A_152] : memref<2x10240x64xf32, #tpu.memory_space<hbm>> -> memref<1x10240x64xf32, #tpu.memory_space<hbm>>
      %dma_wait3A_154 = tpu.memref_squeeze %dma_wait3A_153 : memref<1x10240x64xf32, #tpu.memory_space<hbm>> -> memref<10240x64xf32, #tpu.memory_space<hbm>>
      %dma_wait3A_155 = arith.constant 0 : i32
      %dma_wait3A_156 = arith.constant 0 : i32
      %dma_wait3A_157 = tpu.memref_slice %dma_wait3A_154[%dma_wait3A_155, %dma_wait3A_156] : memref<10240x64xf32, #tpu.memory_space<hbm>> -> memref<10240x64xf32, #tpu.memory_space<hbm>>
      tpu.wait_indirect_dma semaphore(%arg10 : memref<!tpu.dma_semaphore, #tpu.memory_space<semaphore_mem>>) src(%dma_wait3A_157 : memref<10240x64xf32, #tpu.memory_space<hbm>>) dst(%arg7 : memref<128x64xf32, #tpu.memory_space<vmem>>)
      %add3A_158 = arith.constant 1 : i32
      %add3A_159 = arith.addi %add3A_111, %add3A_158 : i32
      %mul3A_160 = arith.constant 128 : i32
      %mul3A_161 = arith.muli %add3A_159, %mul3A_160 : i32
      %run_scoped3A_162 = arith.constant 1 : i32
      "tpu.region"() ({
        %run_scoped3A_163 = tpu.sem_alloc : memref<!tpu.dma_semaphore, #tpu.memory_space<semaphore_mem>>
        %dma_start3A_164 = tpu.memref_slice %arg5[%run_scoped3A_162, %mul3A_161] : memref<2x10240xi32, #tpu.memory_space<vmem>> -> memref<1x128xi32, #tpu.memory_space<vmem>>
        %dma_start3A_165 = tpu.memref_squeeze %dma_start3A_164 : memref<1x128xi32, #tpu.memory_space<vmem>> -> memref<128xi32, #tpu.memory_space<vmem>>
        %dma_start3A_166 = arith.constant 0 : i32
        %dma_start3A_167 = arith.constant 0 : i32
        %dma_start3A_168 = tpu.memref_slice %arg8[%dma_start3A_166, %dma_start3A_167] : memref<10240x64xf32, #tpu.memory_space<vmem_shared>> -> memref<10240x64xf32, #tpu.memory_space<vmem_shared>>
        tpu.enqueue_indirect_dma source(%arg7 : memref<128x64xf32, #tpu.memory_space<vmem>>) target(%dma_start3A_168 : memref<10240x64xf32, #tpu.memory_space<vmem_shared>>) offsets(%dma_start3A_165 : memref<128xi32, #tpu.memory_space<vmem>>) semaphore(%run_scoped3A_163 : memref<!tpu.dma_semaphore, #tpu.memory_space<semaphore_mem>>) {add = true}
        %dma_wait3A_169 = tpu.memref_slice %arg5[%run_scoped3A_162, %mul3A_161] : memref<2x10240xi32, #tpu.memory_space<vmem>> -> memref<1x128xi32, #tpu.memory_space<vmem>>
        %dma_wait3A_170 = tpu.memref_squeeze %dma_wait3A_169 : memref<1x128xi32, #tpu.memory_space<vmem>> -> memref<128xi32, #tpu.memory_space<vmem>>
        %dma_wait3A_171 = arith.constant 0 : i32
        %dma_wait3A_172 = arith.constant 0 : i32
        %dma_wait3A_173 = tpu.memref_slice %arg8[%dma_wait3A_171, %dma_wait3A_172] : memref<10240x64xf32, #tpu.memory_space<vmem_shared>> -> memref<10240x64xf32, #tpu.memory_space<vmem_shared>>
        tpu.wait_indirect_dma semaphore(%run_scoped3A_163 : memref<!tpu.dma_semaphore, #tpu.memory_space<semaphore_mem>>) src(%arg7 : memref<128x64xf32, #tpu.memory_space<vmem>>) dst(%dma_wait3A_173 : memref<10240x64xf32, #tpu.memory_space<vmem_shared>>)
        tpu.yield
      }) : () -> ()
    }
    %while3A_54 = arith.constant 1 : i32
    scf.for %while3A_110 = %while3A_52 to %while3A_48 step %while3A_54  : i32 {
      %mul3A = arith.muli %while3A_110, %while3A : i32
      %add3A_111 = arith.addi %while3A_44, %mul3A : i32
      %add3A_112 = arith.constant 1 : i32
      %add3A_113 = arith.addi %add3A_111, %add3A_112 : i32
      %mul3A_114 = arith.constant 128 : i32
      %mul3A_115 = arith.muli %add3A_113, %mul3A_114 : i32
      %dma_start3A_116 = arith.constant 0 : i32
      %dma_start3A_117 = tpu.memref_slice %arg5[%dma_start3A_116, %mul3A_115] : memref<2x10240xi32, #tpu.memory_space<vmem>> -> memref<1x128xi32, #tpu.memory_space<vmem>>
      %dma_start3A_118 = tpu.memref_squeeze %dma_start3A_117 : memref<1x128xi32, #tpu.memory_space<vmem>> -> memref<128xi32, #tpu.memory_space<vmem>>
      %dma_start3A_119 = arith.constant 0 : i32
      %dma_start3A_120 = arith.constant 0 : i32
      %dma_start3A_121 = tpu.memref_slice %arg2[%while3A_45, %dma_start3A_119, %dma_start3A_120] : memref<2x10240x64xf32, #tpu.memory_space<hbm>> -> memref<1x10240x64xf32, #tpu.memory_space<hbm>>
      %dma_start3A_122 = tpu.memref_squeeze %dma_start3A_121 : memref<1x10240x64xf32, #tpu.memory_space<hbm>> -> memref<10240x64xf32, #tpu.memory_space<hbm>>
      %dma_start3A_123 = arith.constant 0 : i32
      %dma_start3A_124 = arith.constant 0 : i32
      %dma_start3A_125 = tpu.memref_slice %dma_start3A_122[%dma_start3A_123, %dma_start3A_124] : memref<10240x64xf32, #tpu.memory_space<hbm>> -> memref<10240x64xf32, #tpu.memory_space<hbm>>
      tpu.enqueue_indirect_dma source(%dma_start3A_125 : memref<10240x64xf32, #tpu.memory_space<hbm>>) target(%arg7 : memref<128x64xf32, #tpu.memory_space<vmem>>) offsets(%dma_start3A_118 : memref<128xi32, #tpu.memory_space<vmem>>) semaphore(%arg10 : memref<!tpu.dma_semaphore, #tpu.memory_space<semaphore_mem>>)
      %mul3A_126 = arith.constant 128 : i32
      %mul3A_127 = arith.muli %add3A_111, %mul3A_126 : i32
      %dma_wait3A = arith.constant 0 : i32
      %dma_wait3A_128 = tpu.memref_slice %arg5[%dma_wait3A, %mul3A_127] : memref<2x10240xi32, #tpu.memory_space<vmem>> -> memref<1x128xi32, #tpu.memory_space<vmem>>
      %dma_wait3A_129 = tpu.memref_squeeze %dma_wait3A_128 : memref<1x128xi32, #tpu.memory_space<vmem>> -> memref<128xi32, #tpu.memory_space<vmem>>
      %dma_wait3A_130 = arith.constant 0 : i32
      %dma_wait3A_131 = arith.constant 0 : i32
      %dma_wait3A_132 = tpu.memref_slice %arg2[%while3A_45, %dma_wait3A_130, %dma_wait3A_131] : memref<2x10240x64xf32, #tpu.memory_space<hbm>> -> memref<1x10240x64xf32, #tpu.memory_space<hbm>>
      %dma_wait3A_133 = tpu.memref_squeeze %dma_wait3A_132 : memref<1x10240x64xf32, #tpu.memory_space<hbm>> -> memref<10240x64xf32, #tpu.memory_space<hbm>>
      %dma_wait3A_134 = arith.constant 0 : i32
      %dma_wait3A_135 = arith.constant 0 : i32
      %dma_wait3A_136 = tpu.memref_slice %dma_wait3A_133[%dma_wait3A_134, %dma_wait3A_135] : memref<10240x64xf32, #tpu.memory_space<hbm>> -> memref<10240x64xf32, #tpu.memory_space<hbm>>
      tpu.wait_indirect_dma semaphore(%arg9 : memref<!tpu.dma_semaphore, #tpu.memory_space<semaphore_mem>>) src(%dma_wait3A_136 : memref<10240x64xf32, #tpu.memory_space<hbm>>) dst(%arg6 : memref<128x64xf32, #tpu.memory_space<vmem>>)
      %mul3A_137 = arith.constant 128 : i32
      %mul3A_138 = arith.muli %add3A_111, %mul3A_137 : i32
      %run_scoped3A = arith.constant 1 : i32
      "tpu.region"() ({
        %run_scoped3A_163 = tpu.sem_alloc : memref<!tpu.dma_semaphore, #tpu.memory_space<semaphore_mem>>
        %dma_start3A_164 = tpu.memref_slice %arg5[%run_scoped3A, %mul3A_138] : memref<2x10240xi32, #tpu.memory_space<vmem>> -> memref<1x128xi32, #tpu.memory_space<vmem>>
        %dma_start3A_165 = tpu.memref_squeeze %dma_start3A_164 : memref<1x128xi32, #tpu.memory_space<vmem>> -> memref<128xi32, #tpu.memory_space<vmem>>
        %dma_start3A_166 = arith.constant 0 : i32
        %dma_start3A_167 = arith.constant 0 : i32
        %dma_start3A_168 = tpu.memref_slice %arg8[%dma_start3A_166, %dma_start3A_167] : memref<10240x64xf32, #tpu.memory_space<vmem_shared>> -> memref<10240x64xf32, #tpu.memory_space<vmem_shared>>
        tpu.enqueue_indirect_dma source(%arg6 : memref<128x64xf32, #tpu.memory_space<vmem>>) target(%dma_start3A_168 : memref<10240x64xf32, #tpu.memory_space<vmem_shared>>) offsets(%dma_start3A_165 : memref<128xi32, #tpu.memory_space<vmem>>) semaphore(%run_scoped3A_163 : memref<!tpu.dma_semaphore, #tpu.memory_space<semaphore_mem>>) {add = true}
        %dma_wait3A_169 = tpu.memref_slice %arg5[%run_scoped3A, %mul3A_138] : memref<2x10240xi32, #tpu.memory_space<vmem>> -> memref<1x128xi32, #tpu.memory_space<vmem>>
        %dma_wait3A_170 = tpu.memref_squeeze %dma_wait3A_169 : memref<1x128xi32, #tpu.memory_space<vmem>> -> memref<128xi32, #tpu.memory_space<vmem>>
        %dma_wait3A_171 = arith.constant 0 : i32
        %dma_wait3A_172 = arith.constant 0 : i32
        %dma_wait3A_173 = tpu.memref_slice %arg8[%dma_wait3A_171, %dma_wait3A_172] : memref<10240x64xf32, #tpu.memory_space<vmem_shared>> -> memref<10240x64xf32, #tpu.memory_space<vmem_shared>>
        tpu.wait_indirect_dma semaphore(%run_scoped3A_163 : memref<!tpu.dma_semaphore, #tpu.memory_space<semaphore_mem>>) src(%arg6 : memref<128x64xf32, #tpu.memory_space<vmem>>) dst(%dma_wait3A_173 : memref<10240x64xf32, #tpu.memory_space<vmem_shared>>)
        tpu.yield
      }) : () -> ()
      %add3A_139 = arith.constant 2 : i32
      %add3A_140 = arith.addi %add3A_111, %add3A_139 : i32
      %lt3A = arith.cmpi slt, %add3A_140, %select_n3A_22 : i32
      %convert_element_type3A_141 = arith.extui %lt3A : i1 to i32
      %cond3A_142 = arith.constant 0 : i32
      %cond3A_143 = arith.cmpi ne, %convert_element_type3A_141, %cond3A_142 : i32
      scf.if %cond3A_143 {
        %add3A_163 = arith.constant 2 : i32
        %add3A_164 = arith.addi %add3A_111, %add3A_163 : i32
        %mul3A_165 = arith.constant 128 : i32
        %mul3A_166 = arith.muli %add3A_164, %mul3A_165 : i32
        %dma_start3A_167 = arith.constant 0 : i32
        %dma_start3A_168 = tpu.memref_slice %arg5[%dma_start3A_167, %mul3A_166] : memref<2x10240xi32, #tpu.memory_space<vmem>> -> memref<1x128xi32, #tpu.memory_space<vmem>>
        %dma_start3A_169 = tpu.memref_squeeze %dma_start3A_168 : memref<1x128xi32, #tpu.memory_space<vmem>> -> memref<128xi32, #tpu.memory_space<vmem>>
        %dma_start3A_170 = arith.constant 0 : i32
        %dma_start3A_171 = arith.constant 0 : i32
        %dma_start3A_172 = tpu.memref_slice %arg2[%while3A_45, %dma_start3A_170, %dma_start3A_171] : memref<2x10240x64xf32, #tpu.memory_space<hbm>> -> memref<1x10240x64xf32, #tpu.memory_space<hbm>>
        %dma_start3A_173 = tpu.memref_squeeze %dma_start3A_172 : memref<1x10240x64xf32, #tpu.memory_space<hbm>> -> memref<10240x64xf32, #tpu.memory_space<hbm>>
        %dma_start3A_174 = arith.constant 0 : i32
        %dma_start3A_175 = arith.constant 0 : i32
        %dma_start3A_176 = tpu.memref_slice %dma_start3A_173[%dma_start3A_174, %dma_start3A_175] : memref<10240x64xf32, #tpu.memory_space<hbm>> -> memref<10240x64xf32, #tpu.memory_space<hbm>>
        tpu.enqueue_indirect_dma source(%dma_start3A_176 : memref<10240x64xf32, #tpu.memory_space<hbm>>) target(%arg6 : memref<128x64xf32, #tpu.memory_space<vmem>>) offsets(%dma_start3A_169 : memref<128xi32, #tpu.memory_space<vmem>>) semaphore(%arg9 : memref<!tpu.dma_semaphore, #tpu.memory_space<semaphore_mem>>)
      } else {
      }
      %add3A_144 = arith.constant 1 : i32
      %add3A_145 = arith.addi %add3A_111, %add3A_144 : i32
      %mul3A_146 = arith.constant 128 : i32
      %mul3A_147 = arith.muli %add3A_145, %mul3A_146 : i32
      %dma_wait3A_148 = arith.constant 0 : i32
      %dma_wait3A_149 = tpu.memref_slice %arg5[%dma_wait3A_148, %mul3A_147] : memref<2x10240xi32, #tpu.memory_space<vmem>> -> memref<1x128xi32, #tpu.memory_space<vmem>>
      %dma_wait3A_150 = tpu.memref_squeeze %dma_wait3A_149 : memref<1x128xi32, #tpu.memory_space<vmem>> -> memref<128xi32, #tpu.memory_space<vmem>>
      %dma_wait3A_151 = arith.constant 0 : i32
      %dma_wait3A_152 = arith.constant 0 : i32
      %dma_wait3A_153 = tpu.memref_slice %arg2[%while3A_45, %dma_wait3A_151, %dma_wait3A_152] : memref<2x10240x64xf32, #tpu.memory_space<hbm>> -> memref<1x10240x64xf32, #tpu.memory_space<hbm>>
      %dma_wait3A_154 = tpu.memref_squeeze %dma_wait3A_153 : memref<1x10240x64xf32, #tpu.memory_space<hbm>> -> memref<10240x64xf32, #tpu.memory_space<hbm>>
      %dma_wait3A_155 = arith.constant 0 : i32
      %dma_wait3A_156 = arith.constant 0 : i32
      %dma_wait3A_157 = tpu.memref_slice %dma_wait3A_154[%dma_wait3A_155, %dma_wait3A_156] : memref<10240x64xf32, #tpu.memory_space<hbm>> -> memref<10240x64xf32, #tpu.memory_space<hbm>>
      tpu.wait_indirect_dma semaphore(%arg10 : memref<!tpu.dma_semaphore, #tpu.memory_space<semaphore_mem>>) src(%dma_wait3A_157 : memref<10240x64xf32, #tpu.memory_space<hbm>>) dst(%arg7 : memref<128x64xf32, #tpu.memory_space<vmem>>)
      %add3A_158 = arith.constant 1 : i32
      %add3A_159 = arith.addi %add3A_111, %add3A_158 : i32
      %mul3A_160 = arith.constant 128 : i32
      %mul3A_161 = arith.muli %add3A_159, %mul3A_160 : i32
      %run_scoped3A_162 = arith.constant 1 : i32
      "tpu.region"() ({
        %run_scoped3A_163 = tpu.sem_alloc : memref<!tpu.dma_semaphore, #tpu.memory_space<semaphore_mem>>
        %dma_start3A_164 = tpu.memref_slice %arg5[%run_scoped3A_162, %mul3A_161] : memref<2x10240xi32, #tpu.memory_space<vmem>> -> memref<1x128xi32, #tpu.memory_space<vmem>>
        %dma_start3A_165 = tpu.memref_squeeze %dma_start3A_164 : memref<1x128xi32, #tpu.memory_space<vmem>> -> memref<128xi32, #tpu.memory_space<vmem>>
        %dma_start3A_166 = arith.constant 0 : i32
        %dma_start3A_167 = arith.constant 0 : i32
        %dma_start3A_168 = tpu.memref_slice %arg8[%dma_start3A_166, %dma_start3A_167] : memref<10240x64xf32, #tpu.memory_space<vmem_shared>> -> memref<10240x64xf32, #tpu.memory_space<vmem_shared>>
        tpu.enqueue_indirect_dma source(%arg7 : memref<128x64xf32, #tpu.memory_space<vmem>>) target(%dma_start3A_168 : memref<10240x64xf32, #tpu.memory_space<vmem_shared>>) offsets(%dma_start3A_165 : memref<128xi32, #tpu.memory_space<vmem>>) semaphore(%run_scoped3A_163 : memref<!tpu.dma_semaphore, #tpu.memory_space<semaphore_mem>>) {add = true}
        %dma_wait3A_169 = tpu.memref_slice %arg5[%run_scoped3A_162, %mul3A_161] : memref<2x10240xi32, #tpu.memory_space<vmem>> -> memref<1x128xi32, #tpu.memory_space<vmem>>
        %dma_wait3A_170 = tpu.memref_squeeze %dma_wait3A_169 : memref<1x128xi32, #tpu.memory_space<vmem>> -> memref<128xi32, #tpu.memory_space<vmem>>
        %dma_wait3A_171 = arith.constant 0 : i32
        %dma_wait3A_172 = arith.constant 0 : i32
        %dma_wait3A_173 = tpu.memref_slice %arg8[%dma_wait3A_171, %dma_wait3A_172] : memref<10240x64xf32, #tpu.memory_space<vmem_shared>> -> memref<10240x64xf32, #tpu.memory_space<vmem_shared>>
        tpu.wait_indirect_dma semaphore(%run_scoped3A_163 : memref<!tpu.dma_semaphore, #tpu.memory_space<semaphore_mem>>) src(%arg7 : memref<128x64xf32, #tpu.memory_space<vmem>>) dst(%dma_wait3A_173 : memref<10240x64xf32, #tpu.memory_space<vmem_shared>>)
        tpu.yield
      }) : () -> ()
    }
    %barrier3A_55 = arith.constant 0 : index
    tpu.barrier barrier_id(%barrier3A_55)
    %scan3A_56 = arith.constant 0 : i32
    %scan3A_57 = arith.constant 0 : i32
    %scan3A_58 = arith.constant 5 : i32
    %scan3A_59 = arith.addi %scan3A_57, %scan3A_58 : i32
    %scan3A_60 = arith.constant 1 : i32
    scf.for %scan3A_110 = %scan3A_57 to %scan3A_59 step %scan3A_60  : i32 {
      %mul3A = arith.constant 1 : i32
      %mul3A_111 = arith.muli %scan3A_110, %mul3A : i32
      %add3A_112 = arith.constant 0 : i32
      %add3A_113 = arith.addi %add3A_112, %mul3A_111 : i32
      %mul3A_114 = arith.constant 640 : i32
      %mul3A_115 = arith.muli %arg1, %mul3A_114 : i32
      %mul3A_116 = arith.constant 128 : i32
      %mul3A_117 = arith.muli %add3A_113, %mul3A_116 : i32
      %add3A_118 = arith.addi %mul3A_115, %mul3A_117 : i32
      "tpu.region"() ({
        %run_scoped3A = tpu.sem_alloc : memref<!tpu.dma_semaphore, #tpu.memory_space<semaphore_mem>>
        %dma_start3A_119 = arith.constant 0 : i32
        %dma_start3A_120 = tpu.memref_slice %arg8[%add3A_118, %dma_start3A_119] : memref<10240x64xf32, #tpu.memory_space<vmem_shared>> -> memref<128x64xf32, #tpu.memory_space<vmem_shared>>
        %dma_start3A_121 = arith.constant 0 : i32
        %dma_start3A_122 = tpu.memref_slice %arg8[%add3A_118, %dma_start3A_121] : memref<10240x64xf32, #tpu.memory_space<vmem_shared>> -> memref<128x64xf32, #tpu.memory_space<vmem_shared>>
        tpu.enqueue_dma source(%dma_start3A_122 : memref<128x64xf32, #tpu.memory_space<vmem_shared>>) target(%arg6 : memref<128x64xf32, #tpu.memory_space<vmem>>) target_semaphore(%run_scoped3A : memref<!tpu.dma_semaphore, #tpu.memory_space<semaphore_mem>>)
        %dma_wait3A = arith.constant 0 : i32
        %dma_wait3A_123 = tpu.memref_slice %arg8[%add3A_118, %dma_wait3A] : memref<10240x64xf32, #tpu.memory_space<vmem_shared>> -> memref<128x64xf32, #tpu.memory_space<vmem_shared>>
        %dma_wait3A_124 = arith.constant 0 : i32
        %dma_wait3A_125 = tpu.memref_slice %arg8[%add3A_118, %dma_wait3A_124] : memref<10240x64xf32, #tpu.memory_space<vmem_shared>> -> memref<128x64xf32, #tpu.memory_space<vmem_shared>>
        tpu.wait_dma2 semaphore(%run_scoped3A : memref<!tpu.dma_semaphore, #tpu.memory_space<semaphore_mem>>) src(%dma_wait3A_125 : memref<128x64xf32, #tpu.memory_space<vmem_shared>>) dst(%arg6 : memref<128x64xf32, #tpu.memory_space<vmem>>)
        tpu.yield
      }) : () -> ()
      "tpu.region"() ({
        %run_scoped3A = tpu.sem_alloc : memref<!tpu.dma_semaphore, #tpu.memory_space<semaphore_mem>>
        %dma_start3A_119 = arith.constant 0 : i32
        %dma_start3A_120 = arith.constant 0 : i32
        %dma_start3A_121 = arith.constant 0 : i32
        %dma_start3A_122 = tpu.memref_slice %arg4[%scan3A_56, %dma_start3A_119, %dma_start3A_120, %dma_start3A_121] : memref<2x2x10240x64xf32, #tpu.memory_space<hbm>> -> memref<1x2x10240x64xf32, #tpu.memory_space<hbm>>
        %dma_start3A_123 = tpu.memref_squeeze %dma_start3A_122 : memref<1x2x10240x64xf32, #tpu.memory_space<hbm>> -> memref<2x10240x64xf32, #tpu.memory_space<hbm>>
        %dma_start3A_124 = arith.constant 0 : i32
        %dma_start3A_125 = tpu.memref_slice %dma_start3A_123[%arg0, %add3A_118, %dma_start3A_124] : memref<2x10240x64xf32, #tpu.memory_space<hbm>> -> memref<1x128x64xf32, #tpu.memory_space<hbm>>
        %dma_start3A_126 = tpu.memref_squeeze %dma_start3A_125 : memref<1x128x64xf32, #tpu.memory_space<hbm>> -> memref<128x64xf32, #tpu.memory_space<hbm>>
        %dma_start3A_127 = arith.constant 0 : i32
        %dma_start3A_128 = arith.constant 0 : i32
        %dma_start3A_129 = arith.constant 0 : i32
        %dma_start3A_130 = tpu.memref_slice %arg4[%scan3A_56, %dma_start3A_127, %dma_start3A_128, %dma_start3A_129] : memref<2x2x10240x64xf32, #tpu.memory_space<hbm>> -> memref<1x2x10240x64xf32, #tpu.memory_space<hbm>>
        %dma_start3A_131 = tpu.memref_squeeze %dma_start3A_130 : memref<1x2x10240x64xf32, #tpu.memory_space<hbm>> -> memref<2x10240x64xf32, #tpu.memory_space<hbm>>
        %dma_start3A_132 = arith.constant 0 : i32
        %dma_start3A_133 = tpu.memref_slice %dma_start3A_131[%arg0, %add3A_118, %dma_start3A_132] : memref<2x10240x64xf32, #tpu.memory_space<hbm>> -> memref<1x128x64xf32, #tpu.memory_space<hbm>>
        %dma_start3A_134 = tpu.memref_squeeze %dma_start3A_133 : memref<1x128x64xf32, #tpu.memory_space<hbm>> -> memref<128x64xf32, #tpu.memory_space<hbm>>
        tpu.enqueue_dma source(%arg6 : memref<128x64xf32, #tpu.memory_space<vmem>>) target(%dma_start3A_134 : memref<128x64xf32, #tpu.memory_space<hbm>>) target_semaphore(%run_scoped3A : memref<!tpu.dma_semaphore, #tpu.memory_space<semaphore_mem>>)
        %dma_wait3A = arith.constant 0 : i32
        %dma_wait3A_135 = arith.constant 0 : i32
        %dma_wait3A_136 = arith.constant 0 : i32
        %dma_wait3A_137 = tpu.memref_slice %arg4[%scan3A_56, %dma_wait3A, %dma_wait3A_135, %dma_wait3A_136] : memref<2x2x10240x64xf32, #tpu.memory_space<hbm>> -> memref<1x2x10240x64xf32, #tpu.memory_space<hbm>>
        %dma_wait3A_138 = tpu.memref_squeeze %dma_wait3A_137 : memref<1x2x10240x64xf32, #tpu.memory_space<hbm>> -> memref<2x10240x64xf32, #tpu.memory_space<hbm>>
        %dma_wait3A_139 = arith.constant 0 : i32
        %dma_wait3A_140 = tpu.memref_slice %dma_wait3A_138[%arg0, %add3A_118, %dma_wait3A_139] : memref<2x10240x64xf32, #tpu.memory_space<hbm>> -> memref<1x128x64xf32, #tpu.memory_space<hbm>>
        %dma_wait3A_141 = tpu.memref_squeeze %dma_wait3A_140 : memref<1x128x64xf32, #tpu.memory_space<hbm>> -> memref<128x64xf32, #tpu.memory_space<hbm>>
        %dma_wait3A_142 = arith.constant 0 : i32
        %dma_wait3A_143 = arith.constant 0 : i32
        %dma_wait3A_144 = arith.constant 0 : i32
        %dma_wait3A_145 = tpu.memref_slice %arg4[%scan3A_56, %dma_wait3A_142, %dma_wait3A_143, %dma_wait3A_144] : memref<2x2x10240x64xf32, #tpu.memory_space<hbm>> -> memref<1x2x10240x64xf32, #tpu.memory_space<hbm>>
        %dma_wait3A_146 = tpu.memref_squeeze %dma_wait3A_145 : memref<1x2x10240x64xf32, #tpu.memory_space<hbm>> -> memref<2x10240x64xf32, #tpu.memory_space<hbm>>
        %dma_wait3A_147 = arith.constant 0 : i32
        %dma_wait3A_148 = tpu.memref_slice %dma_wait3A_146[%arg0, %add3A_118, %dma_wait3A_147] : memref<2x10240x64xf32, #tpu.memory_space<hbm>> -> memref<1x128x64xf32, #tpu.memory_space<hbm>>
        %dma_wait3A_149 = tpu.memref_squeeze %dma_wait3A_148 : memref<1x128x64xf32, #tpu.memory_space<hbm>> -> memref<128x64xf32, #tpu.memory_space<hbm>>
        tpu.wait_dma2 semaphore(%run_scoped3A : memref<!tpu.dma_semaphore, #tpu.memory_space<semaphore_mem>>) src(%arg6 : memref<128x64xf32, #tpu.memory_space<vmem>>) dst(%dma_wait3A_149 : memref<128x64xf32, #tpu.memory_space<hbm>>)
        tpu.yield
      }) : () -> ()
    }
    %scan3A_61 = arith.constant 5 : i32
    %barrier3A_62 = arith.constant 0 : index
    tpu.barrier barrier_id(%barrier3A_62)
    %scan3A_63 = arith.constant 1 : i32
    %scan3A_64 = arith.constant 0 : i32
    %scan3A_65 = arith.constant 5 : i32
    %scan3A_66 = arith.addi %scan3A_64, %scan3A_65 : i32
    %scan3A_67 = arith.constant 1 : i32
    scf.for %scan3A_110 = %scan3A_64 to %scan3A_66 step %scan3A_67  : i32 {
      %mul3A = arith.constant 1 : i32
      %mul3A_111 = arith.muli %scan3A_110, %mul3A : i32
      %add3A_112 = arith.constant 0 : i32
      %add3A_113 = arith.addi %add3A_112, %mul3A_111 : i32
      %mul3A_114 = arith.constant 640 : i32
      %mul3A_115 = arith.muli %arg1, %mul3A_114 : i32
      %mul3A_116 = arith.constant 128 : i32
      %mul3A_117 = arith.muli %add3A_113, %mul3A_116 : i32
      %add3A_118 = arith.addi %mul3A_115, %mul3A_117 : i32
      "tpu.region"() ({
        %run_scoped3A = tpu.sem_alloc : memref<!tpu.dma_semaphore, #tpu.memory_space<semaphore_mem>>
        %dma_start3A_119 = arith.constant 0 : i32
        %dma_start3A_120 = arith.constant 0 : i32
        %dma_start3A_121 = tpu.memref_slice %arg2[%scan3A_63, %dma_start3A_119, %dma_start3A_120] : memref<2x10240x64xf32, #tpu.memory_space<hbm>> -> memref<1x10240x64xf32, #tpu.memory_space<hbm>>
        %dma_start3A_122 = tpu.memref_squeeze %dma_start3A_121 : memref<1x10240x64xf32, #tpu.memory_space<hbm>> -> memref<10240x64xf32, #tpu.memory_space<hbm>>
        %dma_start3A_123 = arith.constant 0 : i32
        %dma_start3A_124 = tpu.memref_slice %dma_start3A_122[%add3A_118, %dma_start3A_123] : memref<10240x64xf32, #tpu.memory_space<hbm>> -> memref<128x64xf32, #tpu.memory_space<hbm>>
        %dma_start3A_125 = arith.constant 0 : i32
        %dma_start3A_126 = arith.constant 0 : i32
        %dma_start3A_127 = tpu.memref_slice %arg2[%scan3A_63, %dma_start3A_125, %dma_start3A_126] : memref<2x10240x64xf32, #tpu.memory_space<hbm>> -> memref<1x10240x64xf32, #tpu.memory_space<hbm>>
        %dma_start3A_128 = tpu.memref_squeeze %dma_start3A_127 : memref<1x10240x64xf32, #tpu.memory_space<hbm>> -> memref<10240x64xf32, #tpu.memory_space<hbm>>
        %dma_start3A_129 = arith.constant 0 : i32
        %dma_start3A_130 = tpu.memref_slice %dma_start3A_128[%add3A_118, %dma_start3A_129] : memref<10240x64xf32, #tpu.memory_space<hbm>> -> memref<128x64xf32, #tpu.memory_space<hbm>>
        tpu.enqueue_dma source(%dma_start3A_130 : memref<128x64xf32, #tpu.memory_space<hbm>>) target(%arg6 : memref<128x64xf32, #tpu.memory_space<vmem>>) target_semaphore(%run_scoped3A : memref<!tpu.dma_semaphore, #tpu.memory_space<semaphore_mem>>)
        %dma_wait3A = arith.constant 0 : i32
        %dma_wait3A_131 = arith.constant 0 : i32
        %dma_wait3A_132 = tpu.memref_slice %arg2[%scan3A_63, %dma_wait3A, %dma_wait3A_131] : memref<2x10240x64xf32, #tpu.memory_space<hbm>> -> memref<1x10240x64xf32, #tpu.memory_space<hbm>>
        %dma_wait3A_133 = tpu.memref_squeeze %dma_wait3A_132 : memref<1x10240x64xf32, #tpu.memory_space<hbm>> -> memref<10240x64xf32, #tpu.memory_space<hbm>>
        %dma_wait3A_134 = arith.constant 0 : i32
        %dma_wait3A_135 = tpu.memref_slice %dma_wait3A_133[%add3A_118, %dma_wait3A_134] : memref<10240x64xf32, #tpu.memory_space<hbm>> -> memref<128x64xf32, #tpu.memory_space<hbm>>
        %dma_wait3A_136 = arith.constant 0 : i32
        %dma_wait3A_137 = arith.constant 0 : i32
        %dma_wait3A_138 = tpu.memref_slice %arg2[%scan3A_63, %dma_wait3A_136, %dma_wait3A_137] : memref<2x10240x64xf32, #tpu.memory_space<hbm>> -> memref<1x10240x64xf32, #tpu.memory_space<hbm>>
        %dma_wait3A_139 = tpu.memref_squeeze %dma_wait3A_138 : memref<1x10240x64xf32, #tpu.memory_space<hbm>> -> memref<10240x64xf32, #tpu.memory_space<hbm>>
        %dma_wait3A_140 = arith.constant 0 : i32
        %dma_wait3A_141 = tpu.memref_slice %dma_wait3A_139[%add3A_118, %dma_wait3A_140] : memref<10240x64xf32, #tpu.memory_space<hbm>> -> memref<128x64xf32, #tpu.memory_space<hbm>>
        tpu.wait_dma2 semaphore(%run_scoped3A : memref<!tpu.dma_semaphore, #tpu.memory_space<semaphore_mem>>) src(%dma_wait3A_141 : memref<128x64xf32, #tpu.memory_space<hbm>>) dst(%arg6 : memref<128x64xf32, #tpu.memory_space<vmem>>)
        tpu.yield
      }) : () -> ()
      "tpu.region"() ({
        %run_scoped3A = tpu.sem_alloc : memref<!tpu.dma_semaphore, #tpu.memory_space<semaphore_mem>>
        %dma_start3A_119 = arith.constant 0 : i32
        %dma_start3A_120 = tpu.memref_slice %arg8[%add3A_118, %dma_start3A_119] : memref<10240x64xf32, #tpu.memory_space<vmem_shared>> -> memref<128x64xf32, #tpu.memory_space<vmem_shared>>
        %dma_start3A_121 = arith.constant 0 : i32
        %dma_start3A_122 = tpu.memref_slice %arg8[%add3A_118, %dma_start3A_121] : memref<10240x64xf32, #tpu.memory_space<vmem_shared>> -> memref<128x64xf32, #tpu.memory_space<vmem_shared>>
        tpu.enqueue_dma source(%arg6 : memref<128x64xf32, #tpu.memory_space<vmem>>) target(%dma_start3A_122 : memref<128x64xf32, #tpu.memory_space<vmem_shared>>) target_semaphore(%run_scoped3A : memref<!tpu.dma_semaphore, #tpu.memory_space<semaphore_mem>>)
        %dma_wait3A = arith.constant 0 : i32
        %dma_wait3A_123 = tpu.memref_slice %arg8[%add3A_118, %dma_wait3A] : memref<10240x64xf32, #tpu.memory_space<vmem_shared>> -> memref<128x64xf32, #tpu.memory_space<vmem_shared>>
        %dma_wait3A_124 = arith.constant 0 : i32
        %dma_wait3A_125 = tpu.memref_slice %arg8[%add3A_118, %dma_wait3A_124] : memref<10240x64xf32, #tpu.memory_space<vmem_shared>> -> memref<128x64xf32, #tpu.memory_space<vmem_shared>>
        tpu.wait_dma2 semaphore(%run_scoped3A : memref<!tpu.dma_semaphore, #tpu.memory_space<semaphore_mem>>) src(%arg6 : memref<128x64xf32, #tpu.memory_space<vmem>>) dst(%dma_wait3A_125 : memref<128x64xf32, #tpu.memory_space<vmem_shared>>)
        tpu.yield
      }) : () -> ()
    }
    %scan3A_68 = arith.constant 5 : i32
    %barrier3A_69 = arith.constant 0 : index
    tpu.barrier barrier_id(%barrier3A_69)
    %dma_start3A_70 = arith.constant 1 : i32
    %dma_start3A_71 = arith.constant 0 : i32
    %dma_start3A_72 = arith.constant 0 : i32
    %dma_start3A_73 = tpu.memref_slice %arg5[%dma_start3A_71, %dma_start3A_72] : memref<2x10240xi32, #tpu.memory_space<vmem>> -> memref<1x128xi32, #tpu.memory_space<vmem>>
    %dma_start3A_74 = tpu.memref_squeeze %dma_start3A_73 : memref<1x128xi32, #tpu.memory_space<vmem>> -> memref<128xi32, #tpu.memory_space<vmem>>
    %dma_start3A_75 = arith.constant 0 : i32
    %dma_start3A_76 = arith.constant 0 : i32
    %dma_start3A_77 = tpu.memref_slice %arg2[%dma_start3A_70, %dma_start3A_75, %dma_start3A_76] : memref<2x10240x64xf32, #tpu.memory_space<hbm>> -> memref<1x10240x64xf32, #tpu.memory_space<hbm>>
    %dma_start3A_78 = tpu.memref_squeeze %dma_start3A_77 : memref<1x10240x64xf32, #tpu.memory_space<hbm>> -> memref<10240x64xf32, #tpu.memory_space<hbm>>
    %dma_start3A_79 = arith.constant 0 : i32
    %dma_start3A_80 = arith.constant 0 : i32
    %dma_start3A_81 = tpu.memref_slice %dma_start3A_78[%dma_start3A_79, %dma_start3A_80] : memref<10240x64xf32, #tpu.memory_space<hbm>> -> memref<10240x64xf32, #tpu.memory_space<hbm>>
    tpu.enqueue_indirect_dma source(%dma_start3A_81 : memref<10240x64xf32, #tpu.memory_space<hbm>>) target(%arg6 : memref<128x64xf32, #tpu.memory_space<vmem>>) offsets(%dma_start3A_74 : memref<128xi32, #tpu.memory_space<vmem>>) semaphore(%arg9 : memref<!tpu.dma_semaphore, #tpu.memory_space<semaphore_mem>>)
    %sub3A_82 = arith.constant 0 : i32
    %sub3A_83 = arith.subi %select_n3A_22, %sub3A_82 : i32
    %sub3A_84 = arith.constant 2 : i32
    %sub3A_85 = arith.constant 1 : i32
    %sub3A_86 = arith.subi %sub3A_84, %sub3A_85 : i32
    %add3A_87 = arith.addi %sub3A_83, %sub3A_86 : i32
    %div3A_88 = arith.constant 2 : i32
    %div3A_89 = arith.divsi %add3A_87, %div3A_88 : i32
    %while3A_90 = arith.constant 2 : i32
    %while3A_91 = arith.constant 0 : i32
    %while3A_92 = arith.constant 1 : i32
    %while3A_93 = arith.constant 0 : i32
    %while3A_94 = arith.subi %div3A_89, %while3A_93 : i32
    %while3A_95 = arith.addi %while3A_93, %while3A_94 : i32
    %while3A_96 = arith.constant 1 : i32
    %while3A_97 = arith.divsi %while3A_94, %while3A_96 : i32
    %while3A_98 = arith.muli %while3A_97, %while3A_96 : i32
    %while3A_99 = arith.addi %while3A_93, %while3A_98 : i32
    %while3A_100 = arith.constant 1 : i32
    scf.for %while3A_110 = %while3A_93 to %while3A_99 step %while3A_100  : i32 {
      %mul3A = arith.muli %while3A_110, %while3A_90 : i32
      %add3A_111 = arith.addi %while3A_91, %mul3A : i32
      %add3A_112 = arith.constant 1 : i32
      %add3A_113 = arith.addi %add3A_111, %add3A_112 : i32
      %mul3A_114 = arith.constant 128 : i32
      %mul3A_115 = arith.muli %add3A_113, %mul3A_114 : i32
      %dma_start3A_116 = arith.constant 0 : i32
      %dma_start3A_117 = tpu.memref_slice %arg5[%dma_start3A_116, %mul3A_115] : memref<2x10240xi32, #tpu.memory_space<vmem>> -> memref<1x128xi32, #tpu.memory_space<vmem>>
      %dma_start3A_118 = tpu.memref_squeeze %dma_start3A_117 : memref<1x128xi32, #tpu.memory_space<vmem>> -> memref<128xi32, #tpu.memory_space<vmem>>
      %dma_start3A_119 = arith.constant 0 : i32
      %dma_start3A_120 = arith.constant 0 : i32
      %dma_start3A_121 = tpu.memref_slice %arg2[%while3A_92, %dma_start3A_119, %dma_start3A_120] : memref<2x10240x64xf32, #tpu.memory_space<hbm>> -> memref<1x10240x64xf32, #tpu.memory_space<hbm>>
      %dma_start3A_122 = tpu.memref_squeeze %dma_start3A_121 : memref<1x10240x64xf32, #tpu.memory_space<hbm>> -> memref<10240x64xf32, #tpu.memory_space<hbm>>
      %dma_start3A_123 = arith.constant 0 : i32
      %dma_start3A_124 = arith.constant 0 : i32
      %dma_start3A_125 = tpu.memref_slice %dma_start3A_122[%dma_start3A_123, %dma_start3A_124] : memref<10240x64xf32, #tpu.memory_space<hbm>> -> memref<10240x64xf32, #tpu.memory_space<hbm>>
      tpu.enqueue_indirect_dma source(%dma_start3A_125 : memref<10240x64xf32, #tpu.memory_space<hbm>>) target(%arg7 : memref<128x64xf32, #tpu.memory_space<vmem>>) offsets(%dma_start3A_118 : memref<128xi32, #tpu.memory_space<vmem>>) semaphore(%arg10 : memref<!tpu.dma_semaphore, #tpu.memory_space<semaphore_mem>>)
      %mul3A_126 = arith.constant 128 : i32
      %mul3A_127 = arith.muli %add3A_111, %mul3A_126 : i32
      %dma_wait3A = arith.constant 0 : i32
      %dma_wait3A_128 = tpu.memref_slice %arg5[%dma_wait3A, %mul3A_127] : memref<2x10240xi32, #tpu.memory_space<vmem>> -> memref<1x128xi32, #tpu.memory_space<vmem>>
      %dma_wait3A_129 = tpu.memref_squeeze %dma_wait3A_128 : memref<1x128xi32, #tpu.memory_space<vmem>> -> memref<128xi32, #tpu.memory_space<vmem>>
      %dma_wait3A_130 = arith.constant 0 : i32
      %dma_wait3A_131 = arith.constant 0 : i32
      %dma_wait3A_132 = tpu.memref_slice %arg2[%while3A_92, %dma_wait3A_130, %dma_wait3A_131] : memref<2x10240x64xf32, #tpu.memory_space<hbm>> -> memref<1x10240x64xf32, #tpu.memory_space<hbm>>
      %dma_wait3A_133 = tpu.memref_squeeze %dma_wait3A_132 : memref<1x10240x64xf32, #tpu.memory_space<hbm>> -> memref<10240x64xf32, #tpu.memory_space<hbm>>
      %dma_wait3A_134 = arith.constant 0 : i32
      %dma_wait3A_135 = arith.constant 0 : i32
      %dma_wait3A_136 = tpu.memref_slice %dma_wait3A_133[%dma_wait3A_134, %dma_wait3A_135] : memref<10240x64xf32, #tpu.memory_space<hbm>> -> memref<10240x64xf32, #tpu.memory_space<hbm>>
      tpu.wait_indirect_dma semaphore(%arg9 : memref<!tpu.dma_semaphore, #tpu.memory_space<semaphore_mem>>) src(%dma_wait3A_136 : memref<10240x64xf32, #tpu.memory_space<hbm>>) dst(%arg6 : memref<128x64xf32, #tpu.memory_space<vmem>>)
      %mul3A_137 = arith.constant 128 : i32
      %mul3A_138 = arith.muli %add3A_111, %mul3A_137 : i32
      %run_scoped3A = arith.constant 1 : i32
      "tpu.region"() ({
        %run_scoped3A_163 = tpu.sem_alloc : memref<!tpu.dma_semaphore, #tpu.memory_space<semaphore_mem>>
        %dma_start3A_164 = tpu.memref_slice %arg5[%run_scoped3A, %mul3A_138] : memref<2x10240xi32, #tpu.memory_space<vmem>> -> memref<1x128xi32, #tpu.memory_space<vmem>>
        %dma_start3A_165 = tpu.memref_squeeze %dma_start3A_164 : memref<1x128xi32, #tpu.memory_space<vmem>> -> memref<128xi32, #tpu.memory_space<vmem>>
        %dma_start3A_166 = arith.constant 0 : i32
        %dma_start3A_167 = arith.constant 0 : i32
        %dma_start3A_168 = tpu.memref_slice %arg8[%dma_start3A_166, %dma_start3A_167] : memref<10240x64xf32, #tpu.memory_space<vmem_shared>> -> memref<10240x64xf32, #tpu.memory_space<vmem_shared>>
        tpu.enqueue_indirect_dma source(%arg6 : memref<128x64xf32, #tpu.memory_space<vmem>>) target(%dma_start3A_168 : memref<10240x64xf32, #tpu.memory_space<vmem_shared>>) offsets(%dma_start3A_165 : memref<128xi32, #tpu.memory_space<vmem>>) semaphore(%run_scoped3A_163 : memref<!tpu.dma_semaphore, #tpu.memory_space<semaphore_mem>>) {add = true}
        %dma_wait3A_169 = tpu.memref_slice %arg5[%run_scoped3A, %mul3A_138] : memref<2x10240xi32, #tpu.memory_space<vmem>> -> memref<1x128xi32, #tpu.memory_space<vmem>>
        %dma_wait3A_170 = tpu.memref_squeeze %dma_wait3A_169 : memref<1x128xi32, #tpu.memory_space<vmem>> -> memref<128xi32, #tpu.memory_space<vmem>>
        %dma_wait3A_171 = arith.constant 0 : i32
        %dma_wait3A_172 = arith.constant 0 : i32
        %dma_wait3A_173 = tpu.memref_slice %arg8[%dma_wait3A_171, %dma_wait3A_172] : memref<10240x64xf32, #tpu.memory_space<vmem_shared>> -> memref<10240x64xf32, #tpu.memory_space<vmem_shared>>
        tpu.wait_indirect_dma semaphore(%run_scoped3A_163 : memref<!tpu.dma_semaphore, #tpu.memory_space<semaphore_mem>>) src(%arg6 : memref<128x64xf32, #tpu.memory_space<vmem>>) dst(%dma_wait3A_173 : memref<10240x64xf32, #tpu.memory_space<vmem_shared>>)
        tpu.yield
      }) : () -> ()
      %add3A_139 = arith.constant 2 : i32
      %add3A_140 = arith.addi %add3A_111, %add3A_139 : i32
      %lt3A = arith.cmpi slt, %add3A_140, %select_n3A_22 : i32
      %convert_element_type3A_141 = arith.extui %lt3A : i1 to i32
      %cond3A_142 = arith.constant 0 : i32
      %cond3A_143 = arith.cmpi ne, %convert_element_type3A_141, %cond3A_142 : i32
      scf.if %cond3A_143 {
        %add3A_163 = arith.constant 2 : i32
        %add3A_164 = arith.addi %add3A_111, %add3A_163 : i32
        %mul3A_165 = arith.constant 128 : i32
        %mul3A_166 = arith.muli %add3A_164, %mul3A_165 : i32
        %dma_start3A_167 = arith.constant 0 : i32
        %dma_start3A_168 = tpu.memref_slice %arg5[%dma_start3A_167, %mul3A_166] : memref<2x10240xi32, #tpu.memory_space<vmem>> -> memref<1x128xi32, #tpu.memory_space<vmem>>
        %dma_start3A_169 = tpu.memref_squeeze %dma_start3A_168 : memref<1x128xi32, #tpu.memory_space<vmem>> -> memref<128xi32, #tpu.memory_space<vmem>>
        %dma_start3A_170 = arith.constant 0 : i32
        %dma_start3A_171 = arith.constant 0 : i32
        %dma_start3A_172 = tpu.memref_slice %arg2[%while3A_92, %dma_start3A_170, %dma_start3A_171] : memref<2x10240x64xf32, #tpu.memory_space<hbm>> -> memref<1x10240x64xf32, #tpu.memory_space<hbm>>
        %dma_start3A_173 = tpu.memref_squeeze %dma_start3A_172 : memref<1x10240x64xf32, #tpu.memory_space<hbm>> -> memref<10240x64xf32, #tpu.memory_space<hbm>>
        %dma_start3A_174 = arith.constant 0 : i32
        %dma_start3A_175 = arith.constant 0 : i32
        %dma_start3A_176 = tpu.memref_slice %dma_start3A_173[%dma_start3A_174, %dma_start3A_175] : memref<10240x64xf32, #tpu.memory_space<hbm>> -> memref<10240x64xf32, #tpu.memory_space<hbm>>
        tpu.enqueue_indirect_dma source(%dma_start3A_176 : memref<10240x64xf32, #tpu.memory_space<hbm>>) target(%arg6 : memref<128x64xf32, #tpu.memory_space<vmem>>) offsets(%dma_start3A_169 : memref<128xi32, #tpu.memory_space<vmem>>) semaphore(%arg9 : memref<!tpu.dma_semaphore, #tpu.memory_space<semaphore_mem>>)
      } else {
      }
      %add3A_144 = arith.constant 1 : i32
      %add3A_145 = arith.addi %add3A_111, %add3A_144 : i32
      %mul3A_146 = arith.constant 128 : i32
      %mul3A_147 = arith.muli %add3A_145, %mul3A_146 : i32
      %dma_wait3A_148 = arith.constant 0 : i32
      %dma_wait3A_149 = tpu.memref_slice %arg5[%dma_wait3A_148, %mul3A_147] : memref<2x10240xi32, #tpu.memory_space<vmem>> -> memref<1x128xi32, #tpu.memory_space<vmem>>
      %dma_wait3A_150 = tpu.memref_squeeze %dma_wait3A_149 : memref<1x128xi32, #tpu.memory_space<vmem>> -> memref<128xi32, #tpu.memory_space<vmem>>
      %dma_wait3A_151 = arith.constant 0 : i32
      %dma_wait3A_152 = arith.constant 0 : i32
      %dma_wait3A_153 = tpu.memref_slice %arg2[%while3A_92, %dma_wait3A_151, %dma_wait3A_152] : memref<2x10240x64xf32, #tpu.memory_space<hbm>> -> memref<1x10240x64xf32, #tpu.memory_space<hbm>>
      %dma_wait3A_154 = tpu.memref_squeeze %dma_wait3A_153 : memref<1x10240x64xf32, #tpu.memory_space<hbm>> -> memref<10240x64xf32, #tpu.memory_space<hbm>>
      %dma_wait3A_155 = arith.constant 0 : i32
      %dma_wait3A_156 = arith.constant 0 : i32
      %dma_wait3A_157 = tpu.memref_slice %dma_wait3A_154[%dma_wait3A_155, %dma_wait3A_156] : memref<10240x64xf32, #tpu.memory_space<hbm>> -> memref<10240x64xf32, #tpu.memory_space<hbm>>
      tpu.wait_indirect_dma semaphore(%arg10 : memref<!tpu.dma_semaphore, #tpu.memory_space<semaphore_mem>>) src(%dma_wait3A_157 : memref<10240x64xf32, #tpu.memory_space<hbm>>) dst(%arg7 : memref<128x64xf32, #tpu.memory_space<vmem>>)
      %add3A_158 = arith.constant 1 : i32
      %add3A_159 = arith.addi %add3A_111, %add3A_158 : i32
      %mul3A_160 = arith.constant 128 : i32
      %mul3A_161 = arith.muli %add3A_159, %mul3A_160 : i32
      %run_scoped3A_162 = arith.constant 1 : i32
      "tpu.region"() ({
        %run_scoped3A_163 = tpu.sem_alloc : memref<!tpu.dma_semaphore, #tpu.memory_space<semaphore_mem>>
        %dma_start3A_164 = tpu.memref_slice %arg5[%run_scoped3A_162, %mul3A_161] : memref<2x10240xi32, #tpu.memory_space<vmem>> -> memref<1x128xi32, #tpu.memory_space<vmem>>
        %dma_start3A_165 = tpu.memref_squeeze %dma_start3A_164 : memref<1x128xi32, #tpu.memory_space<vmem>> -> memref<128xi32, #tpu.memory_space<vmem>>
        %dma_start3A_166 = arith.constant 0 : i32
        %dma_start3A_167 = arith.constant 0 : i32
        %dma_start3A_168 = tpu.memref_slice %arg8[%dma_start3A_166, %dma_start3A_167] : memref<10240x64xf32, #tpu.memory_space<vmem_shared>> -> memref<10240x64xf32, #tpu.memory_space<vmem_shared>>
        tpu.enqueue_indirect_dma source(%arg7 : memref<128x64xf32, #tpu.memory_space<vmem>>) target(%dma_start3A_168 : memref<10240x64xf32, #tpu.memory_space<vmem_shared>>) offsets(%dma_start3A_165 : memref<128xi32, #tpu.memory_space<vmem>>) semaphore(%run_scoped3A_163 : memref<!tpu.dma_semaphore, #tpu.memory_space<semaphore_mem>>) {add = true}
        %dma_wait3A_169 = tpu.memref_slice %arg5[%run_scoped3A_162, %mul3A_161] : memref<2x10240xi32, #tpu.memory_space<vmem>> -> memref<1x128xi32, #tpu.memory_space<vmem>>
        %dma_wait3A_170 = tpu.memref_squeeze %dma_wait3A_169 : memref<1x128xi32, #tpu.memory_space<vmem>> -> memref<128xi32, #tpu.memory_space<vmem>>
        %dma_wait3A_171 = arith.constant 0 : i32
        %dma_wait3A_172 = arith.constant 0 : i32
        %dma_wait3A_173 = tpu.memref_slice %arg8[%dma_wait3A_171, %dma_wait3A_172] : memref<10240x64xf32, #tpu.memory_space<vmem_shared>> -> memref<10240x64xf32, #tpu.memory_space<vmem_shared>>
        tpu.wait_indirect_dma semaphore(%run_scoped3A_163 : memref<!tpu.dma_semaphore, #tpu.memory_space<semaphore_mem>>) src(%arg7 : memref<128x64xf32, #tpu.memory_space<vmem>>) dst(%dma_wait3A_173 : memref<10240x64xf32, #tpu.memory_space<vmem_shared>>)
        tpu.yield
      }) : () -> ()
    }
    %while3A_101 = arith.constant 1 : i32
    scf.for %while3A_110 = %while3A_99 to %while3A_95 step %while3A_101  : i32 {
      %mul3A = arith.muli %while3A_110, %while3A_90 : i32
      %add3A_111 = arith.addi %while3A_91, %mul3A : i32
      %add3A_112 = arith.constant 1 : i32
      %add3A_113 = arith.addi %add3A_111, %add3A_112 : i32
      %mul3A_114 = arith.constant 128 : i32
      %mul3A_115 = arith.muli %add3A_113, %mul3A_114 : i32
      %dma_start3A_116 = arith.constant 0 : i32
      %dma_start3A_117 = tpu.memref_slice %arg5[%dma_start3A_116, %mul3A_115] : memref<2x10240xi32, #tpu.memory_space<vmem>> -> memref<1x128xi32, #tpu.memory_space<vmem>>
      %dma_start3A_118 = tpu.memref_squeeze %dma_start3A_117 : memref<1x128xi32, #tpu.memory_space<vmem>> -> memref<128xi32, #tpu.memory_space<vmem>>
      %dma_start3A_119 = arith.constant 0 : i32
      %dma_start3A_120 = arith.constant 0 : i32
      %dma_start3A_121 = tpu.memref_slice %arg2[%while3A_92, %dma_start3A_119, %dma_start3A_120] : memref<2x10240x64xf32, #tpu.memory_space<hbm>> -> memref<1x10240x64xf32, #tpu.memory_space<hbm>>
      %dma_start3A_122 = tpu.memref_squeeze %dma_start3A_121 : memref<1x10240x64xf32, #tpu.memory_space<hbm>> -> memref<10240x64xf32, #tpu.memory_space<hbm>>
      %dma_start3A_123 = arith.constant 0 : i32
      %dma_start3A_124 = arith.constant 0 : i32
      %dma_start3A_125 = tpu.memref_slice %dma_start3A_122[%dma_start3A_123, %dma_start3A_124] : memref<10240x64xf32, #tpu.memory_space<hbm>> -> memref<10240x64xf32, #tpu.memory_space<hbm>>
      tpu.enqueue_indirect_dma source(%dma_start3A_125 : memref<10240x64xf32, #tpu.memory_space<hbm>>) target(%arg7 : memref<128x64xf32, #tpu.memory_space<vmem>>) offsets(%dma_start3A_118 : memref<128xi32, #tpu.memory_space<vmem>>) semaphore(%arg10 : memref<!tpu.dma_semaphore, #tpu.memory_space<semaphore_mem>>)
      %mul3A_126 = arith.constant 128 : i32
      %mul3A_127 = arith.muli %add3A_111, %mul3A_126 : i32
      %dma_wait3A = arith.constant 0 : i32
      %dma_wait3A_128 = tpu.memref_slice %arg5[%dma_wait3A, %mul3A_127] : memref<2x10240xi32, #tpu.memory_space<vmem>> -> memref<1x128xi32, #tpu.memory_space<vmem>>
      %dma_wait3A_129 = tpu.memref_squeeze %dma_wait3A_128 : memref<1x128xi32, #tpu.memory_space<vmem>> -> memref<128xi32, #tpu.memory_space<vmem>>
      %dma_wait3A_130 = arith.constant 0 : i32
      %dma_wait3A_131 = arith.constant 0 : i32
      %dma_wait3A_132 = tpu.memref_slice %arg2[%while3A_92, %dma_wait3A_130, %dma_wait3A_131] : memref<2x10240x64xf32, #tpu.memory_space<hbm>> -> memref<1x10240x64xf32, #tpu.memory_space<hbm>>
      %dma_wait3A_133 = tpu.memref_squeeze %dma_wait3A_132 : memref<1x10240x64xf32, #tpu.memory_space<hbm>> -> memref<10240x64xf32, #tpu.memory_space<hbm>>
      %dma_wait3A_134 = arith.constant 0 : i32
      %dma_wait3A_135 = arith.constant 0 : i32
      %dma_wait3A_136 = tpu.memref_slice %dma_wait3A_133[%dma_wait3A_134, %dma_wait3A_135] : memref<10240x64xf32, #tpu.memory_space<hbm>> -> memref<10240x64xf32, #tpu.memory_space<hbm>>
      tpu.wait_indirect_dma semaphore(%arg9 : memref<!tpu.dma_semaphore, #tpu.memory_space<semaphore_mem>>) src(%dma_wait3A_136 : memref<10240x64xf32, #tpu.memory_space<hbm>>) dst(%arg6 : memref<128x64xf32, #tpu.memory_space<vmem>>)
      %mul3A_137 = arith.constant 128 : i32
      %mul3A_138 = arith.muli %add3A_111, %mul3A_137 : i32
      %run_scoped3A = arith.constant 1 : i32
      "tpu.region"() ({
        %run_scoped3A_163 = tpu.sem_alloc : memref<!tpu.dma_semaphore, #tpu.memory_space<semaphore_mem>>
        %dma_start3A_164 = tpu.memref_slice %arg5[%run_scoped3A, %mul3A_138] : memref<2x10240xi32, #tpu.memory_space<vmem>> -> memref<1x128xi32, #tpu.memory_space<vmem>>
        %dma_start3A_165 = tpu.memref_squeeze %dma_start3A_164 : memref<1x128xi32, #tpu.memory_space<vmem>> -> memref<128xi32, #tpu.memory_space<vmem>>
        %dma_start3A_166 = arith.constant 0 : i32
        %dma_start3A_167 = arith.constant 0 : i32
        %dma_start3A_168 = tpu.memref_slice %arg8[%dma_start3A_166, %dma_start3A_167] : memref<10240x64xf32, #tpu.memory_space<vmem_shared>> -> memref<10240x64xf32, #tpu.memory_space<vmem_shared>>
        tpu.enqueue_indirect_dma source(%arg6 : memref<128x64xf32, #tpu.memory_space<vmem>>) target(%dma_start3A_168 : memref<10240x64xf32, #tpu.memory_space<vmem_shared>>) offsets(%dma_start3A_165 : memref<128xi32, #tpu.memory_space<vmem>>) semaphore(%run_scoped3A_163 : memref<!tpu.dma_semaphore, #tpu.memory_space<semaphore_mem>>) {add = true}
        %dma_wait3A_169 = tpu.memref_slice %arg5[%run_scoped3A, %mul3A_138] : memref<2x10240xi32, #tpu.memory_space<vmem>> -> memref<1x128xi32, #tpu.memory_space<vmem>>
        %dma_wait3A_170 = tpu.memref_squeeze %dma_wait3A_169 : memref<1x128xi32, #tpu.memory_space<vmem>> -> memref<128xi32, #tpu.memory_space<vmem>>
        %dma_wait3A_171 = arith.constant 0 : i32
        %dma_wait3A_172 = arith.constant 0 : i32
        %dma_wait3A_173 = tpu.memref_slice %arg8[%dma_wait3A_171, %dma_wait3A_172] : memref<10240x64xf32, #tpu.memory_space<vmem_shared>> -> memref<10240x64xf32, #tpu.memory_space<vmem_shared>>
        tpu.wait_indirect_dma semaphore(%run_scoped3A_163 : memref<!tpu.dma_semaphore, #tpu.memory_space<semaphore_mem>>) src(%arg6 : memref<128x64xf32, #tpu.memory_space<vmem>>) dst(%dma_wait3A_173 : memref<10240x64xf32, #tpu.memory_space<vmem_shared>>)
        tpu.yield
      }) : () -> ()
      %add3A_139 = arith.constant 2 : i32
      %add3A_140 = arith.addi %add3A_111, %add3A_139 : i32
      %lt3A = arith.cmpi slt, %add3A_140, %select_n3A_22 : i32
      %convert_element_type3A_141 = arith.extui %lt3A : i1 to i32
      %cond3A_142 = arith.constant 0 : i32
      %cond3A_143 = arith.cmpi ne, %convert_element_type3A_141, %cond3A_142 : i32
      scf.if %cond3A_143 {
        %add3A_163 = arith.constant 2 : i32
        %add3A_164 = arith.addi %add3A_111, %add3A_163 : i32
        %mul3A_165 = arith.constant 128 : i32
        %mul3A_166 = arith.muli %add3A_164, %mul3A_165 : i32
        %dma_start3A_167 = arith.constant 0 : i32
        %dma_start3A_168 = tpu.memref_slice %arg5[%dma_start3A_167, %mul3A_166] : memref<2x10240xi32, #tpu.memory_space<vmem>> -> memref<1x128xi32, #tpu.memory_space<vmem>>
        %dma_start3A_169 = tpu.memref_squeeze %dma_start3A_168 : memref<1x128xi32, #tpu.memory_space<vmem>> -> memref<128xi32, #tpu.memory_space<vmem>>
        %dma_start3A_170 = arith.constant 0 : i32
        %dma_start3A_171 = arith.constant 0 : i32
        %dma_start3A_172 = tpu.memref_slice %arg2[%while3A_92, %dma_start3A_170, %dma_start3A_171] : memref<2x10240x64xf32, #tpu.memory_space<hbm>> -> memref<1x10240x64xf32, #tpu.memory_space<hbm>>
        %dma_start3A_173 = tpu.memref_squeeze %dma_start3A_172 : memref<1x10240x64xf32, #tpu.memory_space<hbm>> -> memref<10240x64xf32, #tpu.memory_space<hbm>>
        %dma_start3A_174 = arith.constant 0 : i32
        %dma_start3A_175 = arith.constant 0 : i32
        %dma_start3A_176 = tpu.memref_slice %dma_start3A_173[%dma_start3A_174, %dma_start3A_175] : memref<10240x64xf32, #tpu.memory_space<hbm>> -> memref<10240x64xf32, #tpu.memory_space<hbm>>
        tpu.enqueue_indirect_dma source(%dma_start3A_176 : memref<10240x64xf32, #tpu.memory_space<hbm>>) target(%arg6 : memref<128x64xf32, #tpu.memory_space<vmem>>) offsets(%dma_start3A_169 : memref<128xi32, #tpu.memory_space<vmem>>) semaphore(%arg9 : memref<!tpu.dma_semaphore, #tpu.memory_space<semaphore_mem>>)
      } else {
      }
      %add3A_144 = arith.constant 1 : i32
      %add3A_145 = arith.addi %add3A_111, %add3A_144 : i32
      %mul3A_146 = arith.constant 128 : i32
      %mul3A_147 = arith.muli %add3A_145, %mul3A_146 : i32
      %dma_wait3A_148 = arith.constant 0 : i32
      %dma_wait3A_149 = tpu.memref_slice %arg5[%dma_wait3A_148, %mul3A_147] : memref<2x10240xi32, #tpu.memory_space<vmem>> -> memref<1x128xi32, #tpu.memory_space<vmem>>
      %dma_wait3A_150 = tpu.memref_squeeze %dma_wait3A_149 : memref<1x128xi32, #tpu.memory_space<vmem>> -> memref<128xi32, #tpu.memory_space<vmem>>
      %dma_wait3A_151 = arith.constant 0 : i32
      %dma_wait3A_152 = arith.constant 0 : i32
      %dma_wait3A_153 = tpu.memref_slice %arg2[%while3A_92, %dma_wait3A_151, %dma_wait3A_152] : memref<2x10240x64xf32, #tpu.memory_space<hbm>> -> memref<1x10240x64xf32, #tpu.memory_space<hbm>>
      %dma_wait3A_154 = tpu.memref_squeeze %dma_wait3A_153 : memref<1x10240x64xf32, #tpu.memory_space<hbm>> -> memref<10240x64xf32, #tpu.memory_space<hbm>>
      %dma_wait3A_155 = arith.constant 0 : i32
      %dma_wait3A_156 = arith.constant 0 : i32
      %dma_wait3A_157 = tpu.memref_slice %dma_wait3A_154[%dma_wait3A_155, %dma_wait3A_156] : memref<10240x64xf32, #tpu.memory_space<hbm>> -> memref<10240x64xf32, #tpu.memory_space<hbm>>
      tpu.wait_indirect_dma semaphore(%arg10 : memref<!tpu.dma_semaphore, #tpu.memory_space<semaphore_mem>>) src(%dma_wait3A_157 : memref<10240x64xf32, #tpu.memory_space<hbm>>) dst(%arg7 : memref<128x64xf32, #tpu.memory_space<vmem>>)
      %add3A_158 = arith.constant 1 : i32
      %add3A_159 = arith.addi %add3A_111, %add3A_158 : i32
      %mul3A_160 = arith.constant 128 : i32
      %mul3A_161 = arith.muli %add3A_159, %mul3A_160 : i32
      %run_scoped3A_162 = arith.constant 1 : i32
      "tpu.region"() ({
        %run_scoped3A_163 = tpu.sem_alloc : memref<!tpu.dma_semaphore, #tpu.memory_space<semaphore_mem>>
        %dma_start3A_164 = tpu.memref_slice %arg5[%run_scoped3A_162, %mul3A_161] : memref<2x10240xi32, #tpu.memory_space<vmem>> -> memref<1x128xi32, #tpu.memory_space<vmem>>
        %dma_start3A_165 = tpu.memref_squeeze %dma_start3A_164 : memref<1x128xi32, #tpu.memory_space<vmem>> -> memref<128xi32, #tpu.memory_space<vmem>>
        %dma_start3A_166 = arith.constant 0 : i32
        %dma_start3A_167 = arith.constant 0 : i32
        %dma_start3A_168 = tpu.memref_slice %arg8[%dma_start3A_166, %dma_start3A_167] : memref<10240x64xf32, #tpu.memory_space<vmem_shared>> -> memref<10240x64xf32, #tpu.memory_space<vmem_shared>>
        tpu.enqueue_indirect_dma source(%arg7 : memref<128x64xf32, #tpu.memory_space<vmem>>) target(%dma_start3A_168 : memref<10240x64xf32, #tpu.memory_space<vmem_shared>>) offsets(%dma_start3A_165 : memref<128xi32, #tpu.memory_space<vmem>>) semaphore(%run_scoped3A_163 : memref<!tpu.dma_semaphore, #tpu.memory_space<semaphore_mem>>) {add = true}
        %dma_wait3A_169 = tpu.memref_slice %arg5[%run_scoped3A_162, %mul3A_161] : memref<2x10240xi32, #tpu.memory_space<vmem>> -> memref<1x128xi32, #tpu.memory_space<vmem>>
        %dma_wait3A_170 = tpu.memref_squeeze %dma_wait3A_169 : memref<1x128xi32, #tpu.memory_space<vmem>> -> memref<128xi32, #tpu.memory_space<vmem>>
        %dma_wait3A_171 = arith.constant 0 : i32
        %dma_wait3A_172 = arith.constant 0 : i32
        %dma_wait3A_173 = tpu.memref_slice %arg8[%dma_wait3A_171, %dma_wait3A_172] : memref<10240x64xf32, #tpu.memory_space<vmem_shared>> -> memref<10240x64xf32, #tpu.memory_space<vmem_shared>>
        tpu.wait_indirect_dma semaphore(%run_scoped3A_163 : memref<!tpu.dma_semaphore, #tpu.memory_space<semaphore_mem>>) src(%arg7 : memref<128x64xf32, #tpu.memory_space<vmem>>) dst(%dma_wait3A_173 : memref<10240x64xf32, #tpu.memory_space<vmem_shared>>)
        tpu.yield
      }) : () -> ()
    }
    %barrier3A_102 = arith.constant 0 : index
    tpu.barrier barrier_id(%barrier3A_102)
    %scan3A_103 = arith.constant 1 : i32
    %scan3A_104 = arith.constant 0 : i32
    %scan3A_105 = arith.constant 5 : i32
    %scan3A_106 = arith.addi %scan3A_104, %scan3A_105 : i32
    %scan3A_107 = arith.constant 1 : i32
    scf.for %scan3A_110 = %scan3A_104 to %scan3A_106 step %scan3A_107  : i32 {
      %mul3A = arith.constant 1 : i32
      %mul3A_111 = arith.muli %scan3A_110, %mul3A : i32
      %add3A_112 = arith.constant 0 : i32
      %add3A_113 = arith.addi %add3A_112, %mul3A_111 : i32
      %mul3A_114 = arith.constant 640 : i32
      %mul3A_115 = arith.muli %arg1, %mul3A_114 : i32
      %mul3A_116 = arith.constant 128 : i32
      %mul3A_117 = arith.muli %add3A_113, %mul3A_116 : i32
      %add3A_118 = arith.addi %mul3A_115, %mul3A_117 : i32
      "tpu.region"() ({
        %run_scoped3A = tpu.sem_alloc : memref<!tpu.dma_semaphore, #tpu.memory_space<semaphore_mem>>
        %dma_start3A_119 = arith.constant 0 : i32
        %dma_start3A_120 = tpu.memref_slice %arg8[%add3A_118, %dma_start3A_119] : memref<10240x64xf32, #tpu.memory_space<vmem_shared>> -> memref<128x64xf32, #tpu.memory_space<vmem_shared>>
        %dma_start3A_121 = arith.constant 0 : i32
        %dma_start3A_122 = tpu.memref_slice %arg8[%add3A_118, %dma_start3A_121] : memref<10240x64xf32, #tpu.memory_space<vmem_shared>> -> memref<128x64xf32, #tpu.memory_space<vmem_shared>>
        tpu.enqueue_dma source(%dma_start3A_122 : memref<128x64xf32, #tpu.memory_space<vmem_shared>>) target(%arg6 : memref<128x64xf32, #tpu.memory_space<vmem>>) target_semaphore(%run_scoped3A : memref<!tpu.dma_semaphore, #tpu.memory_space<semaphore_mem>>)
        %dma_wait3A = arith.constant 0 : i32
        %dma_wait3A_123 = tpu.memref_slice %arg8[%add3A_118, %dma_wait3A] : memref<10240x64xf32, #tpu.memory_space<vmem_shared>> -> memref<128x64xf32, #tpu.memory_space<vmem_shared>>
        %dma_wait3A_124 = arith.constant 0 : i32
        %dma_wait3A_125 = tpu.memref_slice %arg8[%add3A_118, %dma_wait3A_124] : memref<10240x64xf32, #tpu.memory_space<vmem_shared>> -> memref<128x64xf32, #tpu.memory_space<vmem_shared>>
        tpu.wait_dma2 semaphore(%run_scoped3A : memref<!tpu.dma_semaphore, #tpu.memory_space<semaphore_mem>>) src(%dma_wait3A_125 : memref<128x64xf32, #tpu.memory_space<vmem_shared>>) dst(%arg6 : memref<128x64xf32, #tpu.memory_space<vmem>>)
        tpu.yield
      }) : () -> ()
      "tpu.region"() ({
        %run_scoped3A = tpu.sem_alloc : memref<!tpu.dma_semaphore, #tpu.memory_space<semaphore_mem>>
        %dma_start3A_119 = arith.constant 0 : i32
        %dma_start3A_120 = arith.constant 0 : i32
        %dma_start3A_121 = arith.constant 0 : i32
        %dma_start3A_122 = tpu.memref_slice %arg4[%scan3A_103, %dma_start3A_119, %dma_start3A_120, %dma_start3A_121] : memref<2x2x10240x64xf32, #tpu.memory_space<hbm>> -> memref<1x2x10240x64xf32, #tpu.memory_space<hbm>>
        %dma_start3A_123 = tpu.memref_squeeze %dma_start3A_122 : memref<1x2x10240x64xf32, #tpu.memory_space<hbm>> -> memref<2x10240x64xf32, #tpu.memory_space<hbm>>
        %dma_start3A_124 = arith.constant 0 : i32
        %dma_start3A_125 = tpu.memref_slice %dma_start3A_123[%arg0, %add3A_118, %dma_start3A_124] : memref<2x10240x64xf32, #tpu.memory_space<hbm>> -> memref<1x128x64xf32, #tpu.memory_space<hbm>>
        %dma_start3A_126 = tpu.memref_squeeze %dma_start3A_125 : memref<1x128x64xf32, #tpu.memory_space<hbm>> -> memref<128x64xf32, #tpu.memory_space<hbm>>
        %dma_start3A_127 = arith.constant 0 : i32
        %dma_start3A_128 = arith.constant 0 : i32
        %dma_start3A_129 = arith.constant 0 : i32
        %dma_start3A_130 = tpu.memref_slice %arg4[%scan3A_103, %dma_start3A_127, %dma_start3A_128, %dma_start3A_129] : memref<2x2x10240x64xf32, #tpu.memory_space<hbm>> -> memref<1x2x10240x64xf32, #tpu.memory_space<hbm>>
        %dma_start3A_131 = tpu.memref_squeeze %dma_start3A_130 : memref<1x2x10240x64xf32, #tpu.memory_space<hbm>> -> memref<2x10240x64xf32, #tpu.memory_space<hbm>>
        %dma_start3A_132 = arith.constant 0 : i32
        %dma_start3A_133 = tpu.memref_slice %dma_start3A_131[%arg0, %add3A_118, %dma_start3A_132] : memref<2x10240x64xf32, #tpu.memory_space<hbm>> -> memref<1x128x64xf32, #tpu.memory_space<hbm>>
        %dma_start3A_134 = tpu.memref_squeeze %dma_start3A_133 : memref<1x128x64xf32, #tpu.memory_space<hbm>> -> memref<128x64xf32, #tpu.memory_space<hbm>>
        tpu.enqueue_dma source(%arg6 : memref<128x64xf32, #tpu.memory_space<vmem>>) target(%dma_start3A_134 : memref<128x64xf32, #tpu.memory_space<hbm>>) target_semaphore(%run_scoped3A : memref<!tpu.dma_semaphore, #tpu.memory_space<semaphore_mem>>)
        %dma_wait3A = arith.constant 0 : i32
        %dma_wait3A_135 = arith.constant 0 : i32
        %dma_wait3A_136 = arith.constant 0 : i32
        %dma_wait3A_137 = tpu.memref_slice %arg4[%scan3A_103, %dma_wait3A, %dma_wait3A_135, %dma_wait3A_136] : memref<2x2x10240x64xf32, #tpu.memory_space<hbm>> -> memref<1x2x10240x64xf32, #tpu.memory_space<hbm>>
        %dma_wait3A_138 = tpu.memref_squeeze %dma_wait3A_137 : memref<1x2x10240x64xf32, #tpu.memory_space<hbm>> -> memref<2x10240x64xf32, #tpu.memory_space<hbm>>
        %dma_wait3A_139 = arith.constant 0 : i32
        %dma_wait3A_140 = tpu.memref_slice %dma_wait3A_138[%arg0, %add3A_118, %dma_wait3A_139] : memref<2x10240x64xf32, #tpu.memory_space<hbm>> -> memref<1x128x64xf32, #tpu.memory_space<hbm>>
        %dma_wait3A_141 = tpu.memref_squeeze %dma_wait3A_140 : memref<1x128x64xf32, #tpu.memory_space<hbm>> -> memref<128x64xf32, #tpu.memory_space<hbm>>
        %dma_wait3A_142 = arith.constant 0 : i32
        %dma_wait3A_143 = arith.constant 0 : i32
        %dma_wait3A_144 = arith.constant 0 : i32
        %dma_wait3A_145 = tpu.memref_slice %arg4[%scan3A_103, %dma_wait3A_142, %dma_wait3A_143, %dma_wait3A_144] : memref<2x2x10240x64xf32, #tpu.memory_space<hbm>> -> memref<1x2x10240x64xf32, #tpu.memory_space<hbm>>
        %dma_wait3A_146 = tpu.memref_squeeze %dma_wait3A_145 : memref<1x2x10240x64xf32, #tpu.memory_space<hbm>> -> memref<2x10240x64xf32, #tpu.memory_space<hbm>>
        %dma_wait3A_147 = arith.constant 0 : i32
        %dma_wait3A_148 = tpu.memref_slice %dma_wait3A_146[%arg0, %add3A_118, %dma_wait3A_147] : memref<2x10240x64xf32, #tpu.memory_space<hbm>> -> memref<1x128x64xf32, #tpu.memory_space<hbm>>
        %dma_wait3A_149 = tpu.memref_squeeze %dma_wait3A_148 : memref<1x128x64xf32, #tpu.memory_space<hbm>> -> memref<128x64xf32, #tpu.memory_space<hbm>>
        tpu.wait_dma2 semaphore(%run_scoped3A : memref<!tpu.dma_semaphore, #tpu.memory_space<semaphore_mem>>) src(%arg6 : memref<128x64xf32, #tpu.memory_space<vmem>>) dst(%dma_wait3A_149 : memref<128x64xf32, #tpu.memory_space<hbm>>)
        tpu.yield
      }) : () -> ()
    }
    %scan3A_108 = arith.constant 5 : i32
    %barrier3A_109 = arith.constant 0 : index
    tpu.barrier barrier_id(%barrier3A_109)
    return
  }
}

module attributes {stable_mosaic.version = 14 : i64} {
  func.func @tc1_body(%arg0: i32, %arg1: memref<1280x128xf32, #tpu.memory_space<vmem>>, %arg2: memref<2x128x64xf32, #tpu.memory_space<vmem>>, %arg3: memref<1280x1xf32, #tpu.memory_space<vmem>>, %arg4: memref<1280x1xf32, #tpu.memory_space<vmem>>, %arg5: memref<2x1280x64xf32, #tpu.memory_space<vmem>>) attributes {dimension_semantics = [#tpu.dimension_semantics<arbitrary>], iteration_bounds = array<i64: 8>, scalar_prefetch = 0 : i64, scratch_operands = 0 : i64, tpu.core_type = #tpu.core_type<tc>, window_params = [{transform_indices = @transform_0, window_bounds = array<i64: 1280, 128>}, {pipeline_mode = #tpu.pipeline_mode<synchronous>, transform_indices = @transform_1, window_bounds = array<i64: 2, 128, 64>}, {transform_indices = @transform_2, window_bounds = array<i64: 1280, 1>}, {transform_indices = @transform_3, window_bounds = array<i64: 1280, 1>}, {transform_indices = @transform_4, window_bounds = array<i64: 2, 1280, 64>}]} {
    %get3A = arith.constant 0 : index
    %get3A_0 = arith.constant 0 : index
    %get3A_1 = vector.load %arg3[%get3A, %get3A_0] : memref<1280x1xf32, #tpu.memory_space<vmem>>, vector<1280x1xf32>
    %get3A_2 = arith.constant 0 : index
    %get3A_3 = arith.constant 0 : index
    %get3A_4 = vector.load %arg4[%get3A_2, %get3A_3] : memref<1280x1xf32, #tpu.memory_space<vmem>>, vector<1280x1xf32>
    %add3A = arith.addf %get3A_1, %get3A_4 : vector<1280x1xf32>
    %add3A_5 = arith.constant 1.000000e+00 : f32
    %add3A_6 = vector.broadcast %add3A_5 : f32 to vector<1280x1xf32>
    %add3A_7 = arith.addf %add3A, %add3A_6 : vector<1280x1xf32>
    %rsqrt3A = math.rsqrt %add3A_7 : vector<1280x1xf32>
    %get3A_8 = arith.constant 0 : index
    %get3A_9 = arith.constant 0 : index
    %get3A_10 = vector.load %arg1[%get3A_8, %get3A_9] : memref<1280x128xf32, #tpu.memory_space<vmem>>, vector<1280x128xf32>
    %get3A_11 = arith.constant 0 : index
    %get3A_12 = arith.constant 0 : index
    %get3A_13 = arith.constant 0 : index
    %get3A_14 = vector.load %arg2[%get3A_11, %get3A_12, %get3A_13] : memref<2x128x64xf32, #tpu.memory_space<vmem>>, vector<1x128x64xf32>
    %get3A_15 = vector.shape_cast %get3A_14 : vector<1x128x64xf32> to vector<128x64xf32>
    %dot_general3A = arith.constant dense<0.000000e+00> : vector<1280x64xf32>
    %dot_general3A_16 = tpu.matmul %get3A_10, %get3A_15, %dot_general3A {dimension_numbers = #tpu.dot_dimension_numbers<[1], [0], [0], [1], [0, 0, 1, 1], [], []>, transpose_lhs_hint = false} : vector<1280x128xf32>, vector<128x64xf32>, vector<1280x64xf32> -> vector<1280x64xf32>
    %mul3A = vector.broadcast %rsqrt3A : vector<1280x1xf32> to vector<1280x64xf32>
    %mul3A_17 = arith.mulf %dot_general3A_16, %mul3A : vector<1280x64xf32>
    %swap3A = arith.constant 0 : index
    %swap3A_18 = arith.constant 0 : index
    %swap3A_19 = arith.constant 0 : index
    %swap3A_20 = vector.load %arg5[%swap3A, %swap3A_18, %swap3A_19] : memref<2x1280x64xf32, #tpu.memory_space<vmem>>, vector<1x1280x64xf32>
    %swap3A_21 = vector.shape_cast %swap3A_20 : vector<1x1280x64xf32> to vector<1280x64xf32>
    %swap3A_22 = vector.shape_cast %mul3A_17 : vector<1280x64xf32> to vector<1x1280x64xf32>
    tpu.vector_store %arg5[%swap3A, %swap3A_18, %swap3A_19], %swap3A_22 {strides = array<i32>} : memref<2x1280x64xf32, #tpu.memory_space<vmem>>, vector<1x1280x64xf32>,
    %get3A_23 = arith.constant 1 : index
    %get3A_24 = arith.constant 0 : index
    %get3A_25 = arith.constant 0 : index
    %get3A_26 = vector.load %arg2[%get3A_23, %get3A_24, %get3A_25] : memref<2x128x64xf32, #tpu.memory_space<vmem>>, vector<1x128x64xf32>
    %get3A_27 = vector.shape_cast %get3A_26 : vector<1x128x64xf32> to vector<128x64xf32>
    %dot_general3A_28 = arith.constant dense<0.000000e+00> : vector<1280x64xf32>
    %dot_general3A_29 = tpu.matmul %get3A_10, %get3A_27, %dot_general3A_28 {dimension_numbers = #tpu.dot_dimension_numbers<[1], [0], [0], [1], [0, 0, 1, 1], [], []>, transpose_lhs_hint = false} : vector<1280x128xf32>, vector<128x64xf32>, vector<1280x64xf32> -> vector<1280x64xf32>
    %mul3A_30 = vector.broadcast %rsqrt3A : vector<1280x1xf32> to vector<1280x64xf32>
    %mul3A_31 = arith.mulf %dot_general3A_29, %mul3A_30 : vector<1280x64xf32>
    %swap3A_32 = arith.constant 1 : index
    %swap3A_33 = arith.constant 0 : index
    %swap3A_34 = arith.constant 0 : index
    %swap3A_35 = vector.load %arg5[%swap3A_32, %swap3A_33, %swap3A_34] : memref<2x1280x64xf32, #tpu.memory_space<vmem>>, vector<1x1280x64xf32>
    %swap3A_36 = vector.shape_cast %swap3A_35 : vector<1x1280x64xf32> to vector<1280x64xf32>
    %swap3A_37 = vector.shape_cast %mul3A_31 : vector<1280x64xf32> to vector<1x1280x64xf32>
    tpu.vector_store %arg5[%swap3A_32, %swap3A_33, %swap3A_34], %swap3A_37 {strides = array<i32>} : memref<2x1280x64xf32, #tpu.memory_space<vmem>>, vector<1x1280x64xf32>,
    return
  }
  func.func @transform_0(%arg0: i32) -> (i32, i32) {
    %c0_i32 = arith.constant 0 : i32
    %c0_i32_0 = arith.constant 0 : i32
    return %arg0, %c0_i32 : i32, i32
  }
  func.func @transform_1(%arg0: i32) -> (i32, i32, i32) {
    %c0_i32 = arith.constant 0 : i32
    %c0_i32_0 = arith.constant 0 : i32
    %c0_i32_1 = arith.constant 0 : i32
    %c0_i32_2 = arith.constant 0 : i32
    return %c0_i32, %c0_i32_0, %c0_i32_1 : i32, i32, i32
  }
  func.func @transform_2(%arg0: i32) -> (i32, i32) {
    %c0_i32 = arith.constant 0 : i32
    %c0_i32_0 = arith.constant 0 : i32
    return %arg0, %c0_i32 : i32, i32
  }
  func.func @transform_3(%arg0: i32) -> (i32, i32) {
    %c0_i32 = arith.constant 0 : i32
    %c0_i32_0 = arith.constant 0 : i32
    return %arg0, %c0_i32 : i32, i32
  }
  func.func @transform_4(%arg0: i32) -> (i32, i32, i32) {
    %c0_i32 = arith.constant 0 : i32
    %c0_i32_0 = arith.constant 0 : i32
    %c0_i32_1 = arith.constant 0 : i32
    return %c0_i32, %arg0, %c0_i32_0 : i32, i32, i32
  }
}

module attributes {stable_mosaic.version = 14 : i64} {
  func.func @tc2_body(%arg0: i32, %arg1: memref<1x1x1000x64xf32, #tpu.memory_space<vmem>>, %arg2: memref<1x1x1000x64xf32, #tpu.memory_space<vmem>>, %arg3: memref<1x1x1000x64xf32, #tpu.memory_space<vmem>>, %arg4: memref<1x1x1000x64xf32, #tpu.memory_space<vmem>>, %arg5: memref<1x1000x64xf32, #tpu.memory_space<vmem>>, %arg6: memref<1x1000x64xf32, #tpu.memory_space<vmem>>, %arg7: memref<1000x1xf32, #tpu.memory_space<vmem>>, %arg8: memref<1000x1xf32, #tpu.memory_space<vmem>>, %arg9: memref<1x64xf32, #tpu.memory_space<vmem>>, %arg10: memref<1x64xf32, #tpu.memory_space<vmem>>, %arg11: memref<64x40xf32, #tpu.memory_space<vmem>>, %arg12: memref<64x40xf32, #tpu.memory_space<vmem>>, %arg13: memref<1x40xf32, #tpu.memory_space<vmem>>, %arg14: memref<1000x40xf32, #tpu.memory_space<vmem>>) attributes {dimension_semantics = [#tpu.dimension_semantics<arbitrary>], iteration_bounds = array<i64: 10>, scalar_prefetch = 0 : i64, scratch_operands = 0 : i64, tpu.core_type = #tpu.core_type<tc>, window_params = [{transform_indices = @transform_0, window_bounds = array<i64: 1, 1, 1000, 64>}, {transform_indices = @transform_1, window_bounds = array<i64: 1, 1, 1000, 64>}, {transform_indices = @transform_2, window_bounds = array<i64: 1, 1, 1000, 64>}, {transform_indices = @transform_3, window_bounds = array<i64: 1, 1, 1000, 64>}, {transform_indices = @transform_4, window_bounds = array<i64: 1, 1000, 64>}, {transform_indices = @transform_5, window_bounds = array<i64: 1, 1000, 64>}, {transform_indices = @transform_6, window_bounds = array<i64: 1000, 1>}, {transform_indices = @transform_7, window_bounds = array<i64: 1000, 1>}, {pipeline_mode = #tpu.pipeline_mode<synchronous>, transform_indices = @transform_8, window_bounds = array<i64: 1, 64>}, {pipeline_mode = #tpu.pipeline_mode<synchronous>, transform_indices = @transform_9, window_bounds = array<i64: 1, 64>}, {pipeline_mode = #tpu.pipeline_mode<synchronous>, transform_indices = @transform_10, window_bounds = array<i64: 64, 40>}, {pipeline_mode = #tpu.pipeline_mode<synchronous>, transform_indices = @transform_11, window_bounds = array<i64: 64, 40>}, {pipeline_mode = #tpu.pipeline_mode<synchronous>, transform_indices = @transform_12, window_bounds = array<i64: 1, 40>}, {transform_indices = @transform_13, window_bounds = array<i64: 1000, 40>}]} {
    %get3A = arith.constant 0 : index
    %get3A_0 = arith.constant 0 : index
    %get3A_1 = vector.load %arg7[%get3A, %get3A_0] : memref<1000x1xf32, #tpu.memory_space<vmem>>, vector<1000x1xf32>
    %get3A_2 = arith.constant 0 : index
    %get3A_3 = arith.constant 0 : index
    %get3A_4 = vector.load %arg8[%get3A_2, %get3A_3] : memref<1000x1xf32, #tpu.memory_space<vmem>>, vector<1000x1xf32>
    %add3A = arith.addf %get3A_1, %get3A_4 : vector<1000x1xf32>
    %add3A_5 = arith.constant 1.000000e+00 : f32
    %add3A_6 = vector.broadcast %add3A_5 : f32 to vector<1000x1xf32>
    %add3A_7 = arith.addf %add3A, %add3A_6 : vector<1000x1xf32>
    %rsqrt3A = math.rsqrt %add3A_7 : vector<1000x1xf32>
    %get3A_8 = arith.constant 0 : index
    %get3A_9 = arith.constant 0 : index
    %get3A_10 = arith.constant 0 : index
    %get3A_11 = arith.constant 0 : index
    %get3A_12 = vector.load %arg1[%get3A_8, %get3A_9, %get3A_10, %get3A_11] : memref<1x1x1000x64xf32, #tpu.memory_space<vmem>>, vector<1x1x1000x64xf32>
    %get3A_13 = vector.shape_cast %get3A_12 : vector<1x1x1000x64xf32> to vector<1000x64xf32>
    %get3A_14 = arith.constant 0 : index
    %get3A_15 = arith.constant 0 : index
    %get3A_16 = arith.constant 0 : index
    %get3A_17 = arith.constant 0 : index
    %get3A_18 = vector.load %arg2[%get3A_14, %get3A_15, %get3A_16, %get3A_17] : memref<1x1x1000x64xf32, #tpu.memory_space<vmem>>, vector<1x1x1000x64xf32>
    %get3A_19 = vector.shape_cast %get3A_18 : vector<1x1x1000x64xf32> to vector<1000x64xf32>
    %add3A_20 = arith.addf %get3A_13, %get3A_19 : vector<1000x64xf32>
    %get3A_21 = arith.constant 0 : index
    %get3A_22 = arith.constant 0 : index
    %get3A_23 = arith.constant 0 : index
    %get3A_24 = vector.load %arg5[%get3A_21, %get3A_22, %get3A_23] : memref<1x1000x64xf32, #tpu.memory_space<vmem>>, vector<1x1000x64xf32>
    %get3A_25 = vector.shape_cast %get3A_24 : vector<1x1000x64xf32> to vector<1000x64xf32>
    %sub3A = arith.subf %add3A_20, %get3A_25 : vector<1000x64xf32>
    %mul3A = vector.broadcast %rsqrt3A : vector<1000x1xf32> to vector<1000x64xf32>
    %mul3A_26 = arith.mulf %sub3A, %mul3A : vector<1000x64xf32>
    %get3A_27 = arith.constant 0 : index
    %get3A_28 = arith.constant 0 : index
    %get3A_29 = vector.load %arg9[%get3A_27, %get3A_28] : memref<1x64xf32, #tpu.memory_space<vmem>>, vector<1x64xf32>
    %add3A_30 = vector.broadcast %get3A_29 : vector<1x64xf32> to vector<1000x64xf32>
    %add3A_31 = arith.addf %mul3A_26, %add3A_30 : vector<1000x64xf32>
    %get3A_32 = arith.constant 0 : index
    %get3A_33 = arith.constant 0 : index
    %get3A_34 = arith.constant 0 : index
    %get3A_35 = arith.constant 0 : index
    %get3A_36 = vector.load %arg3[%get3A_32, %get3A_33, %get3A_34, %get3A_35] : memref<1x1x1000x64xf32, #tpu.memory_space<vmem>>, vector<1x1x1000x64xf32>
    %get3A_37 = vector.shape_cast %get3A_36 : vector<1x1x1000x64xf32> to vector<1000x64xf32>
    %get3A_38 = arith.constant 0 : index
    %get3A_39 = arith.constant 0 : index
    %get3A_40 = arith.constant 0 : index
    %get3A_41 = arith.constant 0 : index
    %get3A_42 = vector.load %arg4[%get3A_38, %get3A_39, %get3A_40, %get3A_41] : memref<1x1x1000x64xf32, #tpu.memory_space<vmem>>, vector<1x1x1000x64xf32>
    %get3A_43 = vector.shape_cast %get3A_42 : vector<1x1x1000x64xf32> to vector<1000x64xf32>
    %add3A_44 = arith.addf %get3A_37, %get3A_43 : vector<1000x64xf32>
    %get3A_45 = arith.constant 0 : index
    %get3A_46 = arith.constant 0 : index
    %get3A_47 = arith.constant 0 : index
    %get3A_48 = vector.load %arg6[%get3A_45, %get3A_46, %get3A_47] : memref<1x1000x64xf32, #tpu.memory_space<vmem>>, vector<1x1000x64xf32>
    %get3A_49 = vector.shape_cast %get3A_48 : vector<1x1000x64xf32> to vector<1000x64xf32>
    %sub3A_50 = arith.subf %add3A_44, %get3A_49 : vector<1000x64xf32>
    %mul3A_51 = vector.broadcast %rsqrt3A : vector<1000x1xf32> to vector<1000x64xf32>
    %mul3A_52 = arith.mulf %sub3A_50, %mul3A_51 : vector<1000x64xf32>
    %get3A_53 = arith.constant 0 : index
    %get3A_54 = arith.constant 0 : index
    %get3A_55 = vector.load %arg10[%get3A_53, %get3A_54] : memref<1x64xf32, #tpu.memory_space<vmem>>, vector<1x64xf32>
    %add3A_56 = vector.broadcast %get3A_55 : vector<1x64xf32> to vector<1000x64xf32>
    %add3A_57 = arith.addf %mul3A_52, %add3A_56 : vector<1000x64xf32>
    %max3A = arith.constant 0.000000e+00 : f32
    %max3A_58 = vector.broadcast %max3A : f32 to vector<1000x64xf32>
    %max3A_59 = arith.maximumf %add3A_31, %max3A_58 : vector<1000x64xf32>
    %max3A_60 = arith.constant 0.000000e+00 : f32
    %max3A_61 = vector.broadcast %max3A_60 : f32 to vector<1000x64xf32>
    %max3A_62 = arith.maximumf %add3A_57, %max3A_61 : vector<1000x64xf32>
    %get3A_63 = arith.constant 0 : index
    %get3A_64 = arith.constant 0 : index
    %get3A_65 = vector.load %arg11[%get3A_63, %get3A_64] : memref<64x40xf32, #tpu.memory_space<vmem>>, vector<64x40xf32>
    %dot_general3A = arith.constant dense<0.000000e+00> : vector<1000x40xf32>
    %dot_general3A_66 = tpu.matmul %max3A_59, %get3A_65, %dot_general3A {dimension_numbers = #tpu.dot_dimension_numbers<[1], [0], [0], [1], [0, 0, 1, 1], [], []>, transpose_lhs_hint = false} : vector<1000x64xf32>, vector<64x40xf32>, vector<1000x40xf32> -> vector<1000x40xf32>
    %get3A_67 = arith.constant 0 : index
    %get3A_68 = arith.constant 0 : index
    %get3A_69 = vector.load %arg12[%get3A_67, %get3A_68] : memref<64x40xf32, #tpu.memory_space<vmem>>, vector<64x40xf32>
    %dot_general3A_70 = arith.constant dense<0.000000e+00> : vector<1000x40xf32>
    %dot_general3A_71 = tpu.matmul %max3A_62, %get3A_69, %dot_general3A_70 {dimension_numbers = #tpu.dot_dimension_numbers<[1], [0], [0], [1], [0, 0, 1, 1], [], []>, transpose_lhs_hint = false} : vector<1000x64xf32>, vector<64x40xf32>, vector<1000x40xf32> -> vector<1000x40xf32>
    %add3A_72 = arith.addf %dot_general3A_66, %dot_general3A_71 : vector<1000x40xf32>
    %get3A_73 = arith.constant 0 : index
    %get3A_74 = arith.constant 0 : index
    %get3A_75 = vector.load %arg13[%get3A_73, %get3A_74] : memref<1x40xf32, #tpu.memory_space<vmem>>, vector<1x40xf32>
    %add3A_76 = vector.broadcast %get3A_75 : vector<1x40xf32> to vector<1000x40xf32>
    %add3A_77 = arith.addf %add3A_72, %add3A_76 : vector<1000x40xf32>
    %swap3A = arith.constant 0 : index
    %swap3A_78 = arith.constant 0 : index
    %swap3A_79 = vector.load %arg14[%swap3A, %swap3A_78] : memref<1000x40xf32, #tpu.memory_space<vmem>>, vector<1000x40xf32>
    tpu.vector_store %arg14[%swap3A, %swap3A_78], %add3A_77 {strides = array<i32>} : memref<1000x40xf32, #tpu.memory_space<vmem>>, vector<1000x40xf32>,
    return
  }
  func.func @transform_0(%arg0: i32) -> (i32, i32, i32, i32) {
    %c0_i32 = arith.constant 0 : i32
    %c0_i32_0 = arith.constant 0 : i32
    %c0_i32_1 = arith.constant 0 : i32
    %c0_i32_2 = arith.constant 0 : i32
    return %c0_i32, %c0_i32_0, %arg0, %c0_i32_1 : i32, i32, i32, i32
  }
  func.func @transform_1(%arg0: i32) -> (i32, i32, i32, i32) {
    %c0_i32 = arith.constant 0 : i32
    %c1_i32 = arith.constant 1 : i32
    %c0_i32_0 = arith.constant 0 : i32
    %c0_i32_1 = arith.constant 0 : i32
    return %c0_i32, %c1_i32, %arg0, %c0_i32_0 : i32, i32, i32, i32
  }
  func.func @transform_2(%arg0: i32) -> (i32, i32, i32, i32) {
    %c1_i32 = arith.constant 1 : i32
    %c0_i32 = arith.constant 0 : i32
    %c0_i32_0 = arith.constant 0 : i32
    %c0_i32_1 = arith.constant 0 : i32
    return %c1_i32, %c0_i32, %arg0, %c0_i32_0 : i32, i32, i32, i32
  }
  func.func @transform_3(%arg0: i32) -> (i32, i32, i32, i32) {
    %c1_i32 = arith.constant 1 : i32
    %c1_i32_0 = arith.constant 1 : i32
    %c0_i32 = arith.constant 0 : i32
    %c0_i32_1 = arith.constant 0 : i32
    return %c1_i32, %c1_i32_0, %arg0, %c0_i32 : i32, i32, i32, i32
  }
  func.func @transform_4(%arg0: i32) -> (i32, i32, i32) {
    %c0_i32 = arith.constant 0 : i32
    %c0_i32_0 = arith.constant 0 : i32
    %c0_i32_1 = arith.constant 0 : i32
    return %c0_i32, %arg0, %c0_i32_0 : i32, i32, i32
  }
  func.func @transform_5(%arg0: i32) -> (i32, i32, i32) {
    %c1_i32 = arith.constant 1 : i32
    %c0_i32 = arith.constant 0 : i32
    %c0_i32_0 = arith.constant 0 : i32
    return %c1_i32, %arg0, %c0_i32 : i32, i32, i32
  }
  func.func @transform_6(%arg0: i32) -> (i32, i32) {
    %c0_i32 = arith.constant 0 : i32
    %c0_i32_0 = arith.constant 0 : i32
    return %arg0, %c0_i32 : i32, i32
  }
  func.func @transform_7(%arg0: i32) -> (i32, i32) {
    %c0_i32 = arith.constant 0 : i32
    %c0_i32_0 = arith.constant 0 : i32
    return %arg0, %c0_i32 : i32, i32
  }
  func.func @transform_8(%arg0: i32) -> (i32, i32) {
    %c0_i32 = arith.constant 0 : i32
    %c0_i32_0 = arith.constant 0 : i32
    %c0_i32_1 = arith.constant 0 : i32
    return %c0_i32, %c0_i32_0 : i32, i32
  }
  func.func @transform_9(%arg0: i32) -> (i32, i32) {
    %c0_i32 = arith.constant 0 : i32
    %c0_i32_0 = arith.constant 0 : i32
    %c0_i32_1 = arith.constant 0 : i32
    return %c0_i32, %c0_i32_0 : i32, i32
  }
  func.func @transform_10(%arg0: i32) -> (i32, i32) {
    %c0_i32 = arith.constant 0 : i32
    %c0_i32_0 = arith.constant 0 : i32
    %c0_i32_1 = arith.constant 0 : i32
    return %c0_i32, %c0_i32_0 : i32, i32
  }
  func.func @transform_11(%arg0: i32) -> (i32, i32) {
    %c0_i32 = arith.constant 0 : i32
    %c0_i32_0 = arith.constant 0 : i32
    %c0_i32_1 = arith.constant 0 : i32
    return %c0_i32, %c0_i32_0 : i32, i32
  }
  func.func @transform_12(%arg0: i32) -> (i32, i32) {
    %c0_i32 = arith.constant 0 : i32
    %c0_i32_0 = arith.constant 0 : i32
    %c0_i32_1 = arith.constant 0 : i32
    return %c0_i32, %c0_i32_0 : i32, i32
  }
  func.func @transform_13(%arg0: i32) -> (i32, i32) {
    %c0_i32 = arith.constant 0 : i32
    %c0_i32_0 = arith.constant 0 : i32
    return %arg0, %c0_i32 : i32, i32
  }
}

</mosaic_0001>

<sc_bundles>
// kernel: _gcn_pallas.6.cloned.1.call-start
scs
__scs_entry_jumppad:
0x0: {  	(pc) =	sbr.rel $0x88, $3  }
0x1: {  	(tag) =	ssettag $0x0;
	lr =	simm.s32 $0x1  }
0x2: {  	[smem:$0x3F9B] =	sst lr;
	_ =	strace $0xD0000000  }
0x3: {  	_ = 	snop  }
0x4: {  	_ = 	snop  }
0x5: {  	_ = 	snop  }
0x6: {  	_ = 	snop  }
0x7: {  	_ = 	snop  }
__scs_overlays_trampoline_lowered:
0x8: {  	[smem:$0x3FAA] =	sst s0  }
0x9: {  	[smem:$0x3FAB] =	sst s1  }
0xa: {  	[smem:$0x3FAC] =	sst s2  }
0xb: {  	[smem:$0x3FAD] =	sst s3  }
0xc: {  	[smem:$0x3FAE] =	sst s4  }
0xd: {  	[smem:$0x3FAF] =	sst s5  }
0xe: {  	[smem:$0x3FB0] =	sst s6  }
0xf: {  	[smem:$0x3FB1] =	sst s7  }
0x10: {  	[smem:$0x3FB2] =	sst s8  }
0x11: {  	[smem:$0x3FB3] =	sst s9;
	s0 =	simm.s32 @!p0 $0x0  }
0x12: {  	s1 =	sld [smem:$0x3F99];
	s0 =	simm.s32 @p0 $0x1  }
0x13: {  	[smem:$0x3FB4] =	sst s0;
	s0 =	simm.s32 @!p1 $0x0  }
0x14: {  	s2 =	sld [smem:$0x3F98];
	s0 =	simm.s32 @p1 $0x1  }
0x15: {  	[smem:$0x3FB5] =	sst s0;
	s0 =	simm.s32 @!p2 $0x0  }
0x16: {  	s3 =	sld [smem:$0x3FDB];
	s0 =	simm.s32 @p2 $0x1  }
0x17: {  	s4 =	simm.s32 $0x1BF5;
	[smem:$0x3FB7] =	sst s0  }
0x18: {  	s0 =	sld [smem:$0x3F9A];
	_ =	swait.ge [sflag:s4], $0x0  }
0x19: {  	s7 =	sld [smem:$0x3F9B]  }
0x1a: {  	s8 =	sadd.s32 $0xFFFFE003, lr  }
0x1b: {  	s9 =	sadd.s32 $0xFFFFFEF7, lr;
	s5 =	simm.s32 $0xFFFFFFFF;
	p2 =	slt.u32 s8, $0xFFFFF086  }
0x1c: {  	p1 =	slt.u32 s9, $0xF7A;
	s5 =	simm.s32 @!p2 $0x0  }
0x1d: {  	s5 =	simm.s32 @p1 $0x1;
	p0 =	seq.s32 s7, s2  }
0x1e: {  	s7 =	smul.u32 @!p0 $0xF7A, s2;
	p2 =	seq.s32 @!p0 s5, $0x0  }
0x1f: {  	s9 =	smul.u32 $0xF7A, s1;
	s8 =	simm.s32 @!p0 $0x1BF5;
	p2 =	por !p2, p0  }
0x20: {  	[sflag:s8] =	ssyncset.s32 @!p0 $0xFFFFF086;
	s6 =	sadd.s32 @!p0 s3, s7;
	s7 =	simm.s32 @!p0 $0x108  }
0x21: {  	s3 =	sadd.s32 s3, s9;
	s6 =	sadd.s32 @!p0 $0x88, s6;
	s7 =	simm.s32 @p2 $0x1082  }
0x22: {  	[simem:s7], [sflag:s8] =	dma.local @!p0 [hbm:s6], $0xF7A  }
0x23: {  	s9 =	sor.u32 $0xD0000000, s2;
	s6 =	simm.s32 $0x108;
	_ =	swait.ge @!p0 [sflag:s8], $0x0  }
0x24: {  	s3 =	sadd.s32 $0x88, s3;
	s6 =	simm.s32 @!p1 $0x1082;
	[sflag:s4] =	ssyncset.s32 $0xFFFFF086  }
0x25: {  	[simem:s6], [sflag:s4] =	dma.local [hbm:s3], $0xF7A  }
0x26: {  	[smem:$0x3F9B] =	sst s1;
	(tag) =	ssettag s2;
	_ =	strace s9  }
0x27: {  	s1 =	sld [smem:$0x3FAB]  }
0x28: {  	s2 =	sld [smem:$0x3FAC]  }
0x29: {  	s4 =	sld [smem:$0x3FAE]  }
0x2a: {  	p0 =	seq.s32 s5, $0x0;
	s5 =	sld [smem:$0x3FAF]  }
0x2b: {  	s6 =	sld [smem:$0x3FB0]  }
0x2c: {  	s7 =	sld [smem:$0x3FB1]  }
0x2d: {  	s3 =	simm.s32 $0x108;
	s8 =	sld [smem:$0x3FB2]  }
0x2e: {  	s3 =	simm.s32 @!p0 $0x1082;
	s9 =	sld [smem:$0x3FB3]  }
0x2f: {  	lr =	sadd.s32 s0, s3;
	s0 =	sld [smem:$0x3FAA]  }
0x30: {  	s3 =	sld [smem:$0x3FAD]  }
0x31: {  	[smem:$0x3FB6] =	sst s10  }
0x32: {  	s10 =	sld [smem:$0x3FB4];
	_ =	sdelay $0x3  }
0x33: {  	p0 =	seq.s32 s10, $0x1;
	s10 =	sld [smem:$0x3FB6];
	_ =	sdelay $0x3  }
0x34: {  	[smem:$0x3FB6] =	sst s10  }
0x35: {  	s10 =	sld [smem:$0x3FB5];
	_ =	sdelay $0x3  }
0x36: {  	p1 =	seq.s32 s10, $0x1;
	s10 =	sld [smem:$0x3FB6];
	_ =	sdelay $0x3  }
0x37: {  	[smem:$0x3FB6] =	sst s10  }
0x38: {  	s10 =	sld [smem:$0x3FB7]  }
0x39: {  	_ = 	snop;
	(pc) =	sbr.ind lr, $3  }
0x3a: {  	_ = 	snop  }
0x3b: {  	_ = 	snop  }
0x3c: {  	p2 =	seq.s32 s10, $0x1;
	s10 =	sld [smem:$0x3FB6]  }
0x3d: {  	_ =	shalt  }
0x3e: {  	_ =	shalt  }
0x3f: {  	_ =	shalt  }
0x40: {  	_ =	shalt  }
0x41: {  	_ =	shalt  }
0x42: {  	_ =	shalt  }
0x43: {  	_ =	shalt  }
0x44: {  	_ =	shalt  }
0x45: {  	_ =	shalt  }
0x46: {  	_ =	shalt  }
0x47: {  	_ =	shalt  }
0x48: {  	_ =	shalt  }
0x49: {  	_ =	shalt  }
0x4a: {  	_ =	shalt  }
0x4b: {  	_ =	shalt  }
0x4c: {  	_ =	shalt  }
0x4d: {  	_ =	shalt  }
0x4e: {  	_ =	shalt  }
0x4f: {  	_ =	shalt  }
0x50: {  	_ =	shalt  }
0x51: {  	_ =	shalt  }
0x52: {  	_ =	shalt  }
0x53: {  	_ =	shalt  }
0x54: {  	_ =	shalt  }
0x55: {  	_ =	shalt  }
0x56: {  	_ =	shalt  }
0x57: {  	_ =	shalt  }
0x58: {  	_ =	shalt  }
0x59: {  	_ =	shalt  }
0x5a: {  	_ =	shalt  }
0x5b: {  	_ =	shalt  }
0x5c: {  	_ =	shalt  }
0x5d: {  	_ =	shalt  }
0x5e: {  	_ =	shalt  }
0x5f: {  	_ =	shalt  }
0x60: {  	_ =	shalt  }
0x61: {  	_ =	shalt  }
0x62: {  	_ =	shalt  }
0x63: {  	_ =	shalt  }
0x64: {  	_ =	shalt  }
0x65: {  	_ =	shalt  }
0x66: {  	_ =	shalt  }
0x67: {  	_ =	shalt  }
0x68: {  	_ =	shalt  }
0x69: {  	_ =	shalt  }
0x6a: {  	_ =	shalt  }
0x6b: {  	_ =	shalt  }
0x6c: {  	_ =	shalt  }
0x6d: {  	_ =	shalt  }
0x6e: {  	_ =	shalt  }
0x6f: {  	_ =	shalt  }
0x70: {  	_ =	shalt  }
0x71: {  	_ =	shalt  }
0x72: {  	_ =	shalt  }
0x73: {  	_ =	shalt  }
0x74: {  	_ =	shalt  }
0x75: {  	_ =	shalt  }
0x76: {  	_ =	shalt  }
0x77: {  	_ =	shalt  }
0x78: {  	_ =	shalt  }
0x79: {  	_ =	shalt  }
0x7a: {  	_ =	shalt  }
0x7b: {  	_ =	shalt  }
0x7c: {  	_ =	shalt  }
0x7d: {  	_ =	shalt  }
0x7e: {  	_ =	shalt  }
0x7f: {  	_ =	shalt  }
0x80: {  	_ =	shalt  }
0x81: {  	_ =	shalt  }
0x82: {  	_ =	shalt  }
0x83: {  	_ =	shalt  }
0x84: {  	_ =	shalt  }
0x85: {  	_ =	shalt  }
0x86: {  	_ =	shalt  }
0x87: {  	_ =	shalt  }
.Lfunc_end0:
.L_simem_size_0:
called_computation_lowered:
.L_overlay_start_0:
0x88: {  	s2 =	sld [smem:$0x3FD9]  }
0x89: {  	s3 =	sld [smem:$0x3FFE];
	_ =	sdelay $0x1  }
0x8a: {  	s1 =	srdreg.scid  }
0x8b: {  	s0 =	sand.u32 $0x1, s1  }
0x8c: {  	s18 =	sshll.u32 s0, $0xA;
	s2 =	sadd.s32 s3, s2  }
0x8d: {  	s2 =	sadd.s32 s2, s18  }
0x8e: {  	[smem:$0x3FC2] =	sst s2  }
0x8f: {  	_ = 	snop  }
0x90: {  	s2 =	sld [smem:$0x3FC8]  }
0x91: {  	s19 =	sld [smem:$0x3FD0];
	(tm) =	ssettm $0x1  }
0x92: {  	s4 =	sld [smem:$0x3FFB];
	_ =	sdelay $0x3  }
0x93: {  	_ =	strace s4  }
0x94: {  	s4 =	sld [smem:$0x3FFC];
	_ =	sdelay $0x3  }
0x95: {  	_ =	strace s4  }
0x96: {  	s4 =	sld [smem:$0x3FFD];
	_ =	sdelay $0x3  }
0x97: {  	_ =	strace s4  }
0x98: {  	_ =	strace $0x8FFFFFFF  }
0x99: {  	s20 =	sld [smem:$0x3FDB];
	_ =	sdelay $0x1  }
0x9a: {  	s5 =	simm.s32 $_scs_section_size  }
0x9b: {  	s6 =	simm.s32 $_size__tile_overlayer_lowered;
	s7 =	simm.s32 $_tile_overlayer_lowered  }
0x9c: {  	s23 =	simm.s32 $0x1BFF;
	s22 =	sshll.u32 s7, $0x1;
	s4 =	sadd.s32 s5, s20  }
0x9d: {  	s8 =	simm.s32 $0x0;
	s21 =	sshll.u32 s6, $0x1;
	s6 =	sadd.s32 s22, s4  }
0x9e: {  	[timem:s8], [sflag:s23] =	dma.local [hbm:s6], s21  }
0x9f: {  	_ =	swait.ge [sflag:s23], s21  }
0xa0: {  	s5 =	ssub.s32 $0x0, s21;
	[sflag:s23] =	ssyncset.done $0x0  }
0xa1: {  	[sflag:s23] =	ssyncadd.s32 s5;
	_ =	sdelay $0x1  }
0xa2: {  	s24 =	simm.s32 $0x1B8B  }
0xa3: {  	_ =	swait.ge [sflag:s24], $0x1  }
0xa4: {  	[sflag:s24] =	ssyncset.done $0x0  }
0xa5: {  	s25 =	simm.s32 $0x1B8E;
	[sflag:s24] =	ssyncadd.s32 $0xFFFFFFFF  }
0xa6: {  	s26 =	simm.s32 $execute0_lowered;
	[smem:$0x3FD2] =	sst s25  }
0xa7: {  	s5 =	sshll.u32 s26, $0x1;
	_ =	strace $0x80000046;
	[dreg:$0x1] =	wrdreg $0xFFFFFFFF  }
0xa8: {  	s28 =	simm.s32 $_size_execute0_lowered;
	s4 =	sadd.s32 s4, s5;
	[dreg:$0x0] =	wrdreg $0x0  }
0xa9: {  	s5 =	sshll.u32 s28, $0x1;
	[dreg:$0x2] =	wrdreg s4  }
0xaa: {  	[dreg:$0x3] =	wrdreg s5  }
0xab: {  	[dreg:$0x4] =	wrdreg $0xC0  }
0xac: {  	_ =	task [dreg:s8], $0x5FFFF  }
0xad: {  	[dreg:$0x1] =	wrdreg $0xFFFFFFFF  }
0xae: {  	[dreg:$0x0] =	wrdreg $0x60  }
0xaf: {  	[dreg:$0x2] =	wrdreg s2  }
0xb0: {  	[dreg:$0x3] =	wrdreg s19  }
0xb1: {  	[dreg:$0x4] =	wrdreg $0x53000  }
0xb2: {  	[dreg:$0x5] =	wrdreg $0x9  }
0xb3: {  	_ =	task.clear_ibuf [dreg:s8], $0x6FFFF;
	_ =	strace $0x90000046  }
0xb4: {  	s29 =	simm.s32 $0x9;
	_ =	strace $0x80000048  }
0xb5: {  	_ =	swait.ge [sflag:s29], $0x1  }
0xb6: {  	[sflag:s29] =	ssyncadd.s32 $0xFFFFFFFF  }
0xb7: {  	_ =	strace $0x90000048  }
0xb8: {  	_ =	sfence  }
0xb9: {  	s30 =	sld [smem:$0x0];
	_ =	sdelay $0x2  }
0xba: {  	s31 =	sshll.u32 s1, $0xD;
	s1 =	sshrl.u32 s1, $0x2  }
0xbb: {  	s3 =	sand.u32 $0x4000, s31;
	s1 =	sadd.s32 s1, s30  }
0xbc: {  	s0 =	sor.u32 s3, s0;
	s1 =	sshll.u32 s1, $0x11  }
0xbd: {  	s0 =	sor.u32 s1, s0  }
0xbe: {  	s0 =	sadd.s32 $0x8F2B, s0  }
0xbf: {  	[sflag:s0] =	ssyncadd.remote.s32 $0x1  }
0xc0: {  	_ =	sfence.sel $0xFFFF  }
0xc1: {  	[dreg:$0x0] =	wrdreg $0xFFFFFFFF;
	(pc) =	sbr.abs _section_cstart, $3  }
0xc2: {  	[dreg:$0x1] =	wrdreg $0xFFFFFFFF  }
0xc3: {  	_ =	task.clear_ibuf [dreg:s8], $0x2FFFF;
	_ =	strace $0x9FFFFFFF  }
0xc4: {  	(tm) =	ssettm $0x7FFFFFFF  }
0xc5: {  	_ =	shalt  }
tec
execute0_lowered:
.L_overlay_start_1:
0x0: {  	(tag) =	ssettag $0x1  }
0x1: {  	s6 =	rddreg [dreg:$0x0]  }
0x2: {  	s8 =	rddreg [dreg:$0x1]  }
0x3: {  	s2 =	rddreg [dreg:$0x2];
	s3 =	srdreg.scid  }
0x4: {  	s0 =	rddreg [dreg:$0x3];
	s1 =	stileid.u32  }
0x5: {  	s14 =	simm.s32 $0x5000;
	s15 =	simm.s32 $0x100;
	s7 =	smul.u32 $0xA00, s1  }
0x6: {  	s11 =	sand.u32 $0x1, s3;
	s3 =	simm.s32 $0x0;
	s10 =	smul.u32 $0x4E00, s1  }
0x7: {  	p2 =	sne.s32 s1, $0xF;
	p1 =	seq.s32 s1, $0xF;
	s12 =	smul.u32 $0x500, s1  }
0x8: {  	s4 =	ssub.s32 $0x2, s11;
	[smem:$0x7FF] =	sst s3;
	p0 =	seq.s32 s11, $0x1  }
0x9: {  	s13 =	sshll.u32 s11, $0x7;
	s5 =	sshrl.u32 s4, $0x1;
	_ =	strace $0x80000047  }
0xa: {  	p2 =	por !p2, !p0;
	p3 =	por !p1, !p0;
	s10 =	sshrl.u32 s10, $0x3  }
0xb: {  	s31 =	sor.u32 s13, s12;
	s12 =	simm.s32 $0x1;
	s13 =	simm.s32 $0x80  }
0xc: {  	s9 =	ssub.s32 s4, s5;
	s4 =	sadd.s32 s6, s7;
	p0 =	por !p2, !p2  }
0xd: {  	p6 =	por !p3, !p3;
	s5 =	sadd.s32 $0x13240, s6;
	s6 =	sadd.s32 s6, s10  }
0xe: {  	s7 =	sshrl.u32 s7, $0x2;
	s10 =	sshrl.u32 s31, $0x3;
	p3 =	seq.s32 s11, $0x0  }
0xf: {  	s6 =	sadd.s32 $0xA000, s6;
	s7 =	sadd.s32 s7, s2;
	s8 =	sadd.s32 s8, s10  }
0x10: {  	s9 =	smax.u32 s9, $0x1;
	s10 =	simm.s32 $0x32;
	p2 =	por !p6, p0  }
0x11: {  	v0 =	vimm.f32 $1.000000000e+00;
	v1 =	vimm.f32 $0.0e+00;
	s10 =	simm.s32 @!p1 $0x4E;
	p1 =	sne.s32 s11, $0x0;
	s11 =	simm.s32 $0x5080  }
.LBB2_1:
0x12: {  	s16 =	simm.s32 @!p1 $0x0  }
0x13: {  	[tilespmem:s16], [sflag:$0x1] =	stream.linear.gather @!p1 [hbm4b:s4+s16], $0x5000, $0x38;
	[tilespmem:$0x5580] =	vst v63  }
0x14: {  	s16 =	simm.s32 @!p1 $0x1  }
0x15: {  	_ =	swait.ge @!p1 [sflag:s16], $0x5000  }
0x16: {  	[sflag:s16] =	ssyncset.done @!p1 $0x0  }
0x17: {  	[sflag:s16] =	ssyncadd.s32 @!p1 $0xFFFFB000;
	s16 =	simm.s32 @!p2 $0x0  }
0x18: {  	[tilespmem:s16], [sflag:$0x1] =	stream.linear.gather @!p2 [hbm4b:s5+s16], $0x3200, $0x38;
	[tilespmem:$0x5580] =	vst v63  }
0x19: {  	s16 =	simm.s32 @!p2 $0x1  }
0x1a: {  	_ =	swait.ge @!p2 [sflag:s16], $0x3200  }
0x1b: {  	[sflag:s16] =	ssyncset.done @!p2 $0x0  }
0x1c: {  	[sflag:s16] =	ssyncadd.s32 @!p2 $0xFFFFCE00;
	s16 =	simm.s32 @p0 $0x0  }
0x1d: {  	[tilespmem:s16], [sflag:$0x1] =	stream.linear.gather @p0 [hbm4b:s6+s16], $0x4E00, $0x38;
	[tilespmem:$0x5580] =	vst v63  }
0x1e: {  	s16 =	simm.s32 @p0 $0x1  }
0x1f: {  	_ =	swait.ge @p0 [sflag:s16], $0x4E00  }
0x20: {  	[sflag:s16] =	ssyncset.done @p0 $0x0  }
0x21: {  	[sflag:s16] =	ssyncadd.s32 @p0 $0xFFFFB200  }
0x22: {  	[tilespmem:$0x5000] =	vst v0  }
0x23: {  	[tilespmem:$0x5010] =	vst v0  }
0x24: {  	[tilespmem:$0x5020] =	vst v0  }
0x25: {  	[tilespmem:$0x5030] =	vst v0  }
0x26: {  	[tilespmem:$0x5040] =	vst v0  }
0x27: {  	[tilespmem:$0x5050] =	vst v0  }
0x28: {  	[tilespmem:$0x5060] =	vst v0  }
0x29: {  	[tilespmem:$0x5070] =	vst v0  }
0x2a: {  	[tilespmem:$0x5080] =	vst v1  }
0x2b: {  	[tilespmem:$0x5090] =	vst v1  }
0x2c: {  	[tilespmem:$0x50A0] =	vst v1  }
0x2d: {  	[tilespmem:$0x50B0] =	vst v1  }
0x2e: {  	[tilespmem:$0x50C0] =	vst v1  }
0x2f: {  	[tilespmem:$0x50D0] =	vst v1  }
0x30: {  	[tilespmem:$0x50E0] =	vst v1  }
0x31: {  	[tilespmem:$0x50F0] =	vst v1  }
0x32: {  	[tilespmem:$0x5100] =	vst v1  }
0x33: {  	[tilespmem:$0x5110] =	vst v1  }
0x34: {  	[tilespmem:$0x5120] =	vst v1  }
0x35: {  	[tilespmem:$0x5130] =	vst v1  }
0x36: {  	[tilespmem:$0x5140] =	vst v1  }
0x37: {  	[tilespmem:$0x5150] =	vst v1  }
0x38: {  	[tilespmem:$0x5160] =	vst v1  }
0x39: {  	[tilespmem:$0x5170] =	vst v1  }
0x3a: {  	[tilespmem:$0x5180] =	vst v1  }
0x3b: {  	[tilespmem:$0x5190] =	vst v1  }
0x3c: {  	[tilespmem:$0x51A0] =	vst v1  }
0x3d: {  	[tilespmem:$0x51B0] =	vst v1  }
0x3e: {  	[tilespmem:$0x51C0] =	vst v1  }
0x3f: {  	[tilespmem:$0x51D0] =	vst v1  }
0x40: {  	[tilespmem:$0x51E0] =	vst v1  }
0x41: {  	[tilespmem:$0x51F0] =	vst v1  }
0x42: {  	[tilespmem:$0x5200] =	vst v1  }
0x43: {  	[tilespmem:$0x5210] =	vst v1  }
0x44: {  	[tilespmem:$0x5220] =	vst v1  }
0x45: {  	[tilespmem:$0x5230] =	vst v1  }
0x46: {  	[tilespmem:$0x5240] =	vst v1  }
0x47: {  	[tilespmem:$0x5250] =	vst v1  }
0x48: {  	[tilespmem:$0x5260] =	vst v1  }
0x49: {  	[tilespmem:$0x5270] =	vst v1  }
0x4a: {  	[tilespmem:$0x5280] =	vst v1  }
0x4b: {  	[tilespmem:$0x5290] =	vst v1  }
0x4c: {  	[tilespmem:$0x52A0] =	vst v1  }
0x4d: {  	[tilespmem:$0x52B0] =	vst v1  }
0x4e: {  	[tilespmem:$0x52C0] =	vst v1  }
0x4f: {  	[tilespmem:$0x52D0] =	vst v1  }
0x50: {  	s16 =	smov.u32 s10;
	[tilespmem:$0x52E0] =	vst v1  }
0x51: {  	[tilespmem:$0x52F0] =	vst v1;
	s16 =	simm.s32 @!p2 $0x32  }
0x52: {  	[spmem:s7] =	stream.linear.scatter [tilespmem:s11], [sflag:$0x1], $0x280, $0x38;
	[tilespmem:$0x5580] =	vst v63  }
0x53: {  	s16 =	simm.s32 @p0 $0x4E  }
0x54: {  	_ =	swait.ge [sflag:s12], $0x280;
	s16 =	simm.s32 @p3 $0x50  }
0x55: {  	[sflag:s12] =	ssyncset.done $0x0;
	p4 =	sne.s32 s16, $0x1  }
.Ltmp0:
0x56: {  	[sflag:s12] =	ssyncadd.s32 $0xFFFFFD80;
	(pc) =	sbr.rel @!p4 .LBB2_3-.Ltmp0, $4  }
0x57: {  	[bflag:$0x0] =	sbarrier.arrive $0xFFFF  }
0x58: {  	[spmem:s2] =	stream.indirect.scatter.add.f32 [tilespmem:s14], [sflag:$0x1], $0x1, s13, s13, $0xb8;
	[tilespmem:$0x5580] =	vst v63  }
0x59: {  	_ =	swait.ge [sflag:s12], $0x80  }
0x5a: {  	s17 =	simm.s32 $0x80;
	s16 =	sadd.s32 $0xFFFFFFFF, s16;
	[sflag:s12] =	ssyncset.done $0x0  }
.LBB2_2:
0x5b: {  	p4 =	sne.s32 s16, $0x1;
	[sflag:s12] =	ssyncadd.s32 $0xFFFFFF80;
	s17 =	sadd.s32 $0x100, s17  }
.Ltmp1:
0x5c: {  	s16 =	sadd.s32 $0xFFFFFFFF, s16;
	(pc) =	sbr.rel @p4 .LBB2_2-.Ltmp1, $4  }
0x5d: {  	_ = 	snop  }
0x5e: {  	[spmem:s2] =	stream.indirect.scatter.add.f32 [tilespmem:s14], [sflag:$0x1], $0x1, s17, s13, $0xb8;
	[tilespmem:$0x5580] =	vst v63  }
0x5f: {  	_ =	swait.ge [sflag:s12], $0x80  }
0x60: {  	[sflag:s12] =	ssyncset.done $0x0  }
.LBB2_3:
0x61: {  	[sflag:s12] =	ssyncadd.s32 $0xFFFFFF80  }
0x62: {  	[bflag:$0x0] =	sbarrier.arrive $0xFFFF  }
0x63: {  	[tilespmem:s11], [sflag:$0x1] =	stream.linear.gather [spmem:s7], $0x280, $0x38;
	[tilespmem:$0x5580] =	vst v63  }
0x64: {  	s3 =	sadd.s32 $0x1, s3;
	_ =	swait.ge [sflag:s12], $0x280  }
0x65: {  	p4 =	sne.s32 s3, s9;
	[sflag:s12] =	ssyncset.done $0x0  }
.Ltmp2:
0x66: {  	[sflag:s12] =	ssyncadd.s32 $0xFFFFFD80;
	(pc) =	sbr.rel @p4 .LBB2_1-.Ltmp2, $4  }
0x67: {  	[hbm4b:s8+s13] =	stream.strided.scatter [tilespmem:s11], [sflag:$0x1], $0x280, s15, s13, $0x38;
	[tilespmem:$0x5580] =	vst v63  }
0x68: {  	_ =	swait.ge [sflag:s12], $0x280  }
0x69: {  	[sflag:s12] =	ssyncset.done $0x0  }
0x6a: {  	[sflag:s12] =	ssyncadd.s32 $0xFFFFFD80  }
0x6b: {  	_ =	sfence.sel $0x180000  }
0x6c: {  	[bflag:$0x0] =	sbarrier.arrive $0xFFFF  }
0x6d: {  	p0 =	sne.s32 s1, $0x0;
	_ =	strace $0x90000047  }
0x6e: {  	s0 =	sadd.s32 @!p0 $0x100000, s0;
	[bflag:$0x2] =	sbarrier.arrive $0xFFFF  }
0x6f: {  	[sflag:s0] =	ssyncadd.tile.s32 @!p0 $0x1;
	_ =	shalt  }
.Lfunc_end2:
_tile_overlayer_lowered:
.L_overlay_start_2:
0x70: {  	(tag) =	ssettag $0x2  }
0x71: {  	s0 =	rddreg [dreg:$0x0];
	s2 =	stileid.u32  }
0x72: {  	s1 =	rddreg [dreg:$0x1];
	p0 =	sne.s32 s2, $0x0  }
0x73: {  	s3 =	rddreg [dreg:$0x2];
	[bflag:$0x3] =	sbarrier.arrive $0xFFFF;
	s2 =	simm.s32 @!p0 $0x1C01  }
0x74: {  	[timem:s3], [sflag:s2] =	dma.local @!p0 [hbm:s0], s1  }
0x75: {  	s0 =	simm.s32 @!p0 $0x1  }
0x76: {  	_ =	swait.ge @!p0 [sflag:s0], s1  }
0x77: {  	s1 =	ssub.s32 @!p0 $0x0, s1;
	[sflag:s0] =	ssyncset.done @!p0 $0x0  }
0x78: {  	[sflag:s0] =	ssyncadd.s32 @!p0 s1  }
0x79: {  	[bflag:$0x3] =	sbarrier.arrive $0xFFFF  }
0x7a: {  	_ =	shalt  }

// kernel: _gcn_pallas.9.cloned.1.call-start
scs
__scs_entry_jumppad:
0x0: {  	(pc) =	sbr.rel $0x88, $3  }
0x1: {  	(tag) =	ssettag $0x0;
	lr =	simm.s32 $0x1  }
0x2: {  	[smem:$0x3F9B] =	sst lr;
	_ =	strace $0xD0000000  }
0x3: {  	_ = 	snop  }
0x4: {  	_ = 	snop  }
0x5: {  	_ = 	snop  }
0x6: {  	_ = 	snop  }
0x7: {  	_ = 	snop  }
__scs_overlays_trampoline_lowered:
0x8: {  	[smem:$0x3FAA] =	sst s0  }
0x9: {  	[smem:$0x3FAB] =	sst s1  }
0xa: {  	[smem:$0x3FAC] =	sst s2  }
0xb: {  	[smem:$0x3FAD] =	sst s3  }
0xc: {  	[smem:$0x3FAE] =	sst s4  }
0xd: {  	[smem:$0x3FAF] =	sst s5  }
0xe: {  	[smem:$0x3FB0] =	sst s6  }
0xf: {  	[smem:$0x3FB1] =	sst s7  }
0x10: {  	[smem:$0x3FB2] =	sst s8  }
0x11: {  	[smem:$0x3FB3] =	sst s9;
	s0 =	simm.s32 @!p0 $0x0  }
0x12: {  	s1 =	sld [smem:$0x3F99];
	s0 =	simm.s32 @p0 $0x1  }
0x13: {  	[smem:$0x3FB4] =	sst s0;
	s0 =	simm.s32 @!p1 $0x0  }
0x14: {  	s2 =	sld [smem:$0x3F98];
	s0 =	simm.s32 @p1 $0x1  }
0x15: {  	[smem:$0x3FB5] =	sst s0;
	s0 =	simm.s32 @!p2 $0x0  }
0x16: {  	s3 =	sld [smem:$0x3FDB];
	s0 =	simm.s32 @p2 $0x1  }
0x17: {  	s4 =	simm.s32 $0x1BF5;
	[smem:$0x3FB7] =	sst s0  }
0x18: {  	s0 =	sld [smem:$0x3F9A];
	_ =	swait.ge [sflag:s4], $0x0  }
0x19: {  	s7 =	sld [smem:$0x3F9B]  }
0x1a: {  	s8 =	sadd.s32 $0xFFFFE003, lr  }
0x1b: {  	s9 =	sadd.s32 $0xFFFFFEF7, lr;
	s5 =	simm.s32 $0xFFFFFFFF;
	p2 =	slt.u32 s8, $0xFFFFF086  }
0x1c: {  	p1 =	slt.u32 s9, $0xF7A;
	s5 =	simm.s32 @!p2 $0x0  }
0x1d: {  	s5 =	simm.s32 @p1 $0x1;
	p0 =	seq.s32 s7, s2  }
0x1e: {  	s7 =	smul.u32 @!p0 $0xF7A, s2;
	p2 =	seq.s32 @!p0 s5, $0x0  }
0x1f: {  	s9 =	smul.u32 $0xF7A, s1;
	s8 =	simm.s32 @!p0 $0x1BF5;
	p2 =	por !p2, p0  }
0x20: {  	[sflag:s8] =	ssyncset.s32 @!p0 $0xFFFFF086;
	s6 =	sadd.s32 @!p0 s3, s7;
	s7 =	simm.s32 @!p0 $0x108  }
0x21: {  	s3 =	sadd.s32 s3, s9;
	s6 =	sadd.s32 @!p0 $0x88, s6;
	s7 =	simm.s32 @p2 $0x1082  }
0x22: {  	[simem:s7], [sflag:s8] =	dma.local @!p0 [hbm:s6], $0xF7A  }
0x23: {  	s9 =	sor.u32 $0xD0000000, s2;
	s6 =	simm.s32 $0x108;
	_ =	swait.ge @!p0 [sflag:s8], $0x0  }
0x24: {  	s3 =	sadd.s32 $0x88, s3;
	s6 =	simm.s32 @!p1 $0x1082;
	[sflag:s4] =	ssyncset.s32 $0xFFFFF086  }
0x25: {  	[simem:s6], [sflag:s4] =	dma.local [hbm:s3], $0xF7A  }
0x26: {  	[smem:$0x3F9B] =	sst s1;
	(tag) =	ssettag s2;
	_ =	strace s9  }
0x27: {  	s1 =	sld [smem:$0x3FAB]  }
0x28: {  	s2 =	sld [smem:$0x3FAC]  }
0x29: {  	s4 =	sld [smem:$0x3FAE]  }
0x2a: {  	p0 =	seq.s32 s5, $0x0;
	s5 =	sld [smem:$0x3FAF]  }
0x2b: {  	s6 =	sld [smem:$0x3FB0]  }
0x2c: {  	s7 =	sld [smem:$0x3FB1]  }
0x2d: {  	s3 =	simm.s32 $0x108;
	s8 =	sld [smem:$0x3FB2]  }
0x2e: {  	s3 =	simm.s32 @!p0 $0x1082;
	s9 =	sld [smem:$0x3FB3]  }
0x2f: {  	lr =	sadd.s32 s0, s3;
	s0 =	sld [smem:$0x3FAA]  }
0x30: {  	s3 =	sld [smem:$0x3FAD]  }
0x31: {  	[smem:$0x3FB6] =	sst s10  }
0x32: {  	s10 =	sld [smem:$0x3FB4];
	_ =	sdelay $0x3  }
0x33: {  	p0 =	seq.s32 s10, $0x1;
	s10 =	sld [smem:$0x3FB6];
	_ =	sdelay $0x3  }
0x34: {  	[smem:$0x3FB6] =	sst s10  }
0x35: {  	s10 =	sld [smem:$0x3FB5];
	_ =	sdelay $0x3  }
0x36: {  	p1 =	seq.s32 s10, $0x1;
	s10 =	sld [smem:$0x3FB6];
	_ =	sdelay $0x3  }
0x37: {  	[smem:$0x3FB6] =	sst s10  }
0x38: {  	s10 =	sld [smem:$0x3FB7]  }
0x39: {  	_ = 	snop;
	(pc) =	sbr.ind lr, $3  }
0x3a: {  	_ = 	snop  }
0x3b: {  	_ = 	snop  }
0x3c: {  	p2 =	seq.s32 s10, $0x1;
	s10 =	sld [smem:$0x3FB6]  }
0x3d: {  	_ =	shalt  }
0x3e: {  	_ =	shalt  }
0x3f: {  	_ =	shalt  }
0x40: {  	_ =	shalt  }
0x41: {  	_ =	shalt  }
0x42: {  	_ =	shalt  }
0x43: {  	_ =	shalt  }
0x44: {  	_ =	shalt  }
0x45: {  	_ =	shalt  }
0x46: {  	_ =	shalt  }
0x47: {  	_ =	shalt  }
0x48: {  	_ =	shalt  }
0x49: {  	_ =	shalt  }
0x4a: {  	_ =	shalt  }
0x4b: {  	_ =	shalt  }
0x4c: {  	_ =	shalt  }
0x4d: {  	_ =	shalt  }
0x4e: {  	_ =	shalt  }
0x4f: {  	_ =	shalt  }
0x50: {  	_ =	shalt  }
0x51: {  	_ =	shalt  }
0x52: {  	_ =	shalt  }
0x53: {  	_ =	shalt  }
0x54: {  	_ =	shalt  }
0x55: {  	_ =	shalt  }
0x56: {  	_ =	shalt  }
0x57: {  	_ =	shalt  }
0x58: {  	_ =	shalt  }
0x59: {  	_ =	shalt  }
0x5a: {  	_ =	shalt  }
0x5b: {  	_ =	shalt  }
0x5c: {  	_ =	shalt  }
0x5d: {  	_ =	shalt  }
0x5e: {  	_ =	shalt  }
0x5f: {  	_ =	shalt  }
0x60: {  	_ =	shalt  }
0x61: {  	_ =	shalt  }
0x62: {  	_ =	shalt  }
0x63: {  	_ =	shalt  }
0x64: {  	_ =	shalt  }
0x65: {  	_ =	shalt  }
0x66: {  	_ =	shalt  }
0x67: {  	_ =	shalt  }
0x68: {  	_ =	shalt  }
0x69: {  	_ =	shalt  }
0x6a: {  	_ =	shalt  }
0x6b: {  	_ =	shalt  }
0x6c: {  	_ =	shalt  }
0x6d: {  	_ =	shalt  }
0x6e: {  	_ =	shalt  }
0x6f: {  	_ =	shalt  }
0x70: {  	_ =	shalt  }
0x71: {  	_ =	shalt  }
0x72: {  	_ =	shalt  }
0x73: {  	_ =	shalt  }
0x74: {  	_ =	shalt  }
0x75: {  	_ =	shalt  }
0x76: {  	_ =	shalt  }
0x77: {  	_ =	shalt  }
0x78: {  	_ =	shalt  }
0x79: {  	_ =	shalt  }
0x7a: {  	_ =	shalt  }
0x7b: {  	_ =	shalt  }
0x7c: {  	_ =	shalt  }
0x7d: {  	_ =	shalt  }
0x7e: {  	_ =	shalt  }
0x7f: {  	_ =	shalt  }
0x80: {  	_ =	shalt  }
0x81: {  	_ =	shalt  }
0x82: {  	_ =	shalt  }
0x83: {  	_ =	shalt  }
0x84: {  	_ =	shalt  }
0x85: {  	_ =	shalt  }
0x86: {  	_ =	shalt  }
0x87: {  	_ =	shalt  }
.Lfunc_end0:
.L_simem_size_0:
called_computation.1_lowered:
.L_overlay_start_0:
0x88: {  	s2 =	sld [smem:$0x3FD9]  }
0x89: {  	s3 =	sld [smem:$0x3FFE];
	_ =	sdelay $0x1  }
0x8a: {  	s1 =	srdreg.scid  }
0x8b: {  	s0 =	sand.u32 $0x1, s1  }
0x8c: {  	s16 =	sshll.u32 s0, $0xA;
	s2 =	sadd.s32 s3, s2  }
0x8d: {  	s2 =	sadd.s32 s2, s16  }
0x8e: {  	[smem:$0x3FC2] =	sst s2  }
0x8f: {  	_ = 	snop  }
0x90: {  	(tm) =	ssettm $0x1  }
0x91: {  	s17 =	sld [smem:$0x3FFB];
	_ =	sdelay $0x3  }
0x92: {  	_ =	strace s17  }
0x93: {  	s2 =	sld [smem:$0x3FFC];
	_ =	sdelay $0x3  }
0x94: {  	_ =	strace s2  }
0x95: {  	s2 =	sld [smem:$0x3FFD];
	_ =	sdelay $0x3  }
0x96: {  	_ =	strace s2  }
0x97: {  	_ =	strace $0x8FFFFFFF  }
0x98: {  	s18 =	sld [smem:$0x3FDB];
	_ =	sdelay $0x1  }
0x99: {  	s19 =	simm.s32 $_scs_section_size  }
0x9a: {  	s4 =	simm.s32 $_size__tile_overlayer_lowered;
	s5 =	simm.s32 $_tile_overlayer_lowered  }
0x9b: {  	s22 =	simm.s32 $0x1BFF;
	s21 =	sshll.u32 s5, $0x1;
	s2 =	sadd.s32 s19, s18  }
0x9c: {  	s6 =	simm.s32 $0x0;
	s20 =	sshll.u32 s4, $0x1;
	s4 =	sadd.s32 s21, s2  }
0x9d: {  	[timem:s6], [sflag:s22] =	dma.local [hbm:s4], s20  }
0x9e: {  	_ =	swait.ge [sflag:s22], s20  }
0x9f: {  	s3 =	ssub.s32 $0x0, s20;
	[sflag:s22] =	ssyncset.done $0x0  }
0xa0: {  	[sflag:s22] =	ssyncadd.s32 s3;
	_ =	sdelay $0x1  }
0xa1: {  	s23 =	simm.s32 $0x1B8B  }
0xa2: {  	_ =	swait.ge [sflag:s23], $0x1  }
0xa3: {  	[sflag:s23] =	ssyncset.done $0x0  }
0xa4: {  	s25 =	simm.s32 $0x1B8E;
	s24 =	sld [smem:$0x3FFE];
	[sflag:s23] =	ssyncadd.s32 $0xFFFFFFFF  }
0xa5: {  	s26 =	simm.s32 $execute0_lowered;
	[smem:$0x3FD2] =	sst s25  }
0xa6: {  	s4 =	sshll.u32 s26, $0x1;
	_ =	strace $0x80000049;
	[dreg:$0x1] =	wrdreg $0xFFFFFFFF  }
0xa7: {  	s28 =	simm.s32 $_size_execute0_lowered;
	s2 =	sadd.s32 s2, s4;
	[dreg:$0x0] =	wrdreg $0x0  }
0xa8: {  	s4 =	sshll.u32 s28, $0x1;
	[dreg:$0x2] =	wrdreg s2  }
0xa9: {  	[dreg:$0x3] =	wrdreg s4  }
0xaa: {  	[dreg:$0x4] =	wrdreg $0xC0  }
0xab: {  	_ =	task [dreg:s6], $0x5FFFF  }
0xac: {  	[dreg:$0x1] =	wrdreg $0xFFFFFFFF  }
0xad: {  	[dreg:$0x0] =	wrdreg $0x60  }
0xae: {  	[dreg:$0x2] =	wrdreg s24  }
0xaf: {  	[dreg:$0x3] =	wrdreg $0x90000  }
0xb0: {  	[dreg:$0x4] =	wrdreg $0x9  }
0xb1: {  	_ =	task.clear_ibuf [dreg:s6], $0x5FFFF;
	_ =	strace $0x90000049  }
0xb2: {  	s29 =	simm.s32 $0x9;
	_ =	strace $0x8000004B  }
0xb3: {  	_ =	swait.ge [sflag:s29], $0x1  }
0xb4: {  	[sflag:s29] =	ssyncadd.s32 $0xFFFFFFFF  }
0xb5: {  	_ =	strace $0x9000004B  }
0xb6: {  	_ =	sfence  }
0xb7: {  	s30 =	sld [smem:$0x0];
	_ =	sdelay $0x2  }
0xb8: {  	s31 =	sshll.u32 s1, $0xD;
	s1 =	sshrl.u32 s1, $0x2  }
0xb9: {  	s3 =	sand.u32 $0x4000, s31;
	s1 =	sadd.s32 s1, s30  }
0xba: {  	s0 =	sor.u32 s3, s0;
	s1 =	sshll.u32 s1, $0x11  }
0xbb: {  	s0 =	sor.u32 s1, s0  }
0xbc: {  	s0 =	sadd.s32 $0x8F2B, s0  }
0xbd: {  	[sflag:s0] =	ssyncadd.remote.s32 $0x1  }
0xbe: {  	_ =	sfence.sel $0xFFFF  }
0xbf: {  	[dreg:$0x0] =	wrdreg $0xFFFFFFFF;
	(pc) =	sbr.abs _section_cstart, $3  }
0xc0: {  	[dreg:$0x1] =	wrdreg $0xFFFFFFFF  }
0xc1: {  	_ =	task.clear_ibuf [dreg:s6], $0x2FFFF;
	_ =	strace $0x9FFFFFFF  }
0xc2: {  	(tm) =	ssettm $0x7FFFFFFF  }
0xc3: {  	_ =	shalt  }
tec
execute0_lowered:
.L_overlay_start_1:
0x0: {  	(tag) =	ssettag $0x1  }
0x1: {  	s0 =	rddreg [dreg:$0x0]  }
0x2: {  	s1 =	rddreg [dreg:$0x1];
	s2 =	simm.s32 $0x0  }
0x3: {  	s3 =	srdreg.scid;
	s9 =	stileid.u32;
	s29 =	simm.s32 $0x80  }
0x4: {  	s30 =	simm.s32 $0x7000;
	s31 =	simm.s32 $0x1;
	[smem:$0x7FF] =	sst s2  }
0x5: {  	s4 =	sadd.s32 $0x65A00, s0;
	s3 =	sand.u32 $0x1, s3;
	s8 =	smul.u32 $0x500, s9  }
0x6: {  	s5 =	sadd.s32 $0x2000, s0;
	s12 =	sadd.s32 $0x8DA00, s0;
	s19 =	smul.u32 $0x2700, s9  }
0x7: {  	p0 =	sne.s32 s9, $0xF;
	p3 =	seq.s32 s9, $0xF;
	s21 =	smul.u32 $0xA000, s9  }
0x8: {  	s9 =	sadd.s32 $0x79A00, s0;
	s10 =	sadd.s32 $0xB5A00, s0;
	_ =	strace $0x8000004A  }
0x9: {  	s6 =	ssub.s32 $0x2, s3;
	p2 =	seq.s32 s3, $0x0;
	p1 =	seq.s32 s3, $0x1  }
0xa: {  	s14 =	smul.u32 $0xA0000, s3;
	s7 =	sshrl.u32 s6, $0x1;
	s20 =	sadd.s32 s5, s8  }
0xb: {  	p0 =	por !p0, !p1;
	p1 =	por !p3, !p1;
	s8 =	sadd.s32 $0xB920, s0  }
0xc: {  	s11 =	sadd.s32 s21, s1;
	s24 =	sadd.s32 $0x2000, s21;
	s18 =	sshrl.u32 s21, $0x3  }
0xd: {  	s25 =	sadd.s32 $0x4000, s21;
	s16 =	sadd.s32 $0x6000, s21;
	s26 =	sadd.s32 $0x8000, s21  }
0xe: {  	s13 =	ssub.s32 s6, s7;
	[dreg:$0x3] =	wrdreg s20;
	s6 =	sshrl.u32 s19, $0x3  }
0xf: {  	p0 =	por !p0, !p0;
	p1 =	por !p1, !p1;
	s7 =	simm.s32 $0x32  }
0x10: {  	s20 =	sshrl.u32 s24, $0x3;
	s15 =	sadd.s32 s24, s1;
	s22 =	sshrl.u32 s25, $0x3  }
0x11: {  	s17 =	sadd.s32 s25, s1;
	s23 =	sshrl.u32 s16, $0x3;
	[dreg:$0x5] =	wrdreg s18  }
0x12: {  	s0 =	sadd.s32 s14, s24;
	s19 =	sadd.s32 s16, s1;
	[dreg:$0x6] =	wrdreg s20  }
0x13: {  	s16 =	sadd.s32 s14, s16;
	s13 =	smax.u32 s13, $0x1;
	[dreg:$0x7] =	wrdreg s22  }
0x14: {  	s28 =	sshrl.u32 s26, $0x3;
	s0 =	sshrl.u32 s0, $0x3;
	[dreg:$0x4] =	wrdreg s13  }
0x15: {  	s5 =	sadd.s32 s5, s6;
	[dreg:$0x9] =	wrdreg s0;
	s0 =	sadd.s32 s12, s0  }
0x16: {  	s13 =	sadd.s32 s14, s25;
	s25 =	sshrl.u32 s16, $0x3;
	[dreg:$0xd] =	wrdreg s0  }
0x17: {  	s7 =	simm.s32 @!p3 $0x4E;
	s16 =	sadd.s32 s4, s18;
	[dreg:$0xb] =	wrdreg s25  }
0x18: {  	s6 =	sadd.s32 $0x5000, s5;
	s18 =	sadd.s32 s4, s20;
	[dreg:$0x12] =	wrdreg s16  }
0x19: {  	s7 =	simm.s32 @p2 $0x50;
	s20 =	sadd.s32 s4, s22;
	[dreg:$0x13] =	wrdreg s18  }
0x1a: {  	s5 =	sadd.s32 s14, s21;
	s22 =	sadd.s32 s4, s23;
	[dreg:$0x14] =	wrdreg s20  }
0x1b: {  	s14 =	sadd.s32 s14, s26;
	s5 =	sshrl.u32 s5, $0x3;
	[dreg:$0x15] =	wrdreg s22  }
0x1c: {  	s21 =	sadd.s32 s26, s1;
	s24 =	sshrl.u32 s13, $0x3;
	[dreg:$0x8] =	wrdreg s5  }
0x1d: {  	s26 =	sshrl.u32 s14, $0x3;
	s14 =	sshrl.u32 s7, $0x1;
	[dreg:$0xa] =	wrdreg s24  }
0x1e: {  	p2 =	sne.s32 s3, $0x0;
	s3 =	sadd.s32 s12, s5;
	[dreg:$0x11] =	wrdreg s14  }
0x1f: {  	s18 =	simm.s32 $0x5000;
	s5 =	sadd.s32 s12, s25;
	[dreg:$0xc] =	wrdreg s3  }
0x20: {  	s0 =	simm.s32 $0x2;
	s13 =	sadd.s32 s12, s26;
	[dreg:$0xf] =	wrdreg s5  }
0x21: {  	s25 =	smov.u32 s23;
	s23 =	sadd.s32 s4, s28;
	[dreg:$0x10] =	wrdreg s13  }
0x22: {  	s3 =	sadd.s32 s12, s24;
	s24 =	smov.u32 s28;
	[dreg:$0x16] =	wrdreg s23  }
0x23: {  	s28 =	simm.s32 $0x3;
	[dreg:$0xe] =	wrdreg s3;
	s3 =	simm.s32 $0x0  }
.LBB2_1:
0x24: {  	s5 =	simm.s32 @!p2 $0x2800  }
0x25: {  	s12 =	simm.s32 @!p2 $0x4E200;
	s13 =	simm.s32 @!p2 $0x0;
	s14 =	rddreg [dreg:$0x3]  }
0x26: {  	[tilespmem:s13], [sflag:$0x3] =	stream.strided.gather @!p2 [hbm4b:s14+s5], $0x5000, s12, s5, $0x38;
	[tilespmem:$0x13000] =	vst v63  }
0x27: {  	s5 =	simm.s32 @!p2 $0x3  }
0x28: {  	_ =	swait.ge @!p2 [sflag:s5], $0x5000  }
0x29: {  	[sflag:s5] =	ssyncset.done @!p2 $0x0  }
0x2a: {  	[sflag:s5] =	ssyncadd.s32 @!p2 $0xFFFFB000;
	s5 =	simm.s32 @p0 $0x0  }
0x2b: {  	[tilespmem:s5], [sflag:$0x3] =	stream.linear.gather @p0 [hbm4b:s6+s5], $0x2700, $0x38;
	[tilespmem:$0x13000] =	vst v63  }
0x2c: {  	s12 =	sadd.s32 @p0 $0x9C40, s6;
	s13 =	simm.s32 @p0 $0x2800  }
0x2d: {  	[tilespmem:s13], [sflag:$0x3] =	stream.linear.gather @p0 [hbm4b:s12+s5], $0x2700, $0x38;
	[tilespmem:$0x13000] =	vst v63  }
0x2e: {  	s5 =	simm.s32 @p0 $0x3  }
0x2f: {  	_ =	swait.ge @p0 [sflag:s5], $0x4E00  }
0x30: {  	[sflag:s5] =	ssyncset.done @p0 $0x0  }
0x31: {  	[sflag:s5] =	ssyncadd.s32 @p0 $0xFFFFB200;
	s5 =	simm.s32 @p1 $0x0  }
0x32: {  	[tilespmem:s5], [sflag:$0x3] =	stream.linear.gather @p1 [hbm4b:s8+s5], $0x1900, $0x38;
	[tilespmem:$0x13000] =	vst v63  }
0x33: {  	s12 =	sadd.s32 @p1 $0x9C40, s8;
	s13 =	simm.s32 @p1 $0x2800  }
0x34: {  	[tilespmem:s13], [sflag:$0x3] =	stream.linear.gather @p1 [hbm4b:s12+s5], $0x1900, $0x38;
	[tilespmem:$0x13000] =	vst v63  }
0x35: {  	s5 =	simm.s32 @p1 $0x3  }
0x36: {  	_ =	swait.ge @p1 [sflag:s5], $0x3200  }
0x37: {  	[sflag:s5] =	ssyncset.done @p1 $0x0  }
0x38: {  	s13 =	rddreg [dreg:$0x12];
	[sflag:s5] =	ssyncadd.s32 @p1 $0xFFFFCE00  }
0x39: {  	[tilespmem:s18], [sflag:$0x3] =	stream.linear.gather [hbm4b:s13+s2], $0x2000, $0x38;
	[tilespmem:$0x13000] =	vst v63  }
0x3a: {  	_ =	swait.ge [sflag:s28], $0x2000  }
0x3b: {  	[sflag:s28] =	ssyncset.done $0x0  }
0x3c: {  	[sflag:s28] =	ssyncadd.s32 $0xFFFFE000  }
0x3d: {  	[spmem:s11] =	stream.linear.scatter [tilespmem:s18], [sflag:$0x3], $0x2000, $0x38;
	[tilespmem:$0x13000] =	vst v63  }
0x3e: {  	_ =	swait.ge [sflag:s28], $0x2000  }
0x3f: {  	[sflag:s28] =	ssyncset.done $0x0  }
0x40: {  	s14 =	rddreg [dreg:$0x13];
	[sflag:s28] =	ssyncadd.s32 $0xFFFFE000  }
0x41: {  	[tilespmem:s18], [sflag:$0x3] =	stream.linear.gather [hbm4b:s14+s2], $0x2000, $0x38;
	[tilespmem:$0x13000] =	vst v63  }
0x42: {  	_ =	swait.ge [sflag:s28], $0x2000  }
0x43: {  	[sflag:s28] =	ssyncset.done $0x0  }
0x44: {  	[sflag:s28] =	ssyncadd.s32 $0xFFFFE000  }
0x45: {  	[spmem:s15] =	stream.linear.scatter [tilespmem:s18], [sflag:$0x3], $0x2000, $0x38;
	[tilespmem:$0x13000] =	vst v63  }
0x46: {  	_ =	swait.ge [sflag:s28], $0x2000  }
0x47: {  	[sflag:s28] =	ssyncset.done $0x0  }
0x48: {  	s16 =	rddreg [dreg:$0x14];
	[sflag:s28] =	ssyncadd.s32 $0xFFFFE000  }
0x49: {  	[tilespmem:s18], [sflag:$0x3] =	stream.linear.gather [hbm4b:s16+s2], $0x2000, $0x38;
	[tilespmem:$0x13000] =	vst v63  }
0x4a: {  	_ =	swait.ge [sflag:s28], $0x2000  }
0x4b: {  	[sflag:s28] =	ssyncset.done $0x0  }
0x4c: {  	[sflag:s28] =	ssyncadd.s32 $0xFFFFE000  }
0x4d: {  	[spmem:s17] =	stream.linear.scatter [tilespmem:s18], [sflag:$0x3], $0x2000, $0x38;
	[tilespmem:$0x13000] =	vst v63  }
0x4e: {  	_ =	swait.ge [sflag:s28], $0x2000  }
0x4f: {  	[sflag:s28] =	ssyncset.done $0x0  }
0x50: {  	s20 =	rddreg [dreg:$0x15];
	[sflag:s28] =	ssyncadd.s32 $0xFFFFE000  }
0x51: {  	[tilespmem:s18], [sflag:$0x3] =	stream.linear.gather [hbm4b:s20+s2], $0x2000, $0x38;
	[tilespmem:$0x13000] =	vst v63  }
0x52: {  	_ =	swait.ge [sflag:s28], $0x2000  }
0x53: {  	[sflag:s28] =	ssyncset.done $0x0  }
0x54: {  	[sflag:s28] =	ssyncadd.s32 $0xFFFFE000  }
0x55: {  	[spmem:s19] =	stream.linear.scatter [tilespmem:s18], [sflag:$0x3], $0x2000, $0x38;
	[tilespmem:$0x13000] =	vst v63  }
0x56: {  	_ =	swait.ge [sflag:s28], $0x2000  }
0x57: {  	[sflag:s28] =	ssyncset.done $0x0  }
0x58: {  	s22 =	rddreg [dreg:$0x16];
	[sflag:s28] =	ssyncadd.s32 $0xFFFFE000  }
0x59: {  	[tilespmem:s18], [sflag:$0x3] =	stream.linear.gather [hbm4b:s22+s2], $0x2000, $0x38;
	[tilespmem:$0x13000] =	vst v63  }
0x5a: {  	_ =	swait.ge [sflag:s28], $0x2000  }
0x5b: {  	[sflag:s28] =	ssyncset.done $0x0  }
0x5c: {  	[sflag:s28] =	ssyncadd.s32 $0xFFFFE000  }
0x5d: {  	[spmem:s21] =	stream.linear.scatter [tilespmem:s18], [sflag:$0x3], $0x2000, $0x38;
	[tilespmem:$0x13000] =	vst v63  }
0x5e: {  	_ =	swait.ge [sflag:s28], $0x2000  }
0x5f: {  	[sflag:s28] =	ssyncset.done $0x0  }
0x60: {  	[sflag:s28] =	ssyncadd.s32 $0xFFFFE000  }
0x61: {  	[bflag:$0x0] =	sbarrier.arrive $0xFFFF  }
0x62: {  	s23 =	rddreg [dreg:$0x11]  }
0x63: {  	s20 =	sadd.s32 $0xFFFFFFFF, s23  }
0x64: {  	p3 =	sne.s32 s20, $0x0  }
.Ltmp0:
0x65: {  	_ = 	snop;
	(pc) =	sbr.rel @!p3 .LBB2_4-.Ltmp0, $4  }
0x66: {  	_ = 	snop  }
0x67: {  	p5 =	por $0x0, $0x0  }
0x68: {  	s12 =	simm.s32 $0x2880;
	s5 =	simm.s32 $0x2880;
	s13 =	simm.s32 $0x2  }
0x69: {  	[tilespmem:s18], [sflag:$0x1] =	stream.indirect.gather [hbm4b:s4+s29], $0x40, s2, s29, $0xb8;
	[tilespmem:$0x13000] =	vst v63  }
0x6a: {  	s12 =	simm.s32 $0x80  }
0x6b: {  	[tilespmem:s30], [sflag:$0x2] =	stream.indirect.gather [hbm4b:s4+s29], $0x40, s12, s29, $0xb8;
	[tilespmem:$0x13000] =	vst v63  }
0x6c: {  	_ =	swait.ge [sflag:s31], $0x2000  }
0x6d: {  	[sflag:s31] =	ssyncset.done $0x0  }
0x6e: {  	s23 =	simm.s32 $0x2800;
	[sflag:s31] =	ssyncadd.s32 $0xFFFFE000  }
0x6f: {  	[spmem:s1] =	stream.indirect.scatter.add.f32 [tilespmem:s18], [sflag:$0x3], $0x40, s23, s29, $0xb8;
	[tilespmem:$0x13000] =	vst v63  }
0x70: {  	p5 =	sle.u32 s7, $0x2;
	_ =	swait.ge [sflag:s28], $0x2000  }
0x71: {  	s12 =	simm.s32 @!p5 $0x100;
	[sflag:s28] =	ssyncset.done $0x0  }
0x72: {  	s13 =	simm.s32 @!p5 $0x80;
	s22 =	simm.s32 @!p5 $0x5000;
	[sflag:s28] =	ssyncadd.s32 $0xFFFFE000  }
0x73: {  	[tilespmem:s22], [sflag:$0x1] =	stream.indirect.gather @!p5 [hbm4b:s4+s13], $0x40, s12, s13, $0xb8;
	[tilespmem:$0x13000] =	vst v63  }
0x74: {  	s22 =	sadd.s32 $0xFFFFFFFF, s20  }
0x75: {  	p6 =	sne.s32 s22, $0x0  }
.Ltmp1:
0x76: {  	_ =	swait.ge [sflag:s0], $0x2000;
	(pc) =	sbr.rel @!p6 .LBB2_4-.Ltmp1, $4  }
0x77: {  	[sflag:s0] =	ssyncset.done $0x0  }
0x78: {  	s12 =	simm.s32 $0x2980;
	[sflag:s0] =	ssyncadd.s32 $0xFFFFE000  }
0x79: {  	[spmem:s1] =	stream.indirect.scatter.add.f32 [tilespmem:s30], [sflag:$0x3], $0x40, s5, s29, $0xb8;
	[tilespmem:$0x13000] =	vst v63  }
0x7a: {  	s13 =	simm.s32 $0x4;
	p5 =	por $0x1, $0x1;
	_ =	swait.ge [sflag:s28], $0x2000  }
.LBB2_3:
0x7b: {  	s22 =	sadd.s32 $0xFFFFFFFF, s22;
	s14 =	sadd.s32 $0xFFFFD800, s12;
	[sflag:s28] =	ssyncset.done $0x0  }
0x7c: {  	p6 =	sne.s32 s22, $0x0;
	[sflag:s28] =	ssyncadd.s32 $0xFFFFE000  }
0x7d: {  	[tilespmem:s30], [sflag:$0x2] =	stream.indirect.gather [hbm4b:s4+s29], $0x40, s14, s29, $0xb8;
	[tilespmem:$0x13000] =	vst v63  }
0x7e: {  	_ =	swait.ge [sflag:s31], $0x2000  }
0x7f: {  	s14 =	sadd.s32 $0xFFFFFF80, s12;
	[sflag:s31] =	ssyncset.done $0x0  }
0x80: {  	[sflag:s31] =	ssyncadd.s32 $0xFFFFE000  }
0x81: {  	[spmem:s1] =	stream.indirect.scatter.add.f32 [tilespmem:s18], [sflag:$0x3], $0x40, s14, s29, $0xb8;
	[tilespmem:$0x13000] =	vst v63  }
0x82: {  	p4 =	sge.u32 s13, s7;
	_ =	swait.ge [sflag:s28], $0x2000  }
0x83: {  	s23 =	simm.s32 @!p4 $0x80;
	s14 =	sadd.s32 @!p4 $0xFFFFD880, s12;
	[sflag:s28] =	ssyncset.done $0x0  }
0x84: {  	s16 =	simm.s32 @!p4 $0x5000;
	[sflag:s28] =	ssyncadd.s32 $0xFFFFE000  }
0x85: {  	[tilespmem:s16], [sflag:$0x1] =	stream.indirect.gather @!p4 [hbm4b:s4+s23], $0x40, s14, s23, $0xb8;
	[tilespmem:$0x13000] =	vst v63  }
.Ltmp2:
0x86: {  	_ =	swait.ge [sflag:s0], $0x2000;
	(pc) =	sbr.rel @p6 .LBB2_3-.Ltmp2, $4  }
0x87: {  	[sflag:s0] =	ssyncset.done $0x0  }
0x88: {  	[sflag:s0] =	ssyncadd.s32 $0xFFFFE000  }
0x89: {  	[spmem:s1] =	stream.indirect.scatter.add.f32 [tilespmem:s30], [sflag:$0x3], $0x40, s12, s29, $0xb8;
	[tilespmem:$0x13000] =	vst v63  }
0x8a: {  	s13 =	sadd.s32 $0x2, s13;
	s12 =	sadd.s32 $0x100, s12;
	_ =	swait.ge [sflag:s28], $0x2000  }
.LBB2_4:
0x8b: {  	[sflag:s28] =	ssyncset.done @p5 $0x0  }
0x8c: {  	s14 =	sadd.s32 $0xFFFFD800, s12;
	[sflag:s28] =	ssyncadd.s32 @p5 $0xFFFFE000  }
0x8d: {  	[tilespmem:s30], [sflag:$0x2] =	stream.indirect.gather [hbm4b:s4+s29], $0x40, s14, s29, $0xb8;
	[tilespmem:$0x13000] =	vst v63  }
0x8e: {  	_ =	swait.ge [sflag:s31], $0x2000  }
0x8f: {  	[sflag:s31] =	ssyncset.done $0x0  }
0x90: {  	s23 =	sadd.s32 $0xFFFFFF80, s12;
	[sflag:s31] =	ssyncadd.s32 $0xFFFFE000  }
0x91: {  	[spmem:s1] =	stream.indirect.scatter.add.f32 [tilespmem:s18], [sflag:$0x3], $0x40, s23, s29, $0xb8;
	[tilespmem:$0x13000] =	vst v63  }
0x92: {  	p4 =	sge.u32 s13, s7;
	_ =	swait.ge [sflag:s28], $0x2000  }
0x93: {  	s13 =	sadd.s32 @!p4 $0xFFFFD880, s12;
	[sflag:s28] =	ssyncset.done $0x0  }
0x94: {  	s16 =	simm.s32 @!p4 $0x5000;
	s14 =	simm.s32 @!p4 $0x80;
	[sflag:s28] =	ssyncadd.s32 $0xFFFFE000  }
0x95: {  	[tilespmem:s16], [sflag:$0x1] =	stream.indirect.gather @!p4 [hbm4b:s4+s14], $0x40, s13, s14, $0xb8;
	[tilespmem:$0x13000] =	vst v63  }
0x96: {  	_ =	swait.ge [sflag:s0], $0x2000  }
0x97: {  	[sflag:s0] =	ssyncset.done $0x0  }
0x98: {  	[sflag:s0] =	ssyncadd.s32 $0xFFFFE000  }
0x99: {  	[spmem:s1] =	stream.indirect.scatter.add.f32 [tilespmem:s30], [sflag:$0x3], $0x40, s12, s29, $0xb8;
	[tilespmem:$0x13000] =	vst v63  }
0x9a: {  	_ =	swait.ge [sflag:s28], $0x2000  }
0x9b: {  	[sflag:s28] =	ssyncset.done $0x0  }
0x9c: {  	[sflag:s28] =	ssyncadd.s32 $0xFFFFE000  }
0x9d: {  	[bflag:$0x0] =	sbarrier.arrive $0xFFFF  }
0x9e: {  	[tilespmem:s18], [sflag:$0x3] =	stream.linear.gather [spmem:s11], $0x2000, $0x38;
	[tilespmem:$0x13000] =	vst v63  }
0x9f: {  	_ =	swait.ge [sflag:s28], $0x2000  }
0xa0: {  	[sflag:s28] =	ssyncset.done $0x0  }
0xa1: {  	s13 =	rddreg [dreg:$0xc];
	[sflag:s28] =	ssyncadd.s32 $0xFFFFE000  }
0xa2: {  	[hbm4b:s13+s2] =	stream.linear.scatter [tilespmem:s18], [sflag:$0x3], $0x2000, $0x38;
	[tilespmem:$0x13000] =	vst v63  }
0xa3: {  	_ =	swait.ge [sflag:s28], $0x2000  }
0xa4: {  	[sflag:s28] =	ssyncset.done $0x0  }
0xa5: {  	[sflag:s28] =	ssyncadd.s32 $0xFFFFE000  }
0xa6: {  	[tilespmem:s18], [sflag:$0x3] =	stream.linear.gather [spmem:s15], $0x2000, $0x38;
	[tilespmem:$0x13000] =	vst v63  }
0xa7: {  	_ =	swait.ge [sflag:s28], $0x2000  }
0xa8: {  	[sflag:s28] =	ssyncset.done $0x0  }
0xa9: {  	s14 =	rddreg [dreg:$0xd];
	[sflag:s28] =	ssyncadd.s32 $0xFFFFE000  }
0xaa: {  	[hbm4b:s14+s2] =	stream.linear.scatter [tilespmem:s18], [sflag:$0x3], $0x2000, $0x38;
	[tilespmem:$0x13000] =	vst v63  }
0xab: {  	_ =	swait.ge [sflag:s28], $0x2000  }
0xac: {  	[sflag:s28] =	ssyncset.done $0x0  }
0xad: {  	[sflag:s28] =	ssyncadd.s32 $0xFFFFE000  }
0xae: {  	[tilespmem:s18], [sflag:$0x3] =	stream.linear.gather [spmem:s17], $0x2000, $0x38;
	[tilespmem:$0x13000] =	vst v63  }
0xaf: {  	_ =	swait.ge [sflag:s28], $0x2000  }
0xb0: {  	[sflag:s28] =	ssyncset.done $0x0  }
0xb1: {  	s16 =	rddreg [dreg:$0xe];
	[sflag:s28] =	ssyncadd.s32 $0xFFFFE000  }
0xb2: {  	[hbm4b:s16+s2] =	stream.linear.scatter [tilespmem:s18], [sflag:$0x3], $0x2000, $0x38;
	[tilespmem:$0x13000] =	vst v63  }
0xb3: {  	_ =	swait.ge [sflag:s28], $0x2000  }
0xb4: {  	[sflag:s28] =	ssyncset.done $0x0  }
0xb5: {  	[sflag:s28] =	ssyncadd.s32 $0xFFFFE000  }
0xb6: {  	[tilespmem:s18], [sflag:$0x3] =	stream.linear.gather [spmem:s19], $0x2000, $0x38;
	[tilespmem:$0x13000] =	vst v63  }
0xb7: {  	_ =	swait.ge [sflag:s28], $0x2000  }
0xb8: {  	[sflag:s28] =	ssyncset.done $0x0  }
0xb9: {  	s22 =	rddreg [dreg:$0xf];
	[sflag:s28] =	ssyncadd.s32 $0xFFFFE000  }
0xba: {  	[hbm4b:s22+s2] =	stream.linear.scatter [tilespmem:s18], [sflag:$0x3], $0x2000, $0x38;
	[tilespmem:$0x13000] =	vst v63  }
0xbb: {  	_ =	swait.ge [sflag:s28], $0x2000  }
0xbc: {  	[sflag:s28] =	ssyncset.done $0x0  }
0xbd: {  	[sflag:s28] =	ssyncadd.s32 $0xFFFFE000  }
0xbe: {  	[tilespmem:s18], [sflag:$0x3] =	stream.linear.gather [spmem:s21], $0x2000, $0x38;
	[tilespmem:$0x13000] =	vst v63  }
0xbf: {  	_ =	swait.ge [sflag:s28], $0x2000  }
0xc0: {  	[sflag:s28] =	ssyncset.done $0x0  }
0xc1: {  	s23 =	rddreg [dreg:$0x10];
	[sflag:s28] =	ssyncadd.s32 $0xFFFFE000  }
0xc2: {  	[hbm4b:s23+s2] =	stream.linear.scatter [tilespmem:s18], [sflag:$0x3], $0x2000, $0x38;
	[tilespmem:$0x13000] =	vst v63  }
0xc3: {  	_ =	swait.ge [sflag:s28], $0x2000  }
0xc4: {  	[sflag:s28] =	ssyncset.done $0x0  }
0xc5: {  	[sflag:s28] =	ssyncadd.s32 $0xFFFFE000  }
0xc6: {  	[bflag:$0x0] =	sbarrier.arrive $0xFFFF  }
0xc7: {  	s13 =	rddreg [dreg:$0x5]  }
0xc8: {  	s12 =	sadd.s32 s13, s9  }
0xc9: {  	[tilespmem:s18], [sflag:$0x3] =	stream.linear.gather [hbm4b:s12+s2], $0x2000, $0x38;
	[tilespmem:$0x13000] =	vst v63  }
0xca: {  	_ =	swait.ge [sflag:s28], $0x2000  }
0xcb: {  	[sflag:s28] =	ssyncset.done $0x0  }
0xcc: {  	[sflag:s28] =	ssyncadd.s32 $0xFFFFE000  }
0xcd: {  	[spmem:s11] =	stream.linear.scatter [tilespmem:s18], [sflag:$0x3], $0x2000, $0x38;
	[tilespmem:$0x13000] =	vst v63  }
0xce: {  	_ =	swait.ge [sflag:s28], $0x2000  }
0xcf: {  	[sflag:s28] =	ssyncset.done $0x0;
	s14 =	rddreg [dreg:$0x6]  }
0xd0: {  	[sflag:s28] =	ssyncadd.s32 $0xFFFFE000;
	s12 =	sadd.s32 s14, s9  }
0xd1: {  	[tilespmem:s18], [sflag:$0x3] =	stream.linear.gather [hbm4b:s12+s2], $0x2000, $0x38;
	[tilespmem:$0x13000] =	vst v63  }
0xd2: {  	_ =	swait.ge [sflag:s28], $0x2000  }
0xd3: {  	[sflag:s28] =	ssyncset.done $0x0  }
0xd4: {  	[sflag:s28] =	ssyncadd.s32 $0xFFFFE000  }
0xd5: {  	[spmem:s15] =	stream.linear.scatter [tilespmem:s18], [sflag:$0x3], $0x2000, $0x38;
	[tilespmem:$0x13000] =	vst v63  }
0xd6: {  	_ =	swait.ge [sflag:s28], $0x2000  }
0xd7: {  	[sflag:s28] =	ssyncset.done $0x0;
	s16 =	rddreg [dreg:$0x7]  }
0xd8: {  	[sflag:s28] =	ssyncadd.s32 $0xFFFFE000;
	s12 =	sadd.s32 s16, s9  }
0xd9: {  	[tilespmem:s18], [sflag:$0x3] =	stream.linear.gather [hbm4b:s12+s2], $0x2000, $0x38;
	[tilespmem:$0x13000] =	vst v63  }
0xda: {  	_ =	swait.ge [sflag:s28], $0x2000  }
0xdb: {  	[sflag:s28] =	ssyncset.done $0x0  }
0xdc: {  	[sflag:s28] =	ssyncadd.s32 $0xFFFFE000  }
0xdd: {  	[spmem:s17] =	stream.linear.scatter [tilespmem:s18], [sflag:$0x3], $0x2000, $0x38;
	[tilespmem:$0x13000] =	vst v63  }
0xde: {  	_ =	swait.ge [sflag:s28], $0x2000  }
0xdf: {  	[sflag:s28] =	ssyncset.done $0x0  }
0xe0: {  	s22 =	sadd.s32 s25, s9;
	[sflag:s28] =	ssyncadd.s32 $0xFFFFE000  }
0xe1: {  	[tilespmem:s18], [sflag:$0x3] =	stream.linear.gather [hbm4b:s22+s2], $0x2000, $0x38;
	[tilespmem:$0x13000] =	vst v63  }
0xe2: {  	_ =	swait.ge [sflag:s28], $0x2000  }
0xe3: {  	[sflag:s28] =	ssyncset.done $0x0  }
0xe4: {  	[sflag:s28] =	ssyncadd.s32 $0xFFFFE000  }
0xe5: {  	[spmem:s19] =	stream.linear.scatter [tilespmem:s18], [sflag:$0x3], $0x2000, $0x38;
	[tilespmem:$0x13000] =	vst v63  }
0xe6: {  	_ =	swait.ge [sflag:s28], $0x2000  }
0xe7: {  	[sflag:s28] =	ssyncset.done $0x0  }
0xe8: {  	s23 =	sadd.s32 s24, s9;
	[sflag:s28] =	ssyncadd.s32 $0xFFFFE000  }
0xe9: {  	[tilespmem:s18], [sflag:$0x3] =	stream.linear.gather [hbm4b:s23+s2], $0x2000, $0x38;
	[tilespmem:$0x13000] =	vst v63  }
0xea: {  	_ =	swait.ge [sflag:s28], $0x2000  }
0xeb: {  	[sflag:s28] =	ssyncset.done $0x0  }
0xec: {  	[sflag:s28] =	ssyncadd.s32 $0xFFFFE000  }
0xed: {  	[spmem:s21] =	stream.linear.scatter [tilespmem:s18], [sflag:$0x3], $0x2000, $0x38;
	[tilespmem:$0x13000] =	vst v63  }
.Ltmp3:
0xee: {  	_ =	swait.ge [sflag:s28], $0x2000;
	(pc) =	sbr.rel @!p3 .LBB2_5-.Ltmp3, $4  }
0xef: {  	[sflag:s28] =	ssyncset.done $0x0  }
0xf0: {  	[sflag:s28] =	ssyncadd.s32 $0xFFFFE000  }
0xf1: {  	s12 =	simm.s32 $0x2;
	[bflag:$0x0] =	sbarrier.arrive $0xFFFF  }
0xf2: {  	[tilespmem:s18], [sflag:$0x1] =	stream.indirect.gather [hbm4b:s9+s29], $0x40, s2, s29, $0xb8;
	[tilespmem:$0x13000] =	vst v63  }
0xf3: {  	s12 =	simm.s32 $0x80  }
0xf4: {  	[tilespmem:s30], [sflag:$0x2] =	stream.indirect.gather [hbm4b:s9+s29], $0x40, s12, s29, $0xb8;
	[tilespmem:$0x13000] =	vst v63  }
0xf5: {  	_ =	swait.ge [sflag:s31], $0x2000  }
0xf6: {  	[sflag:s31] =	ssyncset.done $0x0  }
0xf7: {  	s23 =	simm.s32 $0x2800;
	[sflag:s31] =	ssyncadd.s32 $0xFFFFE000  }
0xf8: {  	[spmem:s1] =	stream.indirect.scatter.add.f32 [tilespmem:s18], [sflag:$0x3], $0x40, s23, s29, $0xb8;
	[tilespmem:$0x13000] =	vst v63  }
0xf9: {  	p3 =	sle.u32 s7, $0x2;
	_ =	swait.ge [sflag:s28], $0x2000  }
0xfa: {  	s12 =	simm.s32 @!p3 $0x100;
	[sflag:s28] =	ssyncset.done $0x0  }
0xfb: {  	s13 =	simm.s32 @!p3 $0x80;
	s14 =	simm.s32 @!p3 $0x5000;
	[sflag:s28] =	ssyncadd.s32 $0xFFFFE000  }
0xfc: {  	[tilespmem:s14], [sflag:$0x1] =	stream.indirect.gather @!p3 [hbm4b:s9+s13], $0x40, s12, s13, $0xb8;
	[tilespmem:$0x13000] =	vst v63  }
0xfd: {  	s13 =	sadd.s32 $0xFFFFFFFF, s20  }
0xfe: {  	p4 =	sne.s32 s13, $0x0  }
.Ltmp4:
0xff: {  	_ =	swait.ge [sflag:s0], $0x2000;
	(pc) =	sbr.rel @!p4 .LBB2_8-.Ltmp4, $4  }
0x100: {  	[sflag:s0] =	ssyncset.done $0x0  }
0x101: {  	s12 =	simm.s32 $0x4;
	[sflag:s0] =	ssyncadd.s32 $0xFFFFE000  }
0x102: {  	[spmem:s1] =	stream.indirect.scatter.add.f32 [tilespmem:s30], [sflag:$0x3], $0x40, s5, s29, $0xb8;
	[tilespmem:$0x13000] =	vst v63  }
0x103: {  	p3 =	por $0x1, $0x1;
	s5 =	simm.s32 $0x2980;
	_ =	swait.ge [sflag:s28], $0x2000  }
.LBB2_7:
0x104: {  	s13 =	sadd.s32 $0xFFFFFFFF, s13;
	s14 =	sadd.s32 $0xFFFFD800, s5;
	[sflag:s28] =	ssyncset.done $0x0  }
0x105: {  	p4 =	sne.s32 s13, $0x0;
	[sflag:s28] =	ssyncadd.s32 $0xFFFFE000  }
0x106: {  	[tilespmem:s30], [sflag:$0x2] =	stream.indirect.gather [hbm4b:s9+s29], $0x40, s14, s29, $0xb8;
	[tilespmem:$0x13000] =	vst v63  }
0x107: {  	_ =	swait.ge [sflag:s31], $0x2000  }
0x108: {  	s14 =	sadd.s32 $0xFFFFFF80, s5;
	[sflag:s31] =	ssyncset.done $0x0  }
0x109: {  	[sflag:s31] =	ssyncadd.s32 $0xFFFFE000  }
0x10a: {  	[spmem:s1] =	stream.indirect.scatter.add.f32 [tilespmem:s18], [sflag:$0x3], $0x40, s14, s29, $0xb8;
	[tilespmem:$0x13000] =	vst v63  }
0x10b: {  	p5 =	sge.u32 s12, s7;
	_ =	swait.ge [sflag:s28], $0x2000  }
0x10c: {  	s16 =	simm.s32 @!p5 $0x80;
	s14 =	sadd.s32 @!p5 $0xFFFFD880, s5;
	[sflag:s28] =	ssyncset.done $0x0  }
0x10d: {  	s20 =	simm.s32 @!p5 $0x5000;
	[sflag:s28] =	ssyncadd.s32 $0xFFFFE000  }
0x10e: {  	[tilespmem:s20], [sflag:$0x1] =	stream.indirect.gather @!p5 [hbm4b:s9+s16], $0x40, s14, s16, $0xb8;
	[tilespmem:$0x13000] =	vst v63  }
.Ltmp5:
0x10f: {  	_ =	swait.ge [sflag:s0], $0x2000;
	(pc) =	sbr.rel @p4 .LBB2_7-.Ltmp5, $4  }
0x110: {  	[sflag:s0] =	ssyncset.done $0x0  }
0x111: {  	[sflag:s0] =	ssyncadd.s32 $0xFFFFE000  }
0x112: {  	[spmem:s1] =	stream.indirect.scatter.add.f32 [tilespmem:s30], [sflag:$0x3], $0x40, s5, s29, $0xb8;
	[tilespmem:$0x13000] =	vst v63  }
0x113: {  	s12 =	sadd.s32 $0x2, s12;
	s5 =	sadd.s32 $0x100, s5;
	_ =	swait.ge [sflag:s28], $0x2000  }
.LBB2_8:
0x114: {  	[sflag:s28] =	ssyncset.done @p3 $0x0  }
0x115: {  	s13 =	sadd.s32 $0xFFFFD800, s5;
	[sflag:s28] =	ssyncadd.s32 @p3 $0xFFFFE000  }
0x116: {  	[tilespmem:s30], [sflag:$0x2] =	stream.indirect.gather [hbm4b:s9+s29], $0x40, s13, s29, $0xb8;
	[tilespmem:$0x13000] =	vst v63  }
0x117: {  	_ =	swait.ge [sflag:s31], $0x2000  }
0x118: {  	[sflag:s31] =	ssyncset.done $0x0  }
0x119: {  	s23 =	sadd.s32 $0xFFFFFF80, s5;
	[sflag:s31] =	ssyncadd.s32 $0xFFFFE000  }
0x11a: {  	[spmem:s1] =	stream.indirect.scatter.add.f32 [tilespmem:s18], [sflag:$0x3], $0x40, s23, s29, $0xb8;
	[tilespmem:$0x13000] =	vst v63  }
0x11b: {  	p3 =	sge.u32 s12, s7;
	_ =	swait.ge [sflag:s28], $0x2000  }
0x11c: {  	s12 =	sadd.s32 @!p3 $0xFFFFD880, s5;
	[sflag:s28] =	ssyncset.done $0x0  }
0x11d: {  	s13 =	simm.s32 @!p3 $0x80;
	s14 =	simm.s32 @!p3 $0x5000;
	[sflag:s28] =	ssyncadd.s32 $0xFFFFE000  }
0x11e: {  	[tilespmem:s14], [sflag:$0x1] =	stream.indirect.gather @!p3 [hbm4b:s9+s13], $0x40, s12, s13, $0xb8;
	[tilespmem:$0x13000] =	vst v63  }
0x11f: {  	_ =	swait.ge [sflag:s0], $0x2000  }
0x120: {  	[sflag:s0] =	ssyncset.done $0x0  }
0x121: {  	[sflag:s0] =	ssyncadd.s32 $0xFFFFE000  }
0x122: {  	[spmem:s1] =	stream.indirect.scatter.add.f32 [tilespmem:s30], [sflag:$0x3], $0x40, s5, s29, $0xb8;
	[tilespmem:$0x13000] =	vst v63  }
0x123: {  	_ =	swait.ge [sflag:s28], $0x2000  }
0x124: {  	[sflag:s28] =	ssyncset.done $0x0  }
0x125: {  	[sflag:s28] =	ssyncadd.s32 $0xFFFFE000  }
0x126: {  	[bflag:$0x0] =	sbarrier.arrive $0xFFFF  }
0x127: {  	[tilespmem:s18], [sflag:$0x3] =	stream.linear.gather [spmem:s11], $0x2000, $0x38;
	[tilespmem:$0x13000] =	vst v63  }
0x128: {  	_ =	swait.ge [sflag:s28], $0x2000  }
0x129: {  	[sflag:s28] =	ssyncset.done $0x0;
	s13 =	rddreg [dreg:$0x8]  }
0x12a: {  	[sflag:s28] =	ssyncadd.s32 $0xFFFFE000;
	s5 =	sadd.s32 s13, s10  }
0x12b: {  	[hbm4b:s5+s2] =	stream.linear.scatter [tilespmem:s18], [sflag:$0x3], $0x2000, $0x38;
	[tilespmem:$0x13000] =	vst v63  }
0x12c: {  	_ =	swait.ge [sflag:s28], $0x2000  }
0x12d: {  	[sflag:s28] =	ssyncset.done $0x0  }
0x12e: {  	[sflag:s28] =	ssyncadd.s32 $0xFFFFE000  }
0x12f: {  	[tilespmem:s18], [sflag:$0x3] =	stream.linear.gather [spmem:s15], $0x2000, $0x38;
	[tilespmem:$0x13000] =	vst v63  }
0x130: {  	_ =	swait.ge [sflag:s28], $0x2000  }
0x131: {  	[sflag:s28] =	ssyncset.done $0x0;
	s14 =	rddreg [dreg:$0x9]  }
0x132: {  	[sflag:s28] =	ssyncadd.s32 $0xFFFFE000;
	s5 =	sadd.s32 s14, s10  }
0x133: {  	[hbm4b:s5+s2] =	stream.linear.scatter [tilespmem:s18], [sflag:$0x3], $0x2000, $0x38;
	[tilespmem:$0x13000] =	vst v63  }
0x134: {  	_ =	swait.ge [sflag:s28], $0x2000  }
0x135: {  	[sflag:s28] =	ssyncset.done $0x0  }
0x136: {  	[sflag:s28] =	ssyncadd.s32 $0xFFFFE000  }
0x137: {  	[tilespmem:s18], [sflag:$0x3] =	stream.linear.gather [spmem:s17], $0x2000, $0x38;
	[tilespmem:$0x13000] =	vst v63  }
0x138: {  	_ =	swait.ge [sflag:s28], $0x2000  }
0x139: {  	[sflag:s28] =	ssyncset.done $0x0;
	s16 =	rddreg [dreg:$0xa]  }
0x13a: {  	[sflag:s28] =	ssyncadd.s32 $0xFFFFE000;
	s5 =	sadd.s32 s16, s10  }
0x13b: {  	[hbm4b:s5+s2] =	stream.linear.scatter [tilespmem:s18], [sflag:$0x3], $0x2000, $0x38;
	[tilespmem:$0x13000] =	vst v63  }
0x13c: {  	_ =	swait.ge [sflag:s28], $0x2000  }
0x13d: {  	[sflag:s28] =	ssyncset.done $0x0  }
0x13e: {  	[sflag:s28] =	ssyncadd.s32 $0xFFFFE000  }
0x13f: {  	[tilespmem:s18], [sflag:$0x3] =	stream.linear.gather [spmem:s19], $0x2000, $0x38;
	[tilespmem:$0x13000] =	vst v63  }
0x140: {  	_ =	swait.ge [sflag:s28], $0x2000  }
0x141: {  	[sflag:s28] =	ssyncset.done $0x0;
	s20 =	rddreg [dreg:$0xb]  }
0x142: {  	[sflag:s28] =	ssyncadd.s32 $0xFFFFE000;
	s5 =	sadd.s32 s20, s10  }
0x143: {  	[hbm4b:s5+s2] =	stream.linear.scatter [tilespmem:s18], [sflag:$0x3], $0x2000, $0x38;
	[tilespmem:$0x13000] =	vst v63  }
0x144: {  	_ =	swait.ge [sflag:s28], $0x2000  }
0x145: {  	[sflag:s28] =	ssyncset.done $0x0  }
0x146: {  	[sflag:s28] =	ssyncadd.s32 $0xFFFFE000  }
0x147: {  	[tilespmem:s18], [sflag:$0x3] =	stream.linear.gather [spmem:s21], $0x2000, $0x38;
	[tilespmem:$0x13000] =	vst v63  }
0x148: {  	_ =	swait.ge [sflag:s28], $0x2000  }
0x149: {  	[sflag:s28] =	ssyncset.done $0x0  }
0x14a: {  	s22 =	sadd.s32 s26, s10;
	[sflag:s28] =	ssyncadd.s32 $0xFFFFE000  }
0x14b: {  	[hbm4b:s22+s2] =	stream.linear.scatter [tilespmem:s18], [sflag:$0x3], $0x2000, $0x38;
	[tilespmem:$0x13000] =	vst v63  }
0x14c: {  	_ =	swait.ge [sflag:s28], $0x2000  }
0x14d: {  	s3 =	sadd.s32 $0x1, s3;
	s23 =	rddreg [dreg:$0x4]  }
0x14e: {  	p3 =	sne.s32 s3, s23  }
.Ltmp6:
0x14f: {  	_ = 	snop;
	(pc) =	sbr.rel @p3 .LBB2_1-.Ltmp6, $4  }
.Ltmp7:
0x150: {  	[sflag:s28] =	ssyncset.done $0x0;
	(pc) =	sbr.rel @!p3 .LBB2_9-.Ltmp7, $4  }
0x151: {  	[sflag:s28] =	ssyncadd.s32 $0xFFFFE000  }
0x152: {  	[bflag:$0x0] =	sbarrier.arrive $0xFFFF  }
0x153: {  	_ = 	snop  }
0x154: {  	_ = 	snop  }
.LBB2_5:
.Ltmp8:
0x155: {  	(pc) =	sbr.rel .LBB2_8-.Ltmp8, $2  }
0x156: {  	_ =	sdelay $0x2  }
0x157: {  	p3 =	por $0x0, $0x0  }
.LBB2_9:
0x158: {  	_ =	sfence.sel $0x180000  }
0x159: {  	[bflag:$0x0] =	sbarrier.arrive $0xFFFF  }
0x15a: {  	_ =	strace $0x9000004A  }
0x15b: {  	s0 =	stileid.u32;
	[bflag:$0x2] =	sbarrier.arrive $0xFFFF  }
0x15c: {  	p0 =	sne.s32 s0, $0x0;
	s0 =	rddreg [dreg:$0x2]  }
0x15d: {  	s0 =	sadd.s32 @!p0 $0x100000, s0  }
0x15e: {  	[sflag:s0] =	ssyncadd.tile.s32 @!p0 $0x1;
	_ =	shalt  }
.Lfunc_end2:
_tile_overlayer_lowered:
.L_overlay_start_2:
0x15f: {  	(tag) =	ssettag $0x2  }
0x160: {  	s0 =	rddreg [dreg:$0x0];
	s2 =	stileid.u32  }
0x161: {  	s1 =	rddreg [dreg:$0x1];
	p0 =	sne.s32 s2, $0x0  }
0x162: {  	s3 =	rddreg [dreg:$0x2];
	[bflag:$0x3] =	sbarrier.arrive $0xFFFF;
	s2 =	simm.s32 @!p0 $0x1C03  }
0x163: {  	[timem:s3], [sflag:s2] =	dma.local @!p0 [hbm:s0], s1  }
0x164: {  	s0 =	simm.s32 @!p0 $0x3  }
0x165: {  	_ =	swait.ge @!p0 [sflag:s0], s1  }
0x166: {  	s1 =	ssub.s32 @!p0 $0x0, s1;
	[sflag:s0] =	ssyncset.done @!p0 $0x0  }
0x167: {  	[sflag:s0] =	ssyncadd.s32 @!p0 s1  }
0x168: {  	[bflag:$0x3] =	sbarrier.arrive $0xFFFF  }
0x169: {  	_ =	shalt  }

</sc_bundles>
